<compile_context>
chip_gen: v7x
topology: tpu7x:2x2x1
jax: 0.10.2.dev20260603
libtpu: 0.0.44.dev20260713+nightly
codegen_flags: <defaults>
</compile_context>

<pallas_src>
import functools

import jax
import jax.numpy as jnp
from jax import lax
from jax.experimental import pallas as pl
from jax.experimental.pallas import tpu as pltpu
from jax.experimental.pallas import tpu_sc as plsc

_NC = 2
_NS = 16
_NW = _NC * _NS
_C = 80
_SPARE = 128
_NB = 8


def _pad_edges(edge_index, n):
    e = edge_index.shape[1]
    quantum = _NW * _C
    e_pad = -(-e // quantum) * quantum
    if e_pad == e:
        return edge_index, e
    extra = e_pad - e
    dummy = jnp.stack([
        jnp.zeros((extra,), edge_index.dtype),
        n + (jnp.arange(extra, dtype=edge_index.dtype) % _SPARE),
    ])
    return jnp.concatenate([edge_index, dummy], axis=1), e_pad


def _acc_slabs(nacc):
    rpt = (nacc // _NS) // 8 * 8
    rem = nacc - _NS * rpt
    assert rem % 8 == 0
    return rpt, rem


def _zero_acc(zeros_hbm, acc, s, rpt, rem):
    pltpu.sync_copy(zeros_hbm.at[pl.ds(0, rpt)],
                    acc.at[pl.ds(s * rpt, rpt)])
    if rem:
        @pl.when(s == _NS - 1)
        def _():
            pltpu.sync_copy(zeros_hbm.at[pl.ds(0, rem)],
                            acc.at[pl.ds(_NS * rpt, rem)])


def _write_acc(acc, out_hbm, c, s, n):
    rpt, rem = _acc_slabs(n)
    pltpu.sync_copy(acc.at[pl.ds(s * rpt, rpt)],
                    out_hbm.at[c].at[pl.ds(s * rpt, rpt)])
    if rem:
        @pl.when(s == _NS - 1)
        def _():
            pltpu.sync_copy(acc.at[pl.ds(_NS * rpt, rem)],
                            out_hbm.at[c].at[pl.ds(_NS * rpt, rem)])


def _sc_scatter_sum(table, edge_index, zeros, n):
    d = table.shape[1]
    nacc = n + _SPARE
    e = edge_index.shape[1]
    assert e % _NW == 0
    epw = e // _NW
    assert epw % _C == 0
    nchunk = epw // _C
    tail = nchunk % _NB
    groups = nchunk // _NB
    assert nchunk >= _NB
    rpt, rem = _acc_slabs(nacc)

    mesh = plsc.VectorSubcoreMesh(core_axis_name="c", subcore_axis_name="s")

    @functools.partial(
        pl.kernel,
        mesh=mesh,
        name="sc_scatter_sum",
        out_type=jax.ShapeDtypeStruct((_NC, n, d), jnp.float32),
        scratch_types=[
            pltpu.VMEM((epw,), jnp.int32),
            pltpu.VMEM((epw,), jnp.int32),
            [pltpu.VMEM((_C, d), jnp.float32)] * _NB,
            [pltpu.SemaphoreType.DMA] * _NB,
            [pltpu.SemaphoreType.DMA] * _NB,
            pltpu.VMEM_SHARED((nacc, d), jnp.float32),
        ],
        compiler_params=pltpu.CompilerParams(use_tc_tiling_on_sc=False),
    )
    def k(table_hbm, ei_hbm, zeros_hbm, out_hbm,
          srcs, dsts, rows, gsem, ssem, acc):
        c = lax.axis_index("c")
        s = lax.axis_index("s")
        w = c * _NS + s

        pltpu.sync_copy(ei_hbm.at[0].at[pl.ds(w * epw, epw)], srcs)
        pltpu.sync_copy(ei_hbm.at[1].at[pl.ds(w * epw, epw)], dsts)
        _zero_acc(zeros_hbm, acc, s, rpt, rem)
        plsc.subcore_barrier()

        def fire_gather(i, b):
            pltpu.async_copy(
                table_hbm.at[srcs.at[pl.ds(i * _C, _C)]], rows[b], gsem[b])

        def wait_gather(i, b):
            pltpu.make_async_copy(
                table_hbm.at[srcs.at[pl.ds(i * _C, _C)]], rows[b], gsem[b]
            ).wait()

        def fire_scatter(i, b):
            pltpu.async_copy(
                rows[b], acc.at[dsts.at[pl.ds(i * _C, _C)]], ssem[b],
                add=True)

        def wait_scatter(i, b):
            pltpu.make_async_copy(
                rows[b], acc.at[dsts.at[pl.ds(i * _C, _C)]], ssem[b]
            ).wait()

        for b in range(_NB):
            fire_gather(b, b)

        @pl.loop(0, groups - 1)
        def _(g):
            i0 = g * _NB
            for b in range(_NB):
                i = i0 + b
                wait_gather(i, b)
                fire_scatter(i, b)
            for b in range(_NB):
                i = i0 + b
                wait_scatter(i, b)
                fire_gather(i + _NB, b)

        i0 = (groups - 1) * _NB
        for b in range(_NB):
            wait_gather(i0 + b, b)
            fire_scatter(i0 + b, b)
        for b in range(tail):
            wait_scatter(i0 + b, b)
            fire_gather(i0 + _NB + b, b)
        for b in range(tail):
            i = groups * _NB + b
            wait_gather(i, b)
            fire_scatter(i, b)
        for b in range(_NB):
            i = groups * _NB + b if b < tail else (groups - 1) * _NB + b
            wait_scatter(i, b)

        plsc.subcore_barrier()
        _write_acc(acc, out_hbm, c, s, n)

    return k(table, edge_index, zeros)


def _sc_degree(edge_index, zeros, n):
    nacc = n + _SPARE
    e = edge_index.shape[1]
    assert e % _NW == 0
    epw = e // _NW
    assert epw % _C == 0
    nchunk = epw // _C
    rpt, rem = _acc_slabs(nacc)
    opt, orem = _acc_slabs(n)

    mesh = plsc.VectorSubcoreMesh(core_axis_name="c", subcore_axis_name="s")

    @functools.partial(
        pl.kernel,
        mesh=mesh,
        name="sc_degree",
        out_type=jax.ShapeDtypeStruct((_NC, n), jnp.float32),
        scratch_types=[
            pltpu.VMEM((epw,), jnp.int32),
            pltpu.VMEM((_C,), jnp.float32),
            pltpu.VMEM_SHARED((nacc,), jnp.float32),
            pltpu.SemaphoreType.DMA,
        ],
        compiler_params=pltpu.CompilerParams(use_tc_tiling_on_sc=False),
    )
    def k(ei_hbm, zeros_hbm, out_hbm, dsts, ones, acc, ssem):
        c = lax.axis_index("c")
        s = lax.axis_index("s")
        w = c * _NS + s

        pltpu.sync_copy(ei_hbm.at[1].at[pl.ds(w * epw, epw)], dsts)

        @pl.loop(0, _C, step=16)
        def _(j):
            ones[pl.ds(j, 16)] = jnp.full((16,), 1.0, jnp.float32)

        pltpu.sync_copy(zeros_hbm.at[pl.ds(0, rpt)],
                        acc.at[pl.ds(s * rpt, rpt)])
        if rem:
            @pl.when(s == _NS - 1)
            def _():
                pltpu.sync_copy(zeros_hbm.at[pl.ds(0, rem)],
                                acc.at[pl.ds(_NS * rpt, rem)])
        plsc.subcore_barrier()

        @pl.loop(0, nchunk)
        def _(i):
            pltpu.async_copy(ones, acc.at[dsts.at[pl.ds(i * _C, _C)]],
                             ssem, add=True)

        @pl.loop(0, nchunk)
        def _(i):
            pltpu.make_async_copy(
                ones, acc.at[dsts.at[pl.ds(i * _C, _C)]], ssem).wait()

        plsc.subcore_barrier()
        pltpu.sync_copy(acc.at[pl.ds(s * opt, opt)],
                        out_hbm.at[c].at[pl.ds(s * opt, opt)])
        if orem:
            @pl.when(s == _NS - 1)
            def _():
                pltpu.sync_copy(acc.at[pl.ds(_NS * opt, orem)],
                                out_hbm.at[c].at[pl.ds(_NS * opt, orem)])

    return k(edge_index, zeros)


_BLK = 1000


def _tc_layer1(x, w1, degp):
    n, din = x.shape
    dh = w1.shape[1]

    def body(x_ref, w_ref, dp_ref, y_ref, dinv_ref):
        deg = dp_ref[0] + dp_ref[1] + 1.0
        dinv = jnp.reshape(lax.rsqrt(deg), (n, 1))
        dinvb = jnp.broadcast_to(dinv, (n, dh))
        dinv_ref[...] = dinvb
        xw = jnp.dot(x_ref[...], w_ref[...],
                     preferred_element_type=jnp.float32)
        y_ref[...] = xw * dinvb

    return pl.pallas_call(
        body,
        name="tc_layer1",
        out_shape=(
            jax.ShapeDtypeStruct((n, dh), jnp.float32),
            jax.ShapeDtypeStruct((n, dh), jnp.float32),
        ),
    )(x, w1, degp)


def _tc_mid(a_p, y1_p, dinv_p, b1_p):
    np2 = y1_p.shape[0]
    blk = 1000

    def body(a_ref, y_ref, dinv_ref, b_ref, u_ref):
        total = a_ref[0] + a_ref[1] + y_ref[...]
        h = jnp.maximum(dinv_ref[...] * total + b_ref[...], 0.0)
        u_ref[...] = dinv_ref[...] * h

    grid = np2 // blk
    return pl.pallas_call(
        body,
        name="tc_mid",
        grid=(grid,),
        in_specs=[
            pl.BlockSpec((_NC, blk, 128), lambda i: (0, i, 0)),
            pl.BlockSpec((blk, 128), lambda i: (i, 0)),
            pl.BlockSpec((blk, 128), lambda i: (i, 0)),
            pl.BlockSpec((1, 128), lambda i: (0, 0)),
        ],
        out_specs=pl.BlockSpec((blk, 128), lambda i: (i, 0)),
        out_shape=jax.ShapeDtypeStruct((np2, 128), jnp.float32),
    )(a_p, y1_p, dinv_p, b1_p)


def _tc_out(a_p, u_p, dinv_p, w2s, b2_p):
    np2 = u_p.shape[0]
    blk = 1000
    dout2 = w2s.shape[1]

    def body(a_ref, u_ref, dinv_ref, w_ref, b_ref, o_ref):
        m = dinv_ref[...] * (a_ref[0] + a_ref[1] + u_ref[...])
        o_ref[...] = jnp.dot(m, w_ref[...],
                             preferred_element_type=jnp.float32) + b_ref[...]

    grid = np2 // blk
    return pl.pallas_call(
        body,
        name="tc_out",
        grid=(grid,),
        in_specs=[
            pl.BlockSpec((_NC, blk, 128), lambda i: (0, i, 0)),
            pl.BlockSpec((blk, 128), lambda i: (i, 0)),
            pl.BlockSpec((blk, 128), lambda i: (i, 0)),
            pl.BlockSpec((128, dout2), lambda i: (0, 0)),
            pl.BlockSpec((1, dout2), lambda i: (0, 0)),
        ],
        out_specs=pl.BlockSpec((blk, dout2), lambda i: (i, 0)),
        out_shape=jax.ShapeDtypeStruct((np2, dout2), jnp.float32),
    )(a_p, u_p, dinv_p, w2s, b2_p)


def kernel(x, edge_index, W1, b1, W2, b2):
    n = x.shape[0]
    dh = W1.shape[1]

    ei, _ = _pad_edges(edge_index, n)

    rpt, rem = _acc_slabs(n + _SPARE)
    zrows = max(rpt, rem)
    zeros_h = jnp.zeros((zrows, dh), jnp.float32)
    zeros_d = jnp.zeros((zrows,), jnp.float32)

    degp = _sc_degree(ei, zeros_d, n)

    y1, dinvb = _tc_layer1(x, W1, degp)
    dinv_p = dinvb.reshape(n // 2, 2 * dh)
    y1_p = y1.reshape(n // 2, 2 * dh)
    a1 = _sc_scatter_sum(y1_p.reshape(n, dh), ei, zeros_h, n)
    u_p = _tc_mid(a1.reshape(_NC, n // 2, 2 * dh), y1_p, dinv_p,
                  jnp.concatenate([b1, b1]).reshape(1, 2 * dh))
    a2 = _sc_scatter_sum(u_p.reshape(n, dh), ei, zeros_h, n)

    dout = W2.shape[1]
    w2s = jnp.zeros((2 * dh, 2 * dout), jnp.float32)
    w2s = w2s.at[:dh, :dout].set(W2).at[dh:, dout:].set(W2)
    b2_p = jnp.concatenate([b2, b2]).reshape(1, 2 * dout)
    out_p = _tc_out(a2.reshape(_NC, n // 2, 2 * dh), u_p, dinv_p, w2s, b2_p)
    return out_p.reshape(n, dout)

# --- scband reference (transcript-rebuilt; emitter-appended) ---
"""Pipeline reference for scband-gnnmodel-6459630813849 (READ-ONLY COPY).

The authoritative reference and input builder live on the scoring server;
editing this copy changes nothing except your own understanding.
"""

import jax, jax.numpy as jnp
import numpy as np

N = 10000
E = 320000
D_IN = 128
D_HID = 64
D_OUT = 3


def setup_inputs(seed: int = 0) -> dict:
    key = jax.random.key(seed)
    k1, k2, k3, k4 = jax.random.split(key, 4)
    x = jax.random.normal(k1, (N, D_IN), dtype=jnp.float32)
    edge_index = jax.random.randint(k2, (2, E), 0, N, dtype=jnp.int32)
    W1 = jax.random.normal(k3, (D_IN, D_HID), dtype=jnp.float32) * (1.0 / np.sqrt(D_IN))
    b1 = jnp.zeros((D_HID,), dtype=jnp.float32)
    W2 = jax.random.normal(k4, (D_HID, D_OUT), dtype=jnp.float32) * (1.0 / np.sqrt(D_HID))
    b2 = jnp.zeros((D_OUT,), dtype=jnp.float32)
    return {"x": x, "edge_index": edge_index, "W1": W1, "b1": b1, "W2": W2, "b2": b2}


def gcn_conv(x, edge_index, W, b):
    # Faithful GCNConv: linear transform, add self-loops, symmetric deg normalization,
    # scatter-add aggregation to destination nodes, then bias.
    num_nodes = x.shape[0]
    xw = x @ W
    loop = jnp.arange(num_nodes, dtype=edge_index.dtype)
    src = jnp.concatenate([edge_index[0], loop])
    dst = jnp.concatenate([edge_index[1], loop])
    deg = jax.ops.segment_sum(jnp.ones(src.shape, dtype=xw.dtype), dst, num_segments=num_nodes)
    deg_inv_sqrt = jnp.where(deg > 0, 1.0 / jnp.sqrt(deg), 0.0)
    norm = deg_inv_sqrt[src] * deg_inv_sqrt[dst]
    msg = jnp.take(xw, src, axis=0) * norm[:, None]
    out = jax.ops.segment_sum(msg, dst, num_segments=num_nodes)
    return out + b


def reference(x, edge_index, W1, b1, W2, b2):
    h = gcn_conv(x, edge_index, W1, b1)
    h = jax.nn.relu(h)
    out = gcn_conv(h, edge_index, W2, b2)
    return out

if __name__ == "__main__":
    import jax
    _d = setup_inputs()
    print(jax.jit(kernel)(*tuple(_d.values())))

</pallas_src>

<mosaic_0001>
#map = affine_map<(d0, d1) -> (0, 0)>
#map1 = affine_map<(d0, d1) -> (0, 0, 0)>
module attributes {stable_mosaic.version = 14 : i64} {
  func.func @sc_scatter_sum(%arg0: i32, %arg1: i32, %arg2: memref<10000x64xf32, #tpu.memory_space<hbm>>, %arg3: memref<2x320000xi32, #tpu.memory_space<hbm>>, %arg4: memref<632x64xf32, #tpu.memory_space<hbm>>, %arg5: memref<2x10000x64xf32, #tpu.memory_space<hbm>>, %arg6: memref<10000xi32, #tpu.memory_space<vmem>>, %arg7: memref<10000xi32, #tpu.memory_space<vmem>>, %arg8: memref<80x64xf32, #tpu.memory_space<vmem>>, %arg9: memref<80x64xf32, #tpu.memory_space<vmem>>, %arg10: memref<80x64xf32, #tpu.memory_space<vmem>>, %arg11: memref<80x64xf32, #tpu.memory_space<vmem>>, %arg12: memref<80x64xf32, #tpu.memory_space<vmem>>, %arg13: memref<80x64xf32, #tpu.memory_space<vmem>>, %arg14: memref<80x64xf32, #tpu.memory_space<vmem>>, %arg15: memref<80x64xf32, #tpu.memory_space<vmem>>, %arg16: memref<!tpu.dma_semaphore, #tpu.memory_space<semaphore_mem>>, %arg17: memref<!tpu.dma_semaphore, #tpu.memory_space<semaphore_mem>>, %arg18: memref<!tpu.dma_semaphore, #tpu.memory_space<semaphore_mem>>, %arg19: memref<!tpu.dma_semaphore, #tpu.memory_space<semaphore_mem>>, %arg20: memref<!tpu.dma_semaphore, #tpu.memory_space<semaphore_mem>>, %arg21: memref<!tpu.dma_semaphore, #tpu.memory_space<semaphore_mem>>, %arg22: memref<!tpu.dma_semaphore, #tpu.memory_space<semaphore_mem>>, %arg23: memref<!tpu.dma_semaphore, #tpu.memory_space<semaphore_mem>>, %arg24: memref<!tpu.dma_semaphore, #tpu.memory_space<semaphore_mem>>, %arg25: memref<!tpu.dma_semaphore, #tpu.memory_space<semaphore_mem>>, %arg26: memref<!tpu.dma_semaphore, #tpu.memory_space<semaphore_mem>>, %arg27: memref<!tpu.dma_semaphore, #tpu.memory_space<semaphore_mem>>, %arg28: memref<!tpu.dma_semaphore, #tpu.memory_space<semaphore_mem>>, %arg29: memref<!tpu.dma_semaphore, #tpu.memory_space<semaphore_mem>>, %arg30: memref<!tpu.dma_semaphore, #tpu.memory_space<semaphore_mem>>, %arg31: memref<!tpu.dma_semaphore, #tpu.memory_space<semaphore_mem>>, %arg32: memref<10128x64xf32, #tpu.memory_space<vmem_shared>>) attributes {dimension_semantics = [#tpu.dimension_semantics<core_parallel>, #tpu.dimension_semantics<subcore_parallel>], iteration_bounds = array<i64: 2, 16>, scalar_prefetch = 0 : i64, scratch_operands = 27 : i64, tpu.core_type = #tpu.core_type<sc_vector_subcore>, window_params = [{transform_indices = #map}, {transform_indices = #map}, {transform_indices = #map}, {transform_indices = #map1}]} {
    %mul3A = arith.constant 16 : i32
    %mul3A_0 = arith.muli %arg0, %mul3A : i32
    %add3A = arith.addi %mul3A_0, %arg1 : i32
    %mul3A_1 = arith.constant 10000 : i32
    %mul3A_2 = arith.muli %add3A, %mul3A_1 : i32
    %run_scoped3A = arith.constant 0 : i32
    "tpu.region"() ({
      %run_scoped3A_282 = tpu.sem_alloc : memref<!tpu.dma_semaphore, #tpu.memory_space<semaphore_mem>>
      %dma_start3A_283 = arith.constant 0 : i32
      %dma_start3A_284 = tpu.memref_slice %arg3[%run_scoped3A, %dma_start3A_283] : memref<2x320000xi32, #tpu.memory_space<hbm>> -> memref<1x320000xi32, #tpu.memory_space<hbm>>
      %dma_start3A_285 = tpu.memref_squeeze %dma_start3A_284 : memref<1x320000xi32, #tpu.memory_space<hbm>> -> memref<320000xi32, #tpu.memory_space<hbm>>
      %dma_start3A_286 = tpu.memref_slice %dma_start3A_285[%mul3A_2] : memref<320000xi32, #tpu.memory_space<hbm>> -> memref<10000xi32, #tpu.memory_space<hbm>>
      %dma_start3A_287 = arith.constant 0 : i32
      %dma_start3A_288 = tpu.memref_slice %arg3[%run_scoped3A, %dma_start3A_287] : memref<2x320000xi32, #tpu.memory_space<hbm>> -> memref<1x320000xi32, #tpu.memory_space<hbm>>
      %dma_start3A_289 = tpu.memref_squeeze %dma_start3A_288 : memref<1x320000xi32, #tpu.memory_space<hbm>> -> memref<320000xi32, #tpu.memory_space<hbm>>
      %dma_start3A_290 = tpu.memref_slice %dma_start3A_289[%mul3A_2] : memref<320000xi32, #tpu.memory_space<hbm>> -> memref<10000xi32, #tpu.memory_space<hbm>>
      tpu.enqueue_dma source(%dma_start3A_290 : memref<10000xi32, #tpu.memory_space<hbm>>) target(%arg6 : memref<10000xi32, #tpu.memory_space<vmem>>) target_semaphore(%run_scoped3A_282 : memref<!tpu.dma_semaphore, #tpu.memory_space<semaphore_mem>>)
      %dma_wait3A_291 = arith.constant 0 : i32
      %dma_wait3A_292 = tpu.memref_slice %arg3[%run_scoped3A, %dma_wait3A_291] : memref<2x320000xi32, #tpu.memory_space<hbm>> -> memref<1x320000xi32, #tpu.memory_space<hbm>>
      %dma_wait3A_293 = tpu.memref_squeeze %dma_wait3A_292 : memref<1x320000xi32, #tpu.memory_space<hbm>> -> memref<320000xi32, #tpu.memory_space<hbm>>
      %dma_wait3A_294 = tpu.memref_slice %dma_wait3A_293[%mul3A_2] : memref<320000xi32, #tpu.memory_space<hbm>> -> memref<10000xi32, #tpu.memory_space<hbm>>
      %dma_wait3A_295 = arith.constant 0 : i32
      %dma_wait3A_296 = tpu.memref_slice %arg3[%run_scoped3A, %dma_wait3A_295] : memref<2x320000xi32, #tpu.memory_space<hbm>> -> memref<1x320000xi32, #tpu.memory_space<hbm>>
      %dma_wait3A_297 = tpu.memref_squeeze %dma_wait3A_296 : memref<1x320000xi32, #tpu.memory_space<hbm>> -> memref<320000xi32, #tpu.memory_space<hbm>>
      %dma_wait3A_298 = tpu.memref_slice %dma_wait3A_297[%mul3A_2] : memref<320000xi32, #tpu.memory_space<hbm>> -> memref<10000xi32, #tpu.memory_space<hbm>>
      tpu.wait_dma2 semaphore(%run_scoped3A_282 : memref<!tpu.dma_semaphore, #tpu.memory_space<semaphore_mem>>) src(%dma_wait3A_298 : memref<10000xi32, #tpu.memory_space<hbm>>) dst(%arg6 : memref<10000xi32, #tpu.memory_space<vmem>>)
      tpu.yield
    }) : () -> ()
    %mul3A_3 = arith.constant 10000 : i32
    %mul3A_4 = arith.muli %add3A, %mul3A_3 : i32
    %run_scoped3A_5 = arith.constant 1 : i32
    "tpu.region"() ({
      %run_scoped3A_282 = tpu.sem_alloc : memref<!tpu.dma_semaphore, #tpu.memory_space<semaphore_mem>>
      %dma_start3A_283 = arith.constant 0 : i32
      %dma_start3A_284 = tpu.memref_slice %arg3[%run_scoped3A_5, %dma_start3A_283] : memref<2x320000xi32, #tpu.memory_space<hbm>> -> memref<1x320000xi32, #tpu.memory_space<hbm>>
      %dma_start3A_285 = tpu.memref_squeeze %dma_start3A_284 : memref<1x320000xi32, #tpu.memory_space<hbm>> -> memref<320000xi32, #tpu.memory_space<hbm>>
      %dma_start3A_286 = tpu.memref_slice %dma_start3A_285[%mul3A_4] : memref<320000xi32, #tpu.memory_space<hbm>> -> memref<10000xi32, #tpu.memory_space<hbm>>
      %dma_start3A_287 = arith.constant 0 : i32
      %dma_start3A_288 = tpu.memref_slice %arg3[%run_scoped3A_5, %dma_start3A_287] : memref<2x320000xi32, #tpu.memory_space<hbm>> -> memref<1x320000xi32, #tpu.memory_space<hbm>>
      %dma_start3A_289 = tpu.memref_squeeze %dma_start3A_288 : memref<1x320000xi32, #tpu.memory_space<hbm>> -> memref<320000xi32, #tpu.memory_space<hbm>>
      %dma_start3A_290 = tpu.memref_slice %dma_start3A_289[%mul3A_4] : memref<320000xi32, #tpu.memory_space<hbm>> -> memref<10000xi32, #tpu.memory_space<hbm>>
      tpu.enqueue_dma source(%dma_start3A_290 : memref<10000xi32, #tpu.memory_space<hbm>>) target(%arg7 : memref<10000xi32, #tpu.memory_space<vmem>>) target_semaphore(%run_scoped3A_282 : memref<!tpu.dma_semaphore, #tpu.memory_space<semaphore_mem>>)
      %dma_wait3A_291 = arith.constant 0 : i32
      %dma_wait3A_292 = tpu.memref_slice %arg3[%run_scoped3A_5, %dma_wait3A_291] : memref<2x320000xi32, #tpu.memory_space<hbm>> -> memref<1x320000xi32, #tpu.memory_space<hbm>>
      %dma_wait3A_293 = tpu.memref_squeeze %dma_wait3A_292 : memref<1x320000xi32, #tpu.memory_space<hbm>> -> memref<320000xi32, #tpu.memory_space<hbm>>
      %dma_wait3A_294 = tpu.memref_slice %dma_wait3A_293[%mul3A_4] : memref<320000xi32, #tpu.memory_space<hbm>> -> memref<10000xi32, #tpu.memory_space<hbm>>
      %dma_wait3A_295 = arith.constant 0 : i32
      %dma_wait3A_296 = tpu.memref_slice %arg3[%run_scoped3A_5, %dma_wait3A_295] : memref<2x320000xi32, #tpu.memory_space<hbm>> -> memref<1x320000xi32, #tpu.memory_space<hbm>>
      %dma_wait3A_297 = tpu.memref_squeeze %dma_wait3A_296 : memref<1x320000xi32, #tpu.memory_space<hbm>> -> memref<320000xi32, #tpu.memory_space<hbm>>
      %dma_wait3A_298 = tpu.memref_slice %dma_wait3A_297[%mul3A_4] : memref<320000xi32, #tpu.memory_space<hbm>> -> memref<10000xi32, #tpu.memory_space<hbm>>
      tpu.wait_dma2 semaphore(%run_scoped3A_282 : memref<!tpu.dma_semaphore, #tpu.memory_space<semaphore_mem>>) src(%dma_wait3A_298 : memref<10000xi32, #tpu.memory_space<hbm>>) dst(%arg7 : memref<10000xi32, #tpu.memory_space<vmem>>)
      tpu.yield
    }) : () -> ()
    %mul3A_6 = arith.constant 632 : i32
    %mul3A_7 = arith.muli %arg1, %mul3A_6 : i32
    "tpu.region"() ({
      %run_scoped3A_282 = tpu.sem_alloc : memref<!tpu.dma_semaphore, #tpu.memory_space<semaphore_mem>>
      %dma_start3A_283 = arith.constant 0 : i32
      %dma_start3A_284 = tpu.memref_slice %arg32[%mul3A_7, %dma_start3A_283] : memref<10128x64xf32, #tpu.memory_space<vmem_shared>> -> memref<632x64xf32, #tpu.memory_space<vmem_shared>>
      %dma_start3A_285 = arith.constant 0 : i32
      %dma_start3A_286 = arith.constant 0 : i32
      %dma_start3A_287 = tpu.memref_slice %arg4[%dma_start3A_285, %dma_start3A_286] : memref<632x64xf32, #tpu.memory_space<hbm>> -> memref<632x64xf32, #tpu.memory_space<hbm>>
      tpu.enqueue_dma source(%dma_start3A_287 : memref<632x64xf32, #tpu.memory_space<hbm>>) target(%dma_start3A_284 : memref<632x64xf32, #tpu.memory_space<vmem_shared>>) target_semaphore(%run_scoped3A_282 : memref<!tpu.dma_semaphore, #tpu.memory_space<semaphore_mem>>)
      %dma_wait3A_288 = arith.constant 0 : i32
      %dma_wait3A_289 = tpu.memref_slice %arg32[%mul3A_7, %dma_wait3A_288] : memref<10128x64xf32, #tpu.memory_space<vmem_shared>> -> memref<632x64xf32, #tpu.memory_space<vmem_shared>>
      %dma_wait3A_290 = arith.constant 0 : i32
      %dma_wait3A_291 = arith.constant 0 : i32
      %dma_wait3A_292 = tpu.memref_slice %arg4[%dma_wait3A_290, %dma_wait3A_291] : memref<632x64xf32, #tpu.memory_space<hbm>> -> memref<632x64xf32, #tpu.memory_space<hbm>>
      tpu.wait_dma2 semaphore(%run_scoped3A_282 : memref<!tpu.dma_semaphore, #tpu.memory_space<semaphore_mem>>) src(%dma_wait3A_292 : memref<632x64xf32, #tpu.memory_space<hbm>>) dst(%dma_wait3A_289 : memref<632x64xf32, #tpu.memory_space<vmem_shared>>)
      tpu.yield
    }) : () -> ()
    %eq3A = arith.constant 15 : i32
    %eq3A_8 = arith.cmpi eq, %arg1, %eq3A : i32
    %convert_element_type3A = arith.extui %eq3A_8 : i1 to i32
    %cond3A = arith.constant 0 : i32
    %cond3A_9 = arith.cmpi ne, %convert_element_type3A, %cond3A : i32
    scf.if %cond3A_9 {
      "tpu.region"() ({
        %run_scoped3A_282 = tpu.sem_alloc : memref<!tpu.dma_semaphore, #tpu.memory_space<semaphore_mem>>
        %dma_start3A_283 = arith.constant 10112 : i32
        %dma_start3A_284 = arith.constant 0 : i32
        %dma_start3A_285 = tpu.memref_slice %arg32[%dma_start3A_283, %dma_start3A_284] : memref<10128x64xf32, #tpu.memory_space<vmem_shared>> -> memref<16x64xf32, #tpu.memory_space<vmem_shared>>
        %dma_start3A_286 = arith.constant 0 : i32
        %dma_start3A_287 = arith.constant 0 : i32
        %dma_start3A_288 = tpu.memref_slice %arg4[%dma_start3A_286, %dma_start3A_287] : memref<632x64xf32, #tpu.memory_space<hbm>> -> memref<16x64xf32, #tpu.memory_space<hbm>>
        tpu.enqueue_dma source(%dma_start3A_288 : memref<16x64xf32, #tpu.memory_space<hbm>>) target(%dma_start3A_285 : memref<16x64xf32, #tpu.memory_space<vmem_shared>>) target_semaphore(%run_scoped3A_282 : memref<!tpu.dma_semaphore, #tpu.memory_space<semaphore_mem>>)
        %dma_wait3A_289 = arith.constant 10112 : i32
        %dma_wait3A_290 = arith.constant 0 : i32
        %dma_wait3A_291 = tpu.memref_slice %arg32[%dma_wait3A_289, %dma_wait3A_290] : memref<10128x64xf32, #tpu.memory_space<vmem_shared>> -> memref<16x64xf32, #tpu.memory_space<vmem_shared>>
        %dma_wait3A_292 = arith.constant 0 : i32
        %dma_wait3A_293 = arith.constant 0 : i32
        %dma_wait3A_294 = tpu.memref_slice %arg4[%dma_wait3A_292, %dma_wait3A_293] : memref<632x64xf32, #tpu.memory_space<hbm>> -> memref<16x64xf32, #tpu.memory_space<hbm>>
        tpu.wait_dma2 semaphore(%run_scoped3A_282 : memref<!tpu.dma_semaphore, #tpu.memory_space<semaphore_mem>>) src(%dma_wait3A_294 : memref<16x64xf32, #tpu.memory_space<hbm>>) dst(%dma_wait3A_291 : memref<16x64xf32, #tpu.memory_space<vmem_shared>>)
        tpu.yield
      }) : () -> ()
    } else {
    }
    %barrier3A = arith.constant 0 : index
    tpu.barrier barrier_id(%barrier3A)
    %dma_start3A = arith.constant 0 : i32
    %dma_start3A_10 = tpu.memref_slice %arg6[%dma_start3A] : memref<10000xi32, #tpu.memory_space<vmem>> -> memref<80xi32, #tpu.memory_space<vmem>>
    %dma_start3A_11 = arith.constant 0 : i32
    %dma_start3A_12 = arith.constant 0 : i32
    %dma_start3A_13 = tpu.memref_slice %arg2[%dma_start3A_11, %dma_start3A_12] : memref<10000x64xf32, #tpu.memory_space<hbm>> -> memref<10000x64xf32, #tpu.memory_space<hbm>>
    tpu.enqueue_indirect_dma source(%dma_start3A_13 : memref<10000x64xf32, #tpu.memory_space<hbm>>) target(%arg8 : memref<80x64xf32, #tpu.memory_space<vmem>>) offsets(%dma_start3A_10 : memref<80xi32, #tpu.memory_space<vmem>>) semaphore(%arg16 : memref<!tpu.dma_semaphore, #tpu.memory_space<semaphore_mem>>)
    %dma_start3A_14 = arith.constant 80 : i32
    %dma_start3A_15 = tpu.memref_slice %arg6[%dma_start3A_14] : memref<10000xi32, #tpu.memory_space<vmem>> -> memref<80xi32, #tpu.memory_space<vmem>>
    %dma_start3A_16 = arith.constant 0 : i32
    %dma_start3A_17 = arith.constant 0 : i32
    %dma_start3A_18 = tpu.memref_slice %arg2[%dma_start3A_16, %dma_start3A_17] : memref<10000x64xf32, #tpu.memory_space<hbm>> -> memref<10000x64xf32, #tpu.memory_space<hbm>>
    tpu.enqueue_indirect_dma source(%dma_start3A_18 : memref<10000x64xf32, #tpu.memory_space<hbm>>) target(%arg9 : memref<80x64xf32, #tpu.memory_space<vmem>>) offsets(%dma_start3A_15 : memref<80xi32, #tpu.memory_space<vmem>>) semaphore(%arg17 : memref<!tpu.dma_semaphore, #tpu.memory_space<semaphore_mem>>)
    %dma_start3A_19 = arith.constant 160 : i32
    %dma_start3A_20 = tpu.memref_slice %arg6[%dma_start3A_19] : memref<10000xi32, #tpu.memory_space<vmem>> -> memref<80xi32, #tpu.memory_space<vmem>>
    %dma_start3A_21 = arith.constant 0 : i32
    %dma_start3A_22 = arith.constant 0 : i32
    %dma_start3A_23 = tpu.memref_slice %arg2[%dma_start3A_21, %dma_start3A_22] : memref<10000x64xf32, #tpu.memory_space<hbm>> -> memref<10000x64xf32, #tpu.memory_space<hbm>>
    tpu.enqueue_indirect_dma source(%dma_start3A_23 : memref<10000x64xf32, #tpu.memory_space<hbm>>) target(%arg10 : memref<80x64xf32, #tpu.memory_space<vmem>>) offsets(%dma_start3A_20 : memref<80xi32, #tpu.memory_space<vmem>>) semaphore(%arg18 : memref<!tpu.dma_semaphore, #tpu.memory_space<semaphore_mem>>)
    %dma_start3A_24 = arith.constant 240 : i32
    %dma_start3A_25 = tpu.memref_slice %arg6[%dma_start3A_24] : memref<10000xi32, #tpu.memory_space<vmem>> -> memref<80xi32, #tpu.memory_space<vmem>>
    %dma_start3A_26 = arith.constant 0 : i32
    %dma_start3A_27 = arith.constant 0 : i32
    %dma_start3A_28 = tpu.memref_slice %arg2[%dma_start3A_26, %dma_start3A_27] : memref<10000x64xf32, #tpu.memory_space<hbm>> -> memref<10000x64xf32, #tpu.memory_space<hbm>>
    tpu.enqueue_indirect_dma source(%dma_start3A_28 : memref<10000x64xf32, #tpu.memory_space<hbm>>) target(%arg11 : memref<80x64xf32, #tpu.memory_space<vmem>>) offsets(%dma_start3A_25 : memref<80xi32, #tpu.memory_space<vmem>>) semaphore(%arg19 : memref<!tpu.dma_semaphore, #tpu.memory_space<semaphore_mem>>)
    %dma_start3A_29 = arith.constant 320 : i32
    %dma_start3A_30 = tpu.memref_slice %arg6[%dma_start3A_29] : memref<10000xi32, #tpu.memory_space<vmem>> -> memref<80xi32, #tpu.memory_space<vmem>>
    %dma_start3A_31 = arith.constant 0 : i32
    %dma_start3A_32 = arith.constant 0 : i32
    %dma_start3A_33 = tpu.memref_slice %arg2[%dma_start3A_31, %dma_start3A_32] : memref<10000x64xf32, #tpu.memory_space<hbm>> -> memref<10000x64xf32, #tpu.memory_space<hbm>>
    tpu.enqueue_indirect_dma source(%dma_start3A_33 : memref<10000x64xf32, #tpu.memory_space<hbm>>) target(%arg12 : memref<80x64xf32, #tpu.memory_space<vmem>>) offsets(%dma_start3A_30 : memref<80xi32, #tpu.memory_space<vmem>>) semaphore(%arg20 : memref<!tpu.dma_semaphore, #tpu.memory_space<semaphore_mem>>)
    %dma_start3A_34 = arith.constant 400 : i32
    %dma_start3A_35 = tpu.memref_slice %arg6[%dma_start3A_34] : memref<10000xi32, #tpu.memory_space<vmem>> -> memref<80xi32, #tpu.memory_space<vmem>>
    %dma_start3A_36 = arith.constant 0 : i32
    %dma_start3A_37 = arith.constant 0 : i32
    %dma_start3A_38 = tpu.memref_slice %arg2[%dma_start3A_36, %dma_start3A_37] : memref<10000x64xf32, #tpu.memory_space<hbm>> -> memref<10000x64xf32, #tpu.memory_space<hbm>>
    tpu.enqueue_indirect_dma source(%dma_start3A_38 : memref<10000x64xf32, #tpu.memory_space<hbm>>) target(%arg13 : memref<80x64xf32, #tpu.memory_space<vmem>>) offsets(%dma_start3A_35 : memref<80xi32, #tpu.memory_space<vmem>>) semaphore(%arg21 : memref<!tpu.dma_semaphore, #tpu.memory_space<semaphore_mem>>)
    %dma_start3A_39 = arith.constant 480 : i32
    %dma_start3A_40 = tpu.memref_slice %arg6[%dma_start3A_39] : memref<10000xi32, #tpu.memory_space<vmem>> -> memref<80xi32, #tpu.memory_space<vmem>>
    %dma_start3A_41 = arith.constant 0 : i32
    %dma_start3A_42 = arith.constant 0 : i32
    %dma_start3A_43 = tpu.memref_slice %arg2[%dma_start3A_41, %dma_start3A_42] : memref<10000x64xf32, #tpu.memory_space<hbm>> -> memref<10000x64xf32, #tpu.memory_space<hbm>>
    tpu.enqueue_indirect_dma source(%dma_start3A_43 : memref<10000x64xf32, #tpu.memory_space<hbm>>) target(%arg14 : memref<80x64xf32, #tpu.memory_space<vmem>>) offsets(%dma_start3A_40 : memref<80xi32, #tpu.memory_space<vmem>>) semaphore(%arg22 : memref<!tpu.dma_semaphore, #tpu.memory_space<semaphore_mem>>)
    %dma_start3A_44 = arith.constant 560 : i32
    %dma_start3A_45 = tpu.memref_slice %arg6[%dma_start3A_44] : memref<10000xi32, #tpu.memory_space<vmem>> -> memref<80xi32, #tpu.memory_space<vmem>>
    %dma_start3A_46 = arith.constant 0 : i32
    %dma_start3A_47 = arith.constant 0 : i32
    %dma_start3A_48 = tpu.memref_slice %arg2[%dma_start3A_46, %dma_start3A_47] : memref<10000x64xf32, #tpu.memory_space<hbm>> -> memref<10000x64xf32, #tpu.memory_space<hbm>>
    tpu.enqueue_indirect_dma source(%dma_start3A_48 : memref<10000x64xf32, #tpu.memory_space<hbm>>) target(%arg15 : memref<80x64xf32, #tpu.memory_space<vmem>>) offsets(%dma_start3A_45 : memref<80xi32, #tpu.memory_space<vmem>>) semaphore(%arg23 : memref<!tpu.dma_semaphore, #tpu.memory_space<semaphore_mem>>)
    %scan3A = arith.constant 0 : i32
    %scan3A_49 = arith.constant 14 : i32
    %scan3A_50 = arith.addi %scan3A, %scan3A_49 : i32
    %scan3A_51 = arith.constant 1 : i32
    scf.for %scan3A_282 = %scan3A to %scan3A_50 step %scan3A_51  : i32 {
      %mul3A_283 = arith.constant 1 : i32
      %mul3A_284 = arith.muli %scan3A_282, %mul3A_283 : i32
      %add3A_285 = arith.constant 0 : i32
      %add3A_286 = arith.addi %add3A_285, %mul3A_284 : i32
      %mul3A_287 = arith.constant 8 : i32
      %mul3A_288 = arith.muli %add3A_286, %mul3A_287 : i32
      %add3A_289 = arith.constant 0 : i32
      %add3A_290 = arith.addi %mul3A_288, %add3A_289 : i32
      %mul3A_291 = arith.constant 80 : i32
      %mul3A_292 = arith.muli %add3A_290, %mul3A_291 : i32
      %dma_wait3A_293 = tpu.memref_slice %arg6[%mul3A_292] : memref<10000xi32, #tpu.memory_space<vmem>> -> memref<80xi32, #tpu.memory_space<vmem>>
      %dma_wait3A_294 = arith.constant 0 : i32
      %dma_wait3A_295 = arith.constant 0 : i32
      %dma_wait3A_296 = tpu.memref_slice %arg2[%dma_wait3A_294, %dma_wait3A_295] : memref<10000x64xf32, #tpu.memory_space<hbm>> -> memref<10000x64xf32, #tpu.memory_space<hbm>>
      tpu.wait_indirect_dma semaphore(%arg16 : memref<!tpu.dma_semaphore, #tpu.memory_space<semaphore_mem>>) src(%dma_wait3A_296 : memref<10000x64xf32, #tpu.memory_space<hbm>>) dst(%arg8 : memref<80x64xf32, #tpu.memory_space<vmem>>)
      %mul3A_297 = arith.constant 80 : i32
      %mul3A_298 = arith.muli %add3A_290, %mul3A_297 : i32
      %dma_start3A_299 = tpu.memref_slice %arg7[%mul3A_298] : memref<10000xi32, #tpu.memory_space<vmem>> -> memref<80xi32, #tpu.memory_space<vmem>>
      %dma_start3A_300 = arith.constant 0 : i32
      %dma_start3A_301 = arith.constant 0 : i32
      %dma_start3A_302 = tpu.memref_slice %arg32[%dma_start3A_300, %dma_start3A_301] : memref<10128x64xf32, #tpu.memory_space<vmem_shared>> -> memref<10128x64xf32, #tpu.memory_space<vmem_shared>>
      tpu.enqueue_indirect_dma source(%arg8 : memref<80x64xf32, #tpu.memory_space<vmem>>) target(%dma_start3A_302 : memref<10128x64xf32, #tpu.memory_space<vmem_shared>>) offsets(%dma_start3A_299 : memref<80xi32, #tpu.memory_space<vmem>>) semaphore(%arg24 : memref<!tpu.dma_semaphore, #tpu.memory_space<semaphore_mem>>) {add = true}
      %add3A_303 = arith.constant 1 : i32
      %add3A_304 = arith.addi %mul3A_288, %add3A_303 : i32
      %mul3A_305 = arith.constant 80 : i32
      %mul3A_306 = arith.muli %add3A_304, %mul3A_305 : i32
      %dma_wait3A_307 = tpu.memref_slice %arg6[%mul3A_306] : memref<10000xi32, #tpu.memory_space<vmem>> -> memref<80xi32, #tpu.memory_space<vmem>>
      %dma_wait3A_308 = arith.constant 0 : i32
      %dma_wait3A_309 = arith.constant 0 : i32
      %dma_wait3A_310 = tpu.memref_slice %arg2[%dma_wait3A_308, %dma_wait3A_309] : memref<10000x64xf32, #tpu.memory_space<hbm>> -> memref<10000x64xf32, #tpu.memory_space<hbm>>
      tpu.wait_indirect_dma semaphore(%arg17 : memref<!tpu.dma_semaphore, #tpu.memory_space<semaphore_mem>>) src(%dma_wait3A_310 : memref<10000x64xf32, #tpu.memory_space<hbm>>) dst(%arg9 : memref<80x64xf32, #tpu.memory_space<vmem>>)
      %mul3A_311 = arith.constant 80 : i32
      %mul3A_312 = arith.muli %add3A_304, %mul3A_311 : i32
      %dma_start3A_313 = tpu.memref_slice %arg7[%mul3A_312] : memref<10000xi32, #tpu.memory_space<vmem>> -> memref<80xi32, #tpu.memory_space<vmem>>
      %dma_start3A_314 = arith.constant 0 : i32
      %dma_start3A_315 = arith.constant 0 : i32
      %dma_start3A_316 = tpu.memref_slice %arg32[%dma_start3A_314, %dma_start3A_315] : memref<10128x64xf32, #tpu.memory_space<vmem_shared>> -> memref<10128x64xf32, #tpu.memory_space<vmem_shared>>
      tpu.enqueue_indirect_dma source(%arg9 : memref<80x64xf32, #tpu.memory_space<vmem>>) target(%dma_start3A_316 : memref<10128x64xf32, #tpu.memory_space<vmem_shared>>) offsets(%dma_start3A_313 : memref<80xi32, #tpu.memory_space<vmem>>) semaphore(%arg25 : memref<!tpu.dma_semaphore, #tpu.memory_space<semaphore_mem>>) {add = true}
      %add3A_317 = arith.constant 2 : i32
      %add3A_318 = arith.addi %mul3A_288, %add3A_317 : i32
      %mul3A_319 = arith.constant 80 : i32
      %mul3A_320 = arith.muli %add3A_318, %mul3A_319 : i32
      %dma_wait3A_321 = tpu.memref_slice %arg6[%mul3A_320] : memref<10000xi32, #tpu.memory_space<vmem>> -> memref<80xi32, #tpu.memory_space<vmem>>
      %dma_wait3A_322 = arith.constant 0 : i32
      %dma_wait3A_323 = arith.constant 0 : i32
      %dma_wait3A_324 = tpu.memref_slice %arg2[%dma_wait3A_322, %dma_wait3A_323] : memref<10000x64xf32, #tpu.memory_space<hbm>> -> memref<10000x64xf32, #tpu.memory_space<hbm>>
      tpu.wait_indirect_dma semaphore(%arg18 : memref<!tpu.dma_semaphore, #tpu.memory_space<semaphore_mem>>) src(%dma_wait3A_324 : memref<10000x64xf32, #tpu.memory_space<hbm>>) dst(%arg10 : memref<80x64xf32, #tpu.memory_space<vmem>>)
      %mul3A_325 = arith.constant 80 : i32
      %mul3A_326 = arith.muli %add3A_318, %mul3A_325 : i32
      %dma_start3A_327 = tpu.memref_slice %arg7[%mul3A_326] : memref<10000xi32, #tpu.memory_space<vmem>> -> memref<80xi32, #tpu.memory_space<vmem>>
      %dma_start3A_328 = arith.constant 0 : i32
      %dma_start3A_329 = arith.constant 0 : i32
      %dma_start3A_330 = tpu.memref_slice %arg32[%dma_start3A_328, %dma_start3A_329] : memref<10128x64xf32, #tpu.memory_space<vmem_shared>> -> memref<10128x64xf32, #tpu.memory_space<vmem_shared>>
      tpu.enqueue_indirect_dma source(%arg10 : memref<80x64xf32, #tpu.memory_space<vmem>>) target(%dma_start3A_330 : memref<10128x64xf32, #tpu.memory_space<vmem_shared>>) offsets(%dma_start3A_327 : memref<80xi32, #tpu.memory_space<vmem>>) semaphore(%arg26 : memref<!tpu.dma_semaphore, #tpu.memory_space<semaphore_mem>>) {add = true}
      %add3A_331 = arith.constant 3 : i32
      %add3A_332 = arith.addi %mul3A_288, %add3A_331 : i32
      %mul3A_333 = arith.constant 80 : i32
      %mul3A_334 = arith.muli %add3A_332, %mul3A_333 : i32
      %dma_wait3A_335 = tpu.memref_slice %arg6[%mul3A_334] : memref<10000xi32, #tpu.memory_space<vmem>> -> memref<80xi32, #tpu.memory_space<vmem>>
      %dma_wait3A_336 = arith.constant 0 : i32
      %dma_wait3A_337 = arith.constant 0 : i32
      %dma_wait3A_338 = tpu.memref_slice %arg2[%dma_wait3A_336, %dma_wait3A_337] : memref<10000x64xf32, #tpu.memory_space<hbm>> -> memref<10000x64xf32, #tpu.memory_space<hbm>>
      tpu.wait_indirect_dma semaphore(%arg19 : memref<!tpu.dma_semaphore, #tpu.memory_space<semaphore_mem>>) src(%dma_wait3A_338 : memref<10000x64xf32, #tpu.memory_space<hbm>>) dst(%arg11 : memref<80x64xf32, #tpu.memory_space<vmem>>)
      %mul3A_339 = arith.constant 80 : i32
      %mul3A_340 = arith.muli %add3A_332, %mul3A_339 : i32
      %dma_start3A_341 = tpu.memref_slice %arg7[%mul3A_340] : memref<10000xi32, #tpu.memory_space<vmem>> -> memref<80xi32, #tpu.memory_space<vmem>>
      %dma_start3A_342 = arith.constant 0 : i32
      %dma_start3A_343 = arith.constant 0 : i32
      %dma_start3A_344 = tpu.memref_slice %arg32[%dma_start3A_342, %dma_start3A_343] : memref<10128x64xf32, #tpu.memory_space<vmem_shared>> -> memref<10128x64xf32, #tpu.memory_space<vmem_shared>>
      tpu.enqueue_indirect_dma source(%arg11 : memref<80x64xf32, #tpu.memory_space<vmem>>) target(%dma_start3A_344 : memref<10128x64xf32, #tpu.memory_space<vmem_shared>>) offsets(%dma_start3A_341 : memref<80xi32, #tpu.memory_space<vmem>>) semaphore(%arg27 : memref<!tpu.dma_semaphore, #tpu.memory_space<semaphore_mem>>) {add = true}
      %add3A_345 = arith.constant 4 : i32
      %add3A_346 = arith.addi %mul3A_288, %add3A_345 : i32
      %mul3A_347 = arith.constant 80 : i32
      %mul3A_348 = arith.muli %add3A_346, %mul3A_347 : i32
      %dma_wait3A_349 = tpu.memref_slice %arg6[%mul3A_348] : memref<10000xi32, #tpu.memory_space<vmem>> -> memref<80xi32, #tpu.memory_space<vmem>>
      %dma_wait3A_350 = arith.constant 0 : i32
      %dma_wait3A_351 = arith.constant 0 : i32
      %dma_wait3A_352 = tpu.memref_slice %arg2[%dma_wait3A_350, %dma_wait3A_351] : memref<10000x64xf32, #tpu.memory_space<hbm>> -> memref<10000x64xf32, #tpu.memory_space<hbm>>
      tpu.wait_indirect_dma semaphore(%arg20 : memref<!tpu.dma_semaphore, #tpu.memory_space<semaphore_mem>>) src(%dma_wait3A_352 : memref<10000x64xf32, #tpu.memory_space<hbm>>) dst(%arg12 : memref<80x64xf32, #tpu.memory_space<vmem>>)
      %mul3A_353 = arith.constant 80 : i32
      %mul3A_354 = arith.muli %add3A_346, %mul3A_353 : i32
      %dma_start3A_355 = tpu.memref_slice %arg7[%mul3A_354] : memref<10000xi32, #tpu.memory_space<vmem>> -> memref<80xi32, #tpu.memory_space<vmem>>
      %dma_start3A_356 = arith.constant 0 : i32
      %dma_start3A_357 = arith.constant 0 : i32
      %dma_start3A_358 = tpu.memref_slice %arg32[%dma_start3A_356, %dma_start3A_357] : memref<10128x64xf32, #tpu.memory_space<vmem_shared>> -> memref<10128x64xf32, #tpu.memory_space<vmem_shared>>
      tpu.enqueue_indirect_dma source(%arg12 : memref<80x64xf32, #tpu.memory_space<vmem>>) target(%dma_start3A_358 : memref<10128x64xf32, #tpu.memory_space<vmem_shared>>) offsets(%dma_start3A_355 : memref<80xi32, #tpu.memory_space<vmem>>) semaphore(%arg28 : memref<!tpu.dma_semaphore, #tpu.memory_space<semaphore_mem>>) {add = true}
      %add3A_359 = arith.constant 5 : i32
      %add3A_360 = arith.addi %mul3A_288, %add3A_359 : i32
      %mul3A_361 = arith.constant 80 : i32
      %mul3A_362 = arith.muli %add3A_360, %mul3A_361 : i32
      %dma_wait3A_363 = tpu.memref_slice %arg6[%mul3A_362] : memref<10000xi32, #tpu.memory_space<vmem>> -> memref<80xi32, #tpu.memory_space<vmem>>
      %dma_wait3A_364 = arith.constant 0 : i32
      %dma_wait3A_365 = arith.constant 0 : i32
      %dma_wait3A_366 = tpu.memref_slice %arg2[%dma_wait3A_364, %dma_wait3A_365] : memref<10000x64xf32, #tpu.memory_space<hbm>> -> memref<10000x64xf32, #tpu.memory_space<hbm>>
      tpu.wait_indirect_dma semaphore(%arg21 : memref<!tpu.dma_semaphore, #tpu.memory_space<semaphore_mem>>) src(%dma_wait3A_366 : memref<10000x64xf32, #tpu.memory_space<hbm>>) dst(%arg13 : memref<80x64xf32, #tpu.memory_space<vmem>>)
      %mul3A_367 = arith.constant 80 : i32
      %mul3A_368 = arith.muli %add3A_360, %mul3A_367 : i32
      %dma_start3A_369 = tpu.memref_slice %arg7[%mul3A_368] : memref<10000xi32, #tpu.memory_space<vmem>> -> memref<80xi32, #tpu.memory_space<vmem>>
      %dma_start3A_370 = arith.constant 0 : i32
      %dma_start3A_371 = arith.constant 0 : i32
      %dma_start3A_372 = tpu.memref_slice %arg32[%dma_start3A_370, %dma_start3A_371] : memref<10128x64xf32, #tpu.memory_space<vmem_shared>> -> memref<10128x64xf32, #tpu.memory_space<vmem_shared>>
      tpu.enqueue_indirect_dma source(%arg13 : memref<80x64xf32, #tpu.memory_space<vmem>>) target(%dma_start3A_372 : memref<10128x64xf32, #tpu.memory_space<vmem_shared>>) offsets(%dma_start3A_369 : memref<80xi32, #tpu.memory_space<vmem>>) semaphore(%arg29 : memref<!tpu.dma_semaphore, #tpu.memory_space<semaphore_mem>>) {add = true}
      %add3A_373 = arith.constant 6 : i32
      %add3A_374 = arith.addi %mul3A_288, %add3A_373 : i32
      %mul3A_375 = arith.constant 80 : i32
      %mul3A_376 = arith.muli %add3A_374, %mul3A_375 : i32
      %dma_wait3A_377 = tpu.memref_slice %arg6[%mul3A_376] : memref<10000xi32, #tpu.memory_space<vmem>> -> memref<80xi32, #tpu.memory_space<vmem>>
      %dma_wait3A_378 = arith.constant 0 : i32
      %dma_wait3A_379 = arith.constant 0 : i32
      %dma_wait3A_380 = tpu.memref_slice %arg2[%dma_wait3A_378, %dma_wait3A_379] : memref<10000x64xf32, #tpu.memory_space<hbm>> -> memref<10000x64xf32, #tpu.memory_space<hbm>>
      tpu.wait_indirect_dma semaphore(%arg22 : memref<!tpu.dma_semaphore, #tpu.memory_space<semaphore_mem>>) src(%dma_wait3A_380 : memref<10000x64xf32, #tpu.memory_space<hbm>>) dst(%arg14 : memref<80x64xf32, #tpu.memory_space<vmem>>)
      %mul3A_381 = arith.constant 80 : i32
      %mul3A_382 = arith.muli %add3A_374, %mul3A_381 : i32
      %dma_start3A_383 = tpu.memref_slice %arg7[%mul3A_382] : memref<10000xi32, #tpu.memory_space<vmem>> -> memref<80xi32, #tpu.memory_space<vmem>>
      %dma_start3A_384 = arith.constant 0 : i32
      %dma_start3A_385 = arith.constant 0 : i32
      %dma_start3A_386 = tpu.memref_slice %arg32[%dma_start3A_384, %dma_start3A_385] : memref<10128x64xf32, #tpu.memory_space<vmem_shared>> -> memref<10128x64xf32, #tpu.memory_space<vmem_shared>>
      tpu.enqueue_indirect_dma source(%arg14 : memref<80x64xf32, #tpu.memory_space<vmem>>) target(%dma_start3A_386 : memref<10128x64xf32, #tpu.memory_space<vmem_shared>>) offsets(%dma_start3A_383 : memref<80xi32, #tpu.memory_space<vmem>>) semaphore(%arg30 : memref<!tpu.dma_semaphore, #tpu.memory_space<semaphore_mem>>) {add = true}
      %add3A_387 = arith.constant 7 : i32
      %add3A_388 = arith.addi %mul3A_288, %add3A_387 : i32
      %mul3A_389 = arith.constant 80 : i32
      %mul3A_390 = arith.muli %add3A_388, %mul3A_389 : i32
      %dma_wait3A_391 = tpu.memref_slice %arg6[%mul3A_390] : memref<10000xi32, #tpu.memory_space<vmem>> -> memref<80xi32, #tpu.memory_space<vmem>>
      %dma_wait3A_392 = arith.constant 0 : i32
      %dma_wait3A_393 = arith.constant 0 : i32
      %dma_wait3A_394 = tpu.memref_slice %arg2[%dma_wait3A_392, %dma_wait3A_393] : memref<10000x64xf32, #tpu.memory_space<hbm>> -> memref<10000x64xf32, #tpu.memory_space<hbm>>
      tpu.wait_indirect_dma semaphore(%arg23 : memref<!tpu.dma_semaphore, #tpu.memory_space<semaphore_mem>>) src(%dma_wait3A_394 : memref<10000x64xf32, #tpu.memory_space<hbm>>) dst(%arg15 : memref<80x64xf32, #tpu.memory_space<vmem>>)
      %mul3A_395 = arith.constant 80 : i32
      %mul3A_396 = arith.muli %add3A_388, %mul3A_395 : i32
      %dma_start3A_397 = tpu.memref_slice %arg7[%mul3A_396] : memref<10000xi32, #tpu.memory_space<vmem>> -> memref<80xi32, #tpu.memory_space<vmem>>
      %dma_start3A_398 = arith.constant 0 : i32
      %dma_start3A_399 = arith.constant 0 : i32
      %dma_start3A_400 = tpu.memref_slice %arg32[%dma_start3A_398, %dma_start3A_399] : memref<10128x64xf32, #tpu.memory_space<vmem_shared>> -> memref<10128x64xf32, #tpu.memory_space<vmem_shared>>
      tpu.enqueue_indirect_dma source(%arg15 : memref<80x64xf32, #tpu.memory_space<vmem>>) target(%dma_start3A_400 : memref<10128x64xf32, #tpu.memory_space<vmem_shared>>) offsets(%dma_start3A_397 : memref<80xi32, #tpu.memory_space<vmem>>) semaphore(%arg31 : memref<!tpu.dma_semaphore, #tpu.memory_space<semaphore_mem>>) {add = true}
      %add3A_401 = arith.constant 0 : i32
      %add3A_402 = arith.addi %mul3A_288, %add3A_401 : i32
      %mul3A_403 = arith.constant 80 : i32
      %mul3A_404 = arith.muli %add3A_402, %mul3A_403 : i32
      %dma_wait3A_405 = tpu.memref_slice %arg7[%mul3A_404] : memref<10000xi32, #tpu.memory_space<vmem>> -> memref<80xi32, #tpu.memory_space<vmem>>
      %dma_wait3A_406 = arith.constant 0 : i32
      %dma_wait3A_407 = arith.constant 0 : i32
      %dma_wait3A_408 = tpu.memref_slice %arg32[%dma_wait3A_406, %dma_wait3A_407] : memref<10128x64xf32, #tpu.memory_space<vmem_shared>> -> memref<10128x64xf32, #tpu.memory_space<vmem_shared>>
      tpu.wait_indirect_dma semaphore(%arg24 : memref<!tpu.dma_semaphore, #tpu.memory_space<semaphore_mem>>) src(%arg8 : memref<80x64xf32, #tpu.memory_space<vmem>>) dst(%dma_wait3A_408 : memref<10128x64xf32, #tpu.memory_space<vmem_shared>>)
      %add3A_409 = arith.constant 8 : i32
      %add3A_410 = arith.addi %add3A_402, %add3A_409 : i32
      %mul3A_411 = arith.constant 80 : i32
      %mul3A_412 = arith.muli %add3A_410, %mul3A_411 : i32
      %dma_start3A_413 = tpu.memref_slice %arg6[%mul3A_412] : memref<10000xi32, #tpu.memory_space<vmem>> -> memref<80xi32, #tpu.memory_space<vmem>>
      %dma_start3A_414 = arith.constant 0 : i32
      %dma_start3A_415 = arith.constant 0 : i32
      %dma_start3A_416 = tpu.memref_slice %arg2[%dma_start3A_414, %dma_start3A_415] : memref<10000x64xf32, #tpu.memory_space<hbm>> -> memref<10000x64xf32, #tpu.memory_space<hbm>>
      tpu.enqueue_indirect_dma source(%dma_start3A_416 : memref<10000x64xf32, #tpu.memory_space<hbm>>) target(%arg8 : memref<80x64xf32, #tpu.memory_space<vmem>>) offsets(%dma_start3A_413 : memref<80xi32, #tpu.memory_space<vmem>>) semaphore(%arg16 : memref<!tpu.dma_semaphore, #tpu.memory_space<semaphore_mem>>)
      %add3A_417 = arith.constant 1 : i32
      %add3A_418 = arith.addi %mul3A_288, %add3A_417 : i32
      %mul3A_419 = arith.constant 80 : i32
      %mul3A_420 = arith.muli %add3A_418, %mul3A_419 : i32
      %dma_wait3A_421 = tpu.memref_slice %arg7[%mul3A_420] : memref<10000xi32, #tpu.memory_space<vmem>> -> memref<80xi32, #tpu.memory_space<vmem>>
      %dma_wait3A_422 = arith.constant 0 : i32
      %dma_wait3A_423 = arith.constant 0 : i32
      %dma_wait3A_424 = tpu.memref_slice %arg32[%dma_wait3A_422, %dma_wait3A_423] : memref<10128x64xf32, #tpu.memory_space<vmem_shared>> -> memref<10128x64xf32, #tpu.memory_space<vmem_shared>>
      tpu.wait_indirect_dma semaphore(%arg25 : memref<!tpu.dma_semaphore, #tpu.memory_space<semaphore_mem>>) src(%arg9 : memref<80x64xf32, #tpu.memory_space<vmem>>) dst(%dma_wait3A_424 : memref<10128x64xf32, #tpu.memory_space<vmem_shared>>)
      %add3A_425 = arith.constant 8 : i32
      %add3A_426 = arith.addi %add3A_418, %add3A_425 : i32
      %mul3A_427 = arith.constant 80 : i32
      %mul3A_428 = arith.muli %add3A_426, %mul3A_427 : i32
      %dma_start3A_429 = tpu.memref_slice %arg6[%mul3A_428] : memref<10000xi32, #tpu.memory_space<vmem>> -> memref<80xi32, #tpu.memory_space<vmem>>
      %dma_start3A_430 = arith.constant 0 : i32
      %dma_start3A_431 = arith.constant 0 : i32
      %dma_start3A_432 = tpu.memref_slice %arg2[%dma_start3A_430, %dma_start3A_431] : memref<10000x64xf32, #tpu.memory_space<hbm>> -> memref<10000x64xf32, #tpu.memory_space<hbm>>
      tpu.enqueue_indirect_dma source(%dma_start3A_432 : memref<10000x64xf32, #tpu.memory_space<hbm>>) target(%arg9 : memref<80x64xf32, #tpu.memory_space<vmem>>) offsets(%dma_start3A_429 : memref<80xi32, #tpu.memory_space<vmem>>) semaphore(%arg17 : memref<!tpu.dma_semaphore, #tpu.memory_space<semaphore_mem>>)
      %add3A_433 = arith.constant 2 : i32
      %add3A_434 = arith.addi %mul3A_288, %add3A_433 : i32
      %mul3A_435 = arith.constant 80 : i32
      %mul3A_436 = arith.muli %add3A_434, %mul3A_435 : i32
      %dma_wait3A_437 = tpu.memref_slice %arg7[%mul3A_436] : memref<10000xi32, #tpu.memory_space<vmem>> -> memref<80xi32, #tpu.memory_space<vmem>>
      %dma_wait3A_438 = arith.constant 0 : i32
      %dma_wait3A_439 = arith.constant 0 : i32
      %dma_wait3A_440 = tpu.memref_slice %arg32[%dma_wait3A_438, %dma_wait3A_439] : memref<10128x64xf32, #tpu.memory_space<vmem_shared>> -> memref<10128x64xf32, #tpu.memory_space<vmem_shared>>
      tpu.wait_indirect_dma semaphore(%arg26 : memref<!tpu.dma_semaphore, #tpu.memory_space<semaphore_mem>>) src(%arg10 : memref<80x64xf32, #tpu.memory_space<vmem>>) dst(%dma_wait3A_440 : memref<10128x64xf32, #tpu.memory_space<vmem_shared>>)
      %add3A_441 = arith.constant 8 : i32
      %add3A_442 = arith.addi %add3A_434, %add3A_441 : i32
      %mul3A_443 = arith.constant 80 : i32
      %mul3A_444 = arith.muli %add3A_442, %mul3A_443 : i32
      %dma_start3A_445 = tpu.memref_slice %arg6[%mul3A_444] : memref<10000xi32, #tpu.memory_space<vmem>> -> memref<80xi32, #tpu.memory_space<vmem>>
      %dma_start3A_446 = arith.constant 0 : i32
      %dma_start3A_447 = arith.constant 0 : i32
      %dma_start3A_448 = tpu.memref_slice %arg2[%dma_start3A_446, %dma_start3A_447] : memref<10000x64xf32, #tpu.memory_space<hbm>> -> memref<10000x64xf32, #tpu.memory_space<hbm>>
      tpu.enqueue_indirect_dma source(%dma_start3A_448 : memref<10000x64xf32, #tpu.memory_space<hbm>>) target(%arg10 : memref<80x64xf32, #tpu.memory_space<vmem>>) offsets(%dma_start3A_445 : memref<80xi32, #tpu.memory_space<vmem>>) semaphore(%arg18 : memref<!tpu.dma_semaphore, #tpu.memory_space<semaphore_mem>>)
      %add3A_449 = arith.constant 3 : i32
      %add3A_450 = arith.addi %mul3A_288, %add3A_449 : i32
      %mul3A_451 = arith.constant 80 : i32
      %mul3A_452 = arith.muli %add3A_450, %mul3A_451 : i32
      %dma_wait3A_453 = tpu.memref_slice %arg7[%mul3A_452] : memref<10000xi32, #tpu.memory_space<vmem>> -> memref<80xi32, #tpu.memory_space<vmem>>
      %dma_wait3A_454 = arith.constant 0 : i32
      %dma_wait3A_455 = arith.constant 0 : i32
      %dma_wait3A_456 = tpu.memref_slice %arg32[%dma_wait3A_454, %dma_wait3A_455] : memref<10128x64xf32, #tpu.memory_space<vmem_shared>> -> memref<10128x64xf32, #tpu.memory_space<vmem_shared>>
      tpu.wait_indirect_dma semaphore(%arg27 : memref<!tpu.dma_semaphore, #tpu.memory_space<semaphore_mem>>) src(%arg11 : memref<80x64xf32, #tpu.memory_space<vmem>>) dst(%dma_wait3A_456 : memref<10128x64xf32, #tpu.memory_space<vmem_shared>>)
      %add3A_457 = arith.constant 8 : i32
      %add3A_458 = arith.addi %add3A_450, %add3A_457 : i32
      %mul3A_459 = arith.constant 80 : i32
      %mul3A_460 = arith.muli %add3A_458, %mul3A_459 : i32
      %dma_start3A_461 = tpu.memref_slice %arg6[%mul3A_460] : memref<10000xi32, #tpu.memory_space<vmem>> -> memref<80xi32, #tpu.memory_space<vmem>>
      %dma_start3A_462 = arith.constant 0 : i32
      %dma_start3A_463 = arith.constant 0 : i32
      %dma_start3A_464 = tpu.memref_slice %arg2[%dma_start3A_462, %dma_start3A_463] : memref<10000x64xf32, #tpu.memory_space<hbm>> -> memref<10000x64xf32, #tpu.memory_space<hbm>>
      tpu.enqueue_indirect_dma source(%dma_start3A_464 : memref<10000x64xf32, #tpu.memory_space<hbm>>) target(%arg11 : memref<80x64xf32, #tpu.memory_space<vmem>>) offsets(%dma_start3A_461 : memref<80xi32, #tpu.memory_space<vmem>>) semaphore(%arg19 : memref<!tpu.dma_semaphore, #tpu.memory_space<semaphore_mem>>)
      %add3A_465 = arith.constant 4 : i32
      %add3A_466 = arith.addi %mul3A_288, %add3A_465 : i32
      %mul3A_467 = arith.constant 80 : i32
      %mul3A_468 = arith.muli %add3A_466, %mul3A_467 : i32
      %dma_wait3A_469 = tpu.memref_slice %arg7[%mul3A_468] : memref<10000xi32, #tpu.memory_space<vmem>> -> memref<80xi32, #tpu.memory_space<vmem>>
      %dma_wait3A_470 = arith.constant 0 : i32
      %dma_wait3A_471 = arith.constant 0 : i32
      %dma_wait3A_472 = tpu.memref_slice %arg32[%dma_wait3A_470, %dma_wait3A_471] : memref<10128x64xf32, #tpu.memory_space<vmem_shared>> -> memref<10128x64xf32, #tpu.memory_space<vmem_shared>>
      tpu.wait_indirect_dma semaphore(%arg28 : memref<!tpu.dma_semaphore, #tpu.memory_space<semaphore_mem>>) src(%arg12 : memref<80x64xf32, #tpu.memory_space<vmem>>) dst(%dma_wait3A_472 : memref<10128x64xf32, #tpu.memory_space<vmem_shared>>)
      %add3A_473 = arith.constant 8 : i32
      %add3A_474 = arith.addi %add3A_466, %add3A_473 : i32
      %mul3A_475 = arith.constant 80 : i32
      %mul3A_476 = arith.muli %add3A_474, %mul3A_475 : i32
      %dma_start3A_477 = tpu.memref_slice %arg6[%mul3A_476] : memref<10000xi32, #tpu.memory_space<vmem>> -> memref<80xi32, #tpu.memory_space<vmem>>
      %dma_start3A_478 = arith.constant 0 : i32
      %dma_start3A_479 = arith.constant 0 : i32
      %dma_start3A_480 = tpu.memref_slice %arg2[%dma_start3A_478, %dma_start3A_479] : memref<10000x64xf32, #tpu.memory_space<hbm>> -> memref<10000x64xf32, #tpu.memory_space<hbm>>
      tpu.enqueue_indirect_dma source(%dma_start3A_480 : memref<10000x64xf32, #tpu.memory_space<hbm>>) target(%arg12 : memref<80x64xf32, #tpu.memory_space<vmem>>) offsets(%dma_start3A_477 : memref<80xi32, #tpu.memory_space<vmem>>) semaphore(%arg20 : memref<!tpu.dma_semaphore, #tpu.memory_space<semaphore_mem>>)
      %add3A_481 = arith.constant 5 : i32
      %add3A_482 = arith.addi %mul3A_288, %add3A_481 : i32
      %mul3A_483 = arith.constant 80 : i32
      %mul3A_484 = arith.muli %add3A_482, %mul3A_483 : i32
      %dma_wait3A_485 = tpu.memref_slice %arg7[%mul3A_484] : memref<10000xi32, #tpu.memory_space<vmem>> -> memref<80xi32, #tpu.memory_space<vmem>>
      %dma_wait3A_486 = arith.constant 0 : i32
      %dma_wait3A_487 = arith.constant 0 : i32
      %dma_wait3A_488 = tpu.memref_slice %arg32[%dma_wait3A_486, %dma_wait3A_487] : memref<10128x64xf32, #tpu.memory_space<vmem_shared>> -> memref<10128x64xf32, #tpu.memory_space<vmem_shared>>
      tpu.wait_indirect_dma semaphore(%arg29 : memref<!tpu.dma_semaphore, #tpu.memory_space<semaphore_mem>>) src(%arg13 : memref<80x64xf32, #tpu.memory_space<vmem>>) dst(%dma_wait3A_488 : memref<10128x64xf32, #tpu.memory_space<vmem_shared>>)
      %add3A_489 = arith.constant 8 : i32
      %add3A_490 = arith.addi %add3A_482, %add3A_489 : i32
      %mul3A_491 = arith.constant 80 : i32
      %mul3A_492 = arith.muli %add3A_490, %mul3A_491 : i32
      %dma_start3A_493 = tpu.memref_slice %arg6[%mul3A_492] : memref<10000xi32, #tpu.memory_space<vmem>> -> memref<80xi32, #tpu.memory_space<vmem>>
      %dma_start3A_494 = arith.constant 0 : i32
      %dma_start3A_495 = arith.constant 0 : i32
      %dma_start3A_496 = tpu.memref_slice %arg2[%dma_start3A_494, %dma_start3A_495] : memref<10000x64xf32, #tpu.memory_space<hbm>> -> memref<10000x64xf32, #tpu.memory_space<hbm>>
      tpu.enqueue_indirect_dma source(%dma_start3A_496 : memref<10000x64xf32, #tpu.memory_space<hbm>>) target(%arg13 : memref<80x64xf32, #tpu.memory_space<vmem>>) offsets(%dma_start3A_493 : memref<80xi32, #tpu.memory_space<vmem>>) semaphore(%arg21 : memref<!tpu.dma_semaphore, #tpu.memory_space<semaphore_mem>>)
      %add3A_497 = arith.constant 6 : i32
      %add3A_498 = arith.addi %mul3A_288, %add3A_497 : i32
      %mul3A_499 = arith.constant 80 : i32
      %mul3A_500 = arith.muli %add3A_498, %mul3A_499 : i32
      %dma_wait3A_501 = tpu.memref_slice %arg7[%mul3A_500] : memref<10000xi32, #tpu.memory_space<vmem>> -> memref<80xi32, #tpu.memory_space<vmem>>
      %dma_wait3A_502 = arith.constant 0 : i32
      %dma_wait3A_503 = arith.constant 0 : i32
      %dma_wait3A_504 = tpu.memref_slice %arg32[%dma_wait3A_502, %dma_wait3A_503] : memref<10128x64xf32, #tpu.memory_space<vmem_shared>> -> memref<10128x64xf32, #tpu.memory_space<vmem_shared>>
      tpu.wait_indirect_dma semaphore(%arg30 : memref<!tpu.dma_semaphore, #tpu.memory_space<semaphore_mem>>) src(%arg14 : memref<80x64xf32, #tpu.memory_space<vmem>>) dst(%dma_wait3A_504 : memref<10128x64xf32, #tpu.memory_space<vmem_shared>>)
      %add3A_505 = arith.constant 8 : i32
      %add3A_506 = arith.addi %add3A_498, %add3A_505 : i32
      %mul3A_507 = arith.constant 80 : i32
      %mul3A_508 = arith.muli %add3A_506, %mul3A_507 : i32
      %dma_start3A_509 = tpu.memref_slice %arg6[%mul3A_508] : memref<10000xi32, #tpu.memory_space<vmem>> -> memref<80xi32, #tpu.memory_space<vmem>>
      %dma_start3A_510 = arith.constant 0 : i32
      %dma_start3A_511 = arith.constant 0 : i32
      %dma_start3A_512 = tpu.memref_slice %arg2[%dma_start3A_510, %dma_start3A_511] : memref<10000x64xf32, #tpu.memory_space<hbm>> -> memref<10000x64xf32, #tpu.memory_space<hbm>>
      tpu.enqueue_indirect_dma source(%dma_start3A_512 : memref<10000x64xf32, #tpu.memory_space<hbm>>) target(%arg14 : memref<80x64xf32, #tpu.memory_space<vmem>>) offsets(%dma_start3A_509 : memref<80xi32, #tpu.memory_space<vmem>>) semaphore(%arg22 : memref<!tpu.dma_semaphore, #tpu.memory_space<semaphore_mem>>)
      %add3A_513 = arith.constant 7 : i32
      %add3A_514 = arith.addi %mul3A_288, %add3A_513 : i32
      %mul3A_515 = arith.constant 80 : i32
      %mul3A_516 = arith.muli %add3A_514, %mul3A_515 : i32
      %dma_wait3A_517 = tpu.memref_slice %arg7[%mul3A_516] : memref<10000xi32, #tpu.memory_space<vmem>> -> memref<80xi32, #tpu.memory_space<vmem>>
      %dma_wait3A_518 = arith.constant 0 : i32
      %dma_wait3A_519 = arith.constant 0 : i32
      %dma_wait3A_520 = tpu.memref_slice %arg32[%dma_wait3A_518, %dma_wait3A_519] : memref<10128x64xf32, #tpu.memory_space<vmem_shared>> -> memref<10128x64xf32, #tpu.memory_space<vmem_shared>>
      tpu.wait_indirect_dma semaphore(%arg31 : memref<!tpu.dma_semaphore, #tpu.memory_space<semaphore_mem>>) src(%arg15 : memref<80x64xf32, #tpu.memory_space<vmem>>) dst(%dma_wait3A_520 : memref<10128x64xf32, #tpu.memory_space<vmem_shared>>)
      %add3A_521 = arith.constant 8 : i32
      %add3A_522 = arith.addi %add3A_514, %add3A_521 : i32
      %mul3A_523 = arith.constant 80 : i32
      %mul3A_524 = arith.muli %add3A_522, %mul3A_523 : i32
      %dma_start3A_525 = tpu.memref_slice %arg6[%mul3A_524] : memref<10000xi32, #tpu.memory_space<vmem>> -> memref<80xi32, #tpu.memory_space<vmem>>
      %dma_start3A_526 = arith.constant 0 : i32
      %dma_start3A_527 = arith.constant 0 : i32
      %dma_start3A_528 = tpu.memref_slice %arg2[%dma_start3A_526, %dma_start3A_527] : memref<10000x64xf32, #tpu.memory_space<hbm>> -> memref<10000x64xf32, #tpu.memory_space<hbm>>
      tpu.enqueue_indirect_dma source(%dma_start3A_528 : memref<10000x64xf32, #tpu.memory_space<hbm>>) target(%arg15 : memref<80x64xf32, #tpu.memory_space<vmem>>) offsets(%dma_start3A_525 : memref<80xi32, #tpu.memory_space<vmem>>) semaphore(%arg23 : memref<!tpu.dma_semaphore, #tpu.memory_space<semaphore_mem>>)
    }
    %scan3A_52 = arith.constant 14 : i32
    %dma_wait3A = arith.constant 8960 : i32
    %dma_wait3A_53 = tpu.memref_slice %arg6[%dma_wait3A] : memref<10000xi32, #tpu.memory_space<vmem>> -> memref<80xi32, #tpu.memory_space<vmem>>
    %dma_wait3A_54 = arith.constant 0 : i32
    %dma_wait3A_55 = arith.constant 0 : i32
    %dma_wait3A_56 = tpu.memref_slice %arg2[%dma_wait3A_54, %dma_wait3A_55] : memref<10000x64xf32, #tpu.memory_space<hbm>> -> memref<10000x64xf32, #tpu.memory_space<hbm>>
    tpu.wait_indirect_dma semaphore(%arg16 : memref<!tpu.dma_semaphore, #tpu.memory_space<semaphore_mem>>) src(%dma_wait3A_56 : memref<10000x64xf32, #tpu.memory_space<hbm>>) dst(%arg8 : memref<80x64xf32, #tpu.memory_space<vmem>>)
    %dma_start3A_57 = arith.constant 8960 : i32
    %dma_start3A_58 = tpu.memref_slice %arg7[%dma_start3A_57] : memref<10000xi32, #tpu.memory_space<vmem>> -> memref<80xi32, #tpu.memory_space<vmem>>
    %dma_start3A_59 = arith.constant 0 : i32
    %dma_start3A_60 = arith.constant 0 : i32
    %dma_start3A_61 = tpu.memref_slice %arg32[%dma_start3A_59, %dma_start3A_60] : memref<10128x64xf32, #tpu.memory_space<vmem_shared>> -> memref<10128x64xf32, #tpu.memory_space<vmem_shared>>
    tpu.enqueue_indirect_dma source(%arg8 : memref<80x64xf32, #tpu.memory_space<vmem>>) target(%dma_start3A_61 : memref<10128x64xf32, #tpu.memory_space<vmem_shared>>) offsets(%dma_start3A_58 : memref<80xi32, #tpu.memory_space<vmem>>) semaphore(%arg24 : memref<!tpu.dma_semaphore, #tpu.memory_space<semaphore_mem>>) {add = true}
    %dma_wait3A_62 = arith.constant 9040 : i32
    %dma_wait3A_63 = tpu.memref_slice %arg6[%dma_wait3A_62] : memref<10000xi32, #tpu.memory_space<vmem>> -> memref<80xi32, #tpu.memory_space<vmem>>
    %dma_wait3A_64 = arith.constant 0 : i32
    %dma_wait3A_65 = arith.constant 0 : i32
    %dma_wait3A_66 = tpu.memref_slice %arg2[%dma_wait3A_64, %dma_wait3A_65] : memref<10000x64xf32, #tpu.memory_space<hbm>> -> memref<10000x64xf32, #tpu.memory_space<hbm>>
    tpu.wait_indirect_dma semaphore(%arg17 : memref<!tpu.dma_semaphore, #tpu.memory_space<semaphore_mem>>) src(%dma_wait3A_66 : memref<10000x64xf32, #tpu.memory_space<hbm>>) dst(%arg9 : memref<80x64xf32, #tpu.memory_space<vmem>>)
    %dma_start3A_67 = arith.constant 9040 : i32
    %dma_start3A_68 = tpu.memref_slice %arg7[%dma_start3A_67] : memref<10000xi32, #tpu.memory_space<vmem>> -> memref<80xi32, #tpu.memory_space<vmem>>
    %dma_start3A_69 = arith.constant 0 : i32
    %dma_start3A_70 = arith.constant 0 : i32
    %dma_start3A_71 = tpu.memref_slice %arg32[%dma_start3A_69, %dma_start3A_70] : memref<10128x64xf32, #tpu.memory_space<vmem_shared>> -> memref<10128x64xf32, #tpu.memory_space<vmem_shared>>
    tpu.enqueue_indirect_dma source(%arg9 : memref<80x64xf32, #tpu.memory_space<vmem>>) target(%dma_start3A_71 : memref<10128x64xf32, #tpu.memory_space<vmem_shared>>) offsets(%dma_start3A_68 : memref<80xi32, #tpu.memory_space<vmem>>) semaphore(%arg25 : memref<!tpu.dma_semaphore, #tpu.memory_space<semaphore_mem>>) {add = true}
    %dma_wait3A_72 = arith.constant 9120 : i32
    %dma_wait3A_73 = tpu.memref_slice %arg6[%dma_wait3A_72] : memref<10000xi32, #tpu.memory_space<vmem>> -> memref<80xi32, #tpu.memory_space<vmem>>
    %dma_wait3A_74 = arith.constant 0 : i32
    %dma_wait3A_75 = arith.constant 0 : i32
    %dma_wait3A_76 = tpu.memref_slice %arg2[%dma_wait3A_74, %dma_wait3A_75] : memref<10000x64xf32, #tpu.memory_space<hbm>> -> memref<10000x64xf32, #tpu.memory_space<hbm>>
    tpu.wait_indirect_dma semaphore(%arg18 : memref<!tpu.dma_semaphore, #tpu.memory_space<semaphore_mem>>) src(%dma_wait3A_76 : memref<10000x64xf32, #tpu.memory_space<hbm>>) dst(%arg10 : memref<80x64xf32, #tpu.memory_space<vmem>>)
    %dma_start3A_77 = arith.constant 9120 : i32
    %dma_start3A_78 = tpu.memref_slice %arg7[%dma_start3A_77] : memref<10000xi32, #tpu.memory_space<vmem>> -> memref<80xi32, #tpu.memory_space<vmem>>
    %dma_start3A_79 = arith.constant 0 : i32
    %dma_start3A_80 = arith.constant 0 : i32
    %dma_start3A_81 = tpu.memref_slice %arg32[%dma_start3A_79, %dma_start3A_80] : memref<10128x64xf32, #tpu.memory_space<vmem_shared>> -> memref<10128x64xf32, #tpu.memory_space<vmem_shared>>
    tpu.enqueue_indirect_dma source(%arg10 : memref<80x64xf32, #tpu.memory_space<vmem>>) target(%dma_start3A_81 : memref<10128x64xf32, #tpu.memory_space<vmem_shared>>) offsets(%dma_start3A_78 : memref<80xi32, #tpu.memory_space<vmem>>) semaphore(%arg26 : memref<!tpu.dma_semaphore, #tpu.memory_space<semaphore_mem>>) {add = true}
    %dma_wait3A_82 = arith.constant 9200 : i32
    %dma_wait3A_83 = tpu.memref_slice %arg6[%dma_wait3A_82] : memref<10000xi32, #tpu.memory_space<vmem>> -> memref<80xi32, #tpu.memory_space<vmem>>
    %dma_wait3A_84 = arith.constant 0 : i32
    %dma_wait3A_85 = arith.constant 0 : i32
    %dma_wait3A_86 = tpu.memref_slice %arg2[%dma_wait3A_84, %dma_wait3A_85] : memref<10000x64xf32, #tpu.memory_space<hbm>> -> memref<10000x64xf32, #tpu.memory_space<hbm>>
    tpu.wait_indirect_dma semaphore(%arg19 : memref<!tpu.dma_semaphore, #tpu.memory_space<semaphore_mem>>) src(%dma_wait3A_86 : memref<10000x64xf32, #tpu.memory_space<hbm>>) dst(%arg11 : memref<80x64xf32, #tpu.memory_space<vmem>>)
    %dma_start3A_87 = arith.constant 9200 : i32
    %dma_start3A_88 = tpu.memref_slice %arg7[%dma_start3A_87] : memref<10000xi32, #tpu.memory_space<vmem>> -> memref<80xi32, #tpu.memory_space<vmem>>
    %dma_start3A_89 = arith.constant 0 : i32
    %dma_start3A_90 = arith.constant 0 : i32
    %dma_start3A_91 = tpu.memref_slice %arg32[%dma_start3A_89, %dma_start3A_90] : memref<10128x64xf32, #tpu.memory_space<vmem_shared>> -> memref<10128x64xf32, #tpu.memory_space<vmem_shared>>
    tpu.enqueue_indirect_dma source(%arg11 : memref<80x64xf32, #tpu.memory_space<vmem>>) target(%dma_start3A_91 : memref<10128x64xf32, #tpu.memory_space<vmem_shared>>) offsets(%dma_start3A_88 : memref<80xi32, #tpu.memory_space<vmem>>) semaphore(%arg27 : memref<!tpu.dma_semaphore, #tpu.memory_space<semaphore_mem>>) {add = true}
    %dma_wait3A_92 = arith.constant 9280 : i32
    %dma_wait3A_93 = tpu.memref_slice %arg6[%dma_wait3A_92] : memref<10000xi32, #tpu.memory_space<vmem>> -> memref<80xi32, #tpu.memory_space<vmem>>
    %dma_wait3A_94 = arith.constant 0 : i32
    %dma_wait3A_95 = arith.constant 0 : i32
    %dma_wait3A_96 = tpu.memref_slice %arg2[%dma_wait3A_94, %dma_wait3A_95] : memref<10000x64xf32, #tpu.memory_space<hbm>> -> memref<10000x64xf32, #tpu.memory_space<hbm>>
    tpu.wait_indirect_dma semaphore(%arg20 : memref<!tpu.dma_semaphore, #tpu.memory_space<semaphore_mem>>) src(%dma_wait3A_96 : memref<10000x64xf32, #tpu.memory_space<hbm>>) dst(%arg12 : memref<80x64xf32, #tpu.memory_space<vmem>>)
    %dma_start3A_97 = arith.constant 9280 : i32
    %dma_start3A_98 = tpu.memref_slice %arg7[%dma_start3A_97] : memref<10000xi32, #tpu.memory_space<vmem>> -> memref<80xi32, #tpu.memory_space<vmem>>
    %dma_start3A_99 = arith.constant 0 : i32
    %dma_start3A_100 = arith.constant 0 : i32
    %dma_start3A_101 = tpu.memref_slice %arg32[%dma_start3A_99, %dma_start3A_100] : memref<10128x64xf32, #tpu.memory_space<vmem_shared>> -> memref<10128x64xf32, #tpu.memory_space<vmem_shared>>
    tpu.enqueue_indirect_dma source(%arg12 : memref<80x64xf32, #tpu.memory_space<vmem>>) target(%dma_start3A_101 : memref<10128x64xf32, #tpu.memory_space<vmem_shared>>) offsets(%dma_start3A_98 : memref<80xi32, #tpu.memory_space<vmem>>) semaphore(%arg28 : memref<!tpu.dma_semaphore, #tpu.memory_space<semaphore_mem>>) {add = true}
    %dma_wait3A_102 = arith.constant 9360 : i32
    %dma_wait3A_103 = tpu.memref_slice %arg6[%dma_wait3A_102] : memref<10000xi32, #tpu.memory_space<vmem>> -> memref<80xi32, #tpu.memory_space<vmem>>
    %dma_wait3A_104 = arith.constant 0 : i32
    %dma_wait3A_105 = arith.constant 0 : i32
    %dma_wait3A_106 = tpu.memref_slice %arg2[%dma_wait3A_104, %dma_wait3A_105] : memref<10000x64xf32, #tpu.memory_space<hbm>> -> memref<10000x64xf32, #tpu.memory_space<hbm>>
    tpu.wait_indirect_dma semaphore(%arg21 : memref<!tpu.dma_semaphore, #tpu.memory_space<semaphore_mem>>) src(%dma_wait3A_106 : memref<10000x64xf32, #tpu.memory_space<hbm>>) dst(%arg13 : memref<80x64xf32, #tpu.memory_space<vmem>>)
    %dma_start3A_107 = arith.constant 9360 : i32
    %dma_start3A_108 = tpu.memref_slice %arg7[%dma_start3A_107] : memref<10000xi32, #tpu.memory_space<vmem>> -> memref<80xi32, #tpu.memory_space<vmem>>
    %dma_start3A_109 = arith.constant 0 : i32
    %dma_start3A_110 = arith.constant 0 : i32
    %dma_start3A_111 = tpu.memref_slice %arg32[%dma_start3A_109, %dma_start3A_110] : memref<10128x64xf32, #tpu.memory_space<vmem_shared>> -> memref<10128x64xf32, #tpu.memory_space<vmem_shared>>
    tpu.enqueue_indirect_dma source(%arg13 : memref<80x64xf32, #tpu.memory_space<vmem>>) target(%dma_start3A_111 : memref<10128x64xf32, #tpu.memory_space<vmem_shared>>) offsets(%dma_start3A_108 : memref<80xi32, #tpu.memory_space<vmem>>) semaphore(%arg29 : memref<!tpu.dma_semaphore, #tpu.memory_space<semaphore_mem>>) {add = true}
    %dma_wait3A_112 = arith.constant 9440 : i32
    %dma_wait3A_113 = tpu.memref_slice %arg6[%dma_wait3A_112] : memref<10000xi32, #tpu.memory_space<vmem>> -> memref<80xi32, #tpu.memory_space<vmem>>
    %dma_wait3A_114 = arith.constant 0 : i32
    %dma_wait3A_115 = arith.constant 0 : i32
    %dma_wait3A_116 = tpu.memref_slice %arg2[%dma_wait3A_114, %dma_wait3A_115] : memref<10000x64xf32, #tpu.memory_space<hbm>> -> memref<10000x64xf32, #tpu.memory_space<hbm>>
    tpu.wait_indirect_dma semaphore(%arg22 : memref<!tpu.dma_semaphore, #tpu.memory_space<semaphore_mem>>) src(%dma_wait3A_116 : memref<10000x64xf32, #tpu.memory_space<hbm>>) dst(%arg14 : memref<80x64xf32, #tpu.memory_space<vmem>>)
    %dma_start3A_117 = arith.constant 9440 : i32
    %dma_start3A_118 = tpu.memref_slice %arg7[%dma_start3A_117] : memref<10000xi32, #tpu.memory_space<vmem>> -> memref<80xi32, #tpu.memory_space<vmem>>
    %dma_start3A_119 = arith.constant 0 : i32
    %dma_start3A_120 = arith.constant 0 : i32
    %dma_start3A_121 = tpu.memref_slice %arg32[%dma_start3A_119, %dma_start3A_120] : memref<10128x64xf32, #tpu.memory_space<vmem_shared>> -> memref<10128x64xf32, #tpu.memory_space<vmem_shared>>
    tpu.enqueue_indirect_dma source(%arg14 : memref<80x64xf32, #tpu.memory_space<vmem>>) target(%dma_start3A_121 : memref<10128x64xf32, #tpu.memory_space<vmem_shared>>) offsets(%dma_start3A_118 : memref<80xi32, #tpu.memory_space<vmem>>) semaphore(%arg30 : memref<!tpu.dma_semaphore, #tpu.memory_space<semaphore_mem>>) {add = true}
    %dma_wait3A_122 = arith.constant 9520 : i32
    %dma_wait3A_123 = tpu.memref_slice %arg6[%dma_wait3A_122] : memref<10000xi32, #tpu.memory_space<vmem>> -> memref<80xi32, #tpu.memory_space<vmem>>
    %dma_wait3A_124 = arith.constant 0 : i32
    %dma_wait3A_125 = arith.constant 0 : i32
    %dma_wait3A_126 = tpu.memref_slice %arg2[%dma_wait3A_124, %dma_wait3A_125] : memref<10000x64xf32, #tpu.memory_space<hbm>> -> memref<10000x64xf32, #tpu.memory_space<hbm>>
    tpu.wait_indirect_dma semaphore(%arg23 : memref<!tpu.dma_semaphore, #tpu.memory_space<semaphore_mem>>) src(%dma_wait3A_126 : memref<10000x64xf32, #tpu.memory_space<hbm>>) dst(%arg15 : memref<80x64xf32, #tpu.memory_space<vmem>>)
    %dma_start3A_127 = arith.constant 9520 : i32
    %dma_start3A_128 = tpu.memref_slice %arg7[%dma_start3A_127] : memref<10000xi32, #tpu.memory_space<vmem>> -> memref<80xi32, #tpu.memory_space<vmem>>
    %dma_start3A_129 = arith.constant 0 : i32
    %dma_start3A_130 = arith.constant 0 : i32
    %dma_start3A_131 = tpu.memref_slice %arg32[%dma_start3A_129, %dma_start3A_130] : memref<10128x64xf32, #tpu.memory_space<vmem_shared>> -> memref<10128x64xf32, #tpu.memory_space<vmem_shared>>
    tpu.enqueue_indirect_dma source(%arg15 : memref<80x64xf32, #tpu.memory_space<vmem>>) target(%dma_start3A_131 : memref<10128x64xf32, #tpu.memory_space<vmem_shared>>) offsets(%dma_start3A_128 : memref<80xi32, #tpu.memory_space<vmem>>) semaphore(%arg31 : memref<!tpu.dma_semaphore, #tpu.memory_space<semaphore_mem>>) {add = true}
    %dma_wait3A_132 = arith.constant 8960 : i32
    %dma_wait3A_133 = tpu.memref_slice %arg7[%dma_wait3A_132] : memref<10000xi32, #tpu.memory_space<vmem>> -> memref<80xi32, #tpu.memory_space<vmem>>
    %dma_wait3A_134 = arith.constant 0 : i32
    %dma_wait3A_135 = arith.constant 0 : i32
    %dma_wait3A_136 = tpu.memref_slice %arg32[%dma_wait3A_134, %dma_wait3A_135] : memref<10128x64xf32, #tpu.memory_space<vmem_shared>> -> memref<10128x64xf32, #tpu.memory_space<vmem_shared>>
    tpu.wait_indirect_dma semaphore(%arg24 : memref<!tpu.dma_semaphore, #tpu.memory_space<semaphore_mem>>) src(%arg8 : memref<80x64xf32, #tpu.memory_space<vmem>>) dst(%dma_wait3A_136 : memref<10128x64xf32, #tpu.memory_space<vmem_shared>>)
    %dma_start3A_137 = arith.constant 9600 : i32
    %dma_start3A_138 = tpu.memref_slice %arg6[%dma_start3A_137] : memref<10000xi32, #tpu.memory_space<vmem>> -> memref<80xi32, #tpu.memory_space<vmem>>
    %dma_start3A_139 = arith.constant 0 : i32
    %dma_start3A_140 = arith.constant 0 : i32
    %dma_start3A_141 = tpu.memref_slice %arg2[%dma_start3A_139, %dma_start3A_140] : memref<10000x64xf32, #tpu.memory_space<hbm>> -> memref<10000x64xf32, #tpu.memory_space<hbm>>
    tpu.enqueue_indirect_dma source(%dma_start3A_141 : memref<10000x64xf32, #tpu.memory_space<hbm>>) target(%arg8 : memref<80x64xf32, #tpu.memory_space<vmem>>) offsets(%dma_start3A_138 : memref<80xi32, #tpu.memory_space<vmem>>) semaphore(%arg16 : memref<!tpu.dma_semaphore, #tpu.memory_space<semaphore_mem>>)
    %dma_wait3A_142 = arith.constant 9040 : i32
    %dma_wait3A_143 = tpu.memref_slice %arg7[%dma_wait3A_142] : memref<10000xi32, #tpu.memory_space<vmem>> -> memref<80xi32, #tpu.memory_space<vmem>>
    %dma_wait3A_144 = arith.constant 0 : i32
    %dma_wait3A_145 = arith.constant 0 : i32
    %dma_wait3A_146 = tpu.memref_slice %arg32[%dma_wait3A_144, %dma_wait3A_145] : memref<10128x64xf32, #tpu.memory_space<vmem_shared>> -> memref<10128x64xf32, #tpu.memory_space<vmem_shared>>
    tpu.wait_indirect_dma semaphore(%arg25 : memref<!tpu.dma_semaphore, #tpu.memory_space<semaphore_mem>>) src(%arg9 : memref<80x64xf32, #tpu.memory_space<vmem>>) dst(%dma_wait3A_146 : memref<10128x64xf32, #tpu.memory_space<vmem_shared>>)
    %dma_start3A_147 = arith.constant 9680 : i32
    %dma_start3A_148 = tpu.memref_slice %arg6[%dma_start3A_147] : memref<10000xi32, #tpu.memory_space<vmem>> -> memref<80xi32, #tpu.memory_space<vmem>>
    %dma_start3A_149 = arith.constant 0 : i32
    %dma_start3A_150 = arith.constant 0 : i32
    %dma_start3A_151 = tpu.memref_slice %arg2[%dma_start3A_149, %dma_start3A_150] : memref<10000x64xf32, #tpu.memory_space<hbm>> -> memref<10000x64xf32, #tpu.memory_space<hbm>>
    tpu.enqueue_indirect_dma source(%dma_start3A_151 : memref<10000x64xf32, #tpu.memory_space<hbm>>) target(%arg9 : memref<80x64xf32, #tpu.memory_space<vmem>>) offsets(%dma_start3A_148 : memref<80xi32, #tpu.memory_space<vmem>>) semaphore(%arg17 : memref<!tpu.dma_semaphore, #tpu.memory_space<semaphore_mem>>)
    %dma_wait3A_152 = arith.constant 9120 : i32
    %dma_wait3A_153 = tpu.memref_slice %arg7[%dma_wait3A_152] : memref<10000xi32, #tpu.memory_space<vmem>> -> memref<80xi32, #tpu.memory_space<vmem>>
    %dma_wait3A_154 = arith.constant 0 : i32
    %dma_wait3A_155 = arith.constant 0 : i32
    %dma_wait3A_156 = tpu.memref_slice %arg32[%dma_wait3A_154, %dma_wait3A_155] : memref<10128x64xf32, #tpu.memory_space<vmem_shared>> -> memref<10128x64xf32, #tpu.memory_space<vmem_shared>>
    tpu.wait_indirect_dma semaphore(%arg26 : memref<!tpu.dma_semaphore, #tpu.memory_space<semaphore_mem>>) src(%arg10 : memref<80x64xf32, #tpu.memory_space<vmem>>) dst(%dma_wait3A_156 : memref<10128x64xf32, #tpu.memory_space<vmem_shared>>)
    %dma_start3A_157 = arith.constant 9760 : i32
    %dma_start3A_158 = tpu.memref_slice %arg6[%dma_start3A_157] : memref<10000xi32, #tpu.memory_space<vmem>> -> memref<80xi32, #tpu.memory_space<vmem>>
    %dma_start3A_159 = arith.constant 0 : i32
    %dma_start3A_160 = arith.constant 0 : i32
    %dma_start3A_161 = tpu.memref_slice %arg2[%dma_start3A_159, %dma_start3A_160] : memref<10000x64xf32, #tpu.memory_space<hbm>> -> memref<10000x64xf32, #tpu.memory_space<hbm>>
    tpu.enqueue_indirect_dma source(%dma_start3A_161 : memref<10000x64xf32, #tpu.memory_space<hbm>>) target(%arg10 : memref<80x64xf32, #tpu.memory_space<vmem>>) offsets(%dma_start3A_158 : memref<80xi32, #tpu.memory_space<vmem>>) semaphore(%arg18 : memref<!tpu.dma_semaphore, #tpu.memory_space<semaphore_mem>>)
    %dma_wait3A_162 = arith.constant 9200 : i32
    %dma_wait3A_163 = tpu.memref_slice %arg7[%dma_wait3A_162] : memref<10000xi32, #tpu.memory_space<vmem>> -> memref<80xi32, #tpu.memory_space<vmem>>
    %dma_wait3A_164 = arith.constant 0 : i32
    %dma_wait3A_165 = arith.constant 0 : i32
    %dma_wait3A_166 = tpu.memref_slice %arg32[%dma_wait3A_164, %dma_wait3A_165] : memref<10128x64xf32, #tpu.memory_space<vmem_shared>> -> memref<10128x64xf32, #tpu.memory_space<vmem_shared>>
    tpu.wait_indirect_dma semaphore(%arg27 : memref<!tpu.dma_semaphore, #tpu.memory_space<semaphore_mem>>) src(%arg11 : memref<80x64xf32, #tpu.memory_space<vmem>>) dst(%dma_wait3A_166 : memref<10128x64xf32, #tpu.memory_space<vmem_shared>>)
    %dma_start3A_167 = arith.constant 9840 : i32
    %dma_start3A_168 = tpu.memref_slice %arg6[%dma_start3A_167] : memref<10000xi32, #tpu.memory_space<vmem>> -> memref<80xi32, #tpu.memory_space<vmem>>
    %dma_start3A_169 = arith.constant 0 : i32
    %dma_start3A_170 = arith.constant 0 : i32
    %dma_start3A_171 = tpu.memref_slice %arg2[%dma_start3A_169, %dma_start3A_170] : memref<10000x64xf32, #tpu.memory_space<hbm>> -> memref<10000x64xf32, #tpu.memory_space<hbm>>
    tpu.enqueue_indirect_dma source(%dma_start3A_171 : memref<10000x64xf32, #tpu.memory_space<hbm>>) target(%arg11 : memref<80x64xf32, #tpu.memory_space<vmem>>) offsets(%dma_start3A_168 : memref<80xi32, #tpu.memory_space<vmem>>) semaphore(%arg19 : memref<!tpu.dma_semaphore, #tpu.memory_space<semaphore_mem>>)
    %dma_wait3A_172 = arith.constant 9280 : i32
    %dma_wait3A_173 = tpu.memref_slice %arg7[%dma_wait3A_172] : memref<10000xi32, #tpu.memory_space<vmem>> -> memref<80xi32, #tpu.memory_space<vmem>>
    %dma_wait3A_174 = arith.constant 0 : i32
    %dma_wait3A_175 = arith.constant 0 : i32
    %dma_wait3A_176 = tpu.memref_slice %arg32[%dma_wait3A_174, %dma_wait3A_175] : memref<10128x64xf32, #tpu.memory_space<vmem_shared>> -> memref<10128x64xf32, #tpu.memory_space<vmem_shared>>
    tpu.wait_indirect_dma semaphore(%arg28 : memref<!tpu.dma_semaphore, #tpu.memory_space<semaphore_mem>>) src(%arg12 : memref<80x64xf32, #tpu.memory_space<vmem>>) dst(%dma_wait3A_176 : memref<10128x64xf32, #tpu.memory_space<vmem_shared>>)
    %dma_start3A_177 = arith.constant 9920 : i32
    %dma_start3A_178 = tpu.memref_slice %arg6[%dma_start3A_177] : memref<10000xi32, #tpu.memory_space<vmem>> -> memref<80xi32, #tpu.memory_space<vmem>>
    %dma_start3A_179 = arith.constant 0 : i32
    %dma_start3A_180 = arith.constant 0 : i32
    %dma_start3A_181 = tpu.memref_slice %arg2[%dma_start3A_179, %dma_start3A_180] : memref<10000x64xf32, #tpu.memory_space<hbm>> -> memref<10000x64xf32, #tpu.memory_space<hbm>>
    tpu.enqueue_indirect_dma source(%dma_start3A_181 : memref<10000x64xf32, #tpu.memory_space<hbm>>) target(%arg12 : memref<80x64xf32, #tpu.memory_space<vmem>>) offsets(%dma_start3A_178 : memref<80xi32, #tpu.memory_space<vmem>>) semaphore(%arg20 : memref<!tpu.dma_semaphore, #tpu.memory_space<semaphore_mem>>)
    %dma_wait3A_182 = arith.constant 9600 : i32
    %dma_wait3A_183 = tpu.memref_slice %arg6[%dma_wait3A_182] : memref<10000xi32, #tpu.memory_space<vmem>> -> memref<80xi32, #tpu.memory_space<vmem>>
    %dma_wait3A_184 = arith.constant 0 : i32
    %dma_wait3A_185 = arith.constant 0 : i32
    %dma_wait3A_186 = tpu.memref_slice %arg2[%dma_wait3A_184, %dma_wait3A_185] : memref<10000x64xf32, #tpu.memory_space<hbm>> -> memref<10000x64xf32, #tpu.memory_space<hbm>>
    tpu.wait_indirect_dma semaphore(%arg16 : memref<!tpu.dma_semaphore, #tpu.memory_space<semaphore_mem>>) src(%dma_wait3A_186 : memref<10000x64xf32, #tpu.memory_space<hbm>>) dst(%arg8 : memref<80x64xf32, #tpu.memory_space<vmem>>)
    %dma_start3A_187 = arith.constant 9600 : i32
    %dma_start3A_188 = tpu.memref_slice %arg7[%dma_start3A_187] : memref<10000xi32, #tpu.memory_space<vmem>> -> memref<80xi32, #tpu.memory_space<vmem>>
    %dma_start3A_189 = arith.constant 0 : i32
    %dma_start3A_190 = arith.constant 0 : i32
    %dma_start3A_191 = tpu.memref_slice %arg32[%dma_start3A_189, %dma_start3A_190] : memref<10128x64xf32, #tpu.memory_space<vmem_shared>> -> memref<10128x64xf32, #tpu.memory_space<vmem_shared>>
    tpu.enqueue_indirect_dma source(%arg8 : memref<80x64xf32, #tpu.memory_space<vmem>>) target(%dma_start3A_191 : memref<10128x64xf32, #tpu.memory_space<vmem_shared>>) offsets(%dma_start3A_188 : memref<80xi32, #tpu.memory_space<vmem>>) semaphore(%arg24 : memref<!tpu.dma_semaphore, #tpu.memory_space<semaphore_mem>>) {add = true}
    %dma_wait3A_192 = arith.constant 9680 : i32
    %dma_wait3A_193 = tpu.memref_slice %arg6[%dma_wait3A_192] : memref<10000xi32, #tpu.memory_space<vmem>> -> memref<80xi32, #tpu.memory_space<vmem>>
    %dma_wait3A_194 = arith.constant 0 : i32
    %dma_wait3A_195 = arith.constant 0 : i32
    %dma_wait3A_196 = tpu.memref_slice %arg2[%dma_wait3A_194, %dma_wait3A_195] : memref<10000x64xf32, #tpu.memory_space<hbm>> -> memref<10000x64xf32, #tpu.memory_space<hbm>>
    tpu.wait_indirect_dma semaphore(%arg17 : memref<!tpu.dma_semaphore, #tpu.memory_space<semaphore_mem>>) src(%dma_wait3A_196 : memref<10000x64xf32, #tpu.memory_space<hbm>>) dst(%arg9 : memref<80x64xf32, #tpu.memory_space<vmem>>)
    %dma_start3A_197 = arith.constant 9680 : i32
    %dma_start3A_198 = tpu.memref_slice %arg7[%dma_start3A_197] : memref<10000xi32, #tpu.memory_space<vmem>> -> memref<80xi32, #tpu.memory_space<vmem>>
    %dma_start3A_199 = arith.constant 0 : i32
    %dma_start3A_200 = arith.constant 0 : i32
    %dma_start3A_201 = tpu.memref_slice %arg32[%dma_start3A_199, %dma_start3A_200] : memref<10128x64xf32, #tpu.memory_space<vmem_shared>> -> memref<10128x64xf32, #tpu.memory_space<vmem_shared>>
    tpu.enqueue_indirect_dma source(%arg9 : memref<80x64xf32, #tpu.memory_space<vmem>>) target(%dma_start3A_201 : memref<10128x64xf32, #tpu.memory_space<vmem_shared>>) offsets(%dma_start3A_198 : memref<80xi32, #tpu.memory_space<vmem>>) semaphore(%arg25 : memref<!tpu.dma_semaphore, #tpu.memory_space<semaphore_mem>>) {add = true}
    %dma_wait3A_202 = arith.constant 9760 : i32
    %dma_wait3A_203 = tpu.memref_slice %arg6[%dma_wait3A_202] : memref<10000xi32, #tpu.memory_space<vmem>> -> memref<80xi32, #tpu.memory_space<vmem>>
    %dma_wait3A_204 = arith.constant 0 : i32
    %dma_wait3A_205 = arith.constant 0 : i32
    %dma_wait3A_206 = tpu.memref_slice %arg2[%dma_wait3A_204, %dma_wait3A_205] : memref<10000x64xf32, #tpu.memory_space<hbm>> -> memref<10000x64xf32, #tpu.memory_space<hbm>>
    tpu.wait_indirect_dma semaphore(%arg18 : memref<!tpu.dma_semaphore, #tpu.memory_space<semaphore_mem>>) src(%dma_wait3A_206 : memref<10000x64xf32, #tpu.memory_space<hbm>>) dst(%arg10 : memref<80x64xf32, #tpu.memory_space<vmem>>)
    %dma_start3A_207 = arith.constant 9760 : i32
    %dma_start3A_208 = tpu.memref_slice %arg7[%dma_start3A_207] : memref<10000xi32, #tpu.memory_space<vmem>> -> memref<80xi32, #tpu.memory_space<vmem>>
    %dma_start3A_209 = arith.constant 0 : i32
    %dma_start3A_210 = arith.constant 0 : i32
    %dma_start3A_211 = tpu.memref_slice %arg32[%dma_start3A_209, %dma_start3A_210] : memref<10128x64xf32, #tpu.memory_space<vmem_shared>> -> memref<10128x64xf32, #tpu.memory_space<vmem_shared>>
    tpu.enqueue_indirect_dma source(%arg10 : memref<80x64xf32, #tpu.memory_space<vmem>>) target(%dma_start3A_211 : memref<10128x64xf32, #tpu.memory_space<vmem_shared>>) offsets(%dma_start3A_208 : memref<80xi32, #tpu.memory_space<vmem>>) semaphore(%arg26 : memref<!tpu.dma_semaphore, #tpu.memory_space<semaphore_mem>>) {add = true}
    %dma_wait3A_212 = arith.constant 9840 : i32
    %dma_wait3A_213 = tpu.memref_slice %arg6[%dma_wait3A_212] : memref<10000xi32, #tpu.memory_space<vmem>> -> memref<80xi32, #tpu.memory_space<vmem>>
    %dma_wait3A_214 = arith.constant 0 : i32
    %dma_wait3A_215 = arith.constant 0 : i32
    %dma_wait3A_216 = tpu.memref_slice %arg2[%dma_wait3A_214, %dma_wait3A_215] : memref<10000x64xf32, #tpu.memory_space<hbm>> -> memref<10000x64xf32, #tpu.memory_space<hbm>>
    tpu.wait_indirect_dma semaphore(%arg19 : memref<!tpu.dma_semaphore, #tpu.memory_space<semaphore_mem>>) src(%dma_wait3A_216 : memref<10000x64xf32, #tpu.memory_space<hbm>>) dst(%arg11 : memref<80x64xf32, #tpu.memory_space<vmem>>)
    %dma_start3A_217 = arith.constant 9840 : i32
    %dma_start3A_218 = tpu.memref_slice %arg7[%dma_start3A_217] : memref<10000xi32, #tpu.memory_space<vmem>> -> memref<80xi32, #tpu.memory_space<vmem>>
    %dma_start3A_219 = arith.constant 0 : i32
    %dma_start3A_220 = arith.constant 0 : i32
    %dma_start3A_221 = tpu.memref_slice %arg32[%dma_start3A_219, %dma_start3A_220] : memref<10128x64xf32, #tpu.memory_space<vmem_shared>> -> memref<10128x64xf32, #tpu.memory_space<vmem_shared>>
    tpu.enqueue_indirect_dma source(%arg11 : memref<80x64xf32, #tpu.memory_space<vmem>>) target(%dma_start3A_221 : memref<10128x64xf32, #tpu.memory_space<vmem_shared>>) offsets(%dma_start3A_218 : memref<80xi32, #tpu.memory_space<vmem>>) semaphore(%arg27 : memref<!tpu.dma_semaphore, #tpu.memory_space<semaphore_mem>>) {add = true}
    %dma_wait3A_222 = arith.constant 9920 : i32
    %dma_wait3A_223 = tpu.memref_slice %arg6[%dma_wait3A_222] : memref<10000xi32, #tpu.memory_space<vmem>> -> memref<80xi32, #tpu.memory_space<vmem>>
    %dma_wait3A_224 = arith.constant 0 : i32
    %dma_wait3A_225 = arith.constant 0 : i32
    %dma_wait3A_226 = tpu.memref_slice %arg2[%dma_wait3A_224, %dma_wait3A_225] : memref<10000x64xf32, #tpu.memory_space<hbm>> -> memref<10000x64xf32, #tpu.memory_space<hbm>>
    tpu.wait_indirect_dma semaphore(%arg20 : memref<!tpu.dma_semaphore, #tpu.memory_space<semaphore_mem>>) src(%dma_wait3A_226 : memref<10000x64xf32, #tpu.memory_space<hbm>>) dst(%arg12 : memref<80x64xf32, #tpu.memory_space<vmem>>)
    %dma_start3A_227 = arith.constant 9920 : i32
    %dma_start3A_228 = tpu.memref_slice %arg7[%dma_start3A_227] : memref<10000xi32, #tpu.memory_space<vmem>> -> memref<80xi32, #tpu.memory_space<vmem>>
    %dma_start3A_229 = arith.constant 0 : i32
    %dma_start3A_230 = arith.constant 0 : i32
    %dma_start3A_231 = tpu.memref_slice %arg32[%dma_start3A_229, %dma_start3A_230] : memref<10128x64xf32, #tpu.memory_space<vmem_shared>> -> memref<10128x64xf32, #tpu.memory_space<vmem_shared>>
    tpu.enqueue_indirect_dma source(%arg12 : memref<80x64xf32, #tpu.memory_space<vmem>>) target(%dma_start3A_231 : memref<10128x64xf32, #tpu.memory_space<vmem_shared>>) offsets(%dma_start3A_228 : memref<80xi32, #tpu.memory_space<vmem>>) semaphore(%arg28 : memref<!tpu.dma_semaphore, #tpu.memory_space<semaphore_mem>>) {add = true}
    %dma_wait3A_232 = arith.constant 9600 : i32
    %dma_wait3A_233 = tpu.memref_slice %arg7[%dma_wait3A_232] : memref<10000xi32, #tpu.memory_space<vmem>> -> memref<80xi32, #tpu.memory_space<vmem>>
    %dma_wait3A_234 = arith.constant 0 : i32
    %dma_wait3A_235 = arith.constant 0 : i32
    %dma_wait3A_236 = tpu.memref_slice %arg32[%dma_wait3A_234, %dma_wait3A_235] : memref<10128x64xf32, #tpu.memory_space<vmem_shared>> -> memref<10128x64xf32, #tpu.memory_space<vmem_shared>>
    tpu.wait_indirect_dma semaphore(%arg24 : memref<!tpu.dma_semaphore, #tpu.memory_space<semaphore_mem>>) src(%arg8 : memref<80x64xf32, #tpu.memory_space<vmem>>) dst(%dma_wait3A_236 : memref<10128x64xf32, #tpu.memory_space<vmem_shared>>)
    %dma_wait3A_237 = arith.constant 9680 : i32
    %dma_wait3A_238 = tpu.memref_slice %arg7[%dma_wait3A_237] : memref<10000xi32, #tpu.memory_space<vmem>> -> memref<80xi32, #tpu.memory_space<vmem>>
    %dma_wait3A_239 = arith.constant 0 : i32
    %dma_wait3A_240 = arith.constant 0 : i32
    %dma_wait3A_241 = tpu.memref_slice %arg32[%dma_wait3A_239, %dma_wait3A_240] : memref<10128x64xf32, #tpu.memory_space<vmem_shared>> -> memref<10128x64xf32, #tpu.memory_space<vmem_shared>>
    tpu.wait_indirect_dma semaphore(%arg25 : memref<!tpu.dma_semaphore, #tpu.memory_space<semaphore_mem>>) src(%arg9 : memref<80x64xf32, #tpu.memory_space<vmem>>) dst(%dma_wait3A_241 : memref<10128x64xf32, #tpu.memory_space<vmem_shared>>)
    %dma_wait3A_242 = arith.constant 9760 : i32
    %dma_wait3A_243 = tpu.memref_slice %arg7[%dma_wait3A_242] : memref<10000xi32, #tpu.memory_space<vmem>> -> memref<80xi32, #tpu.memory_space<vmem>>
    %dma_wait3A_244 = arith.constant 0 : i32
    %dma_wait3A_245 = arith.constant 0 : i32
    %dma_wait3A_246 = tpu.memref_slice %arg32[%dma_wait3A_244, %dma_wait3A_245] : memref<10128x64xf32, #tpu.memory_space<vmem_shared>> -> memref<10128x64xf32, #tpu.memory_space<vmem_shared>>
    tpu.wait_indirect_dma semaphore(%arg26 : memref<!tpu.dma_semaphore, #tpu.memory_space<semaphore_mem>>) src(%arg10 : memref<80x64xf32, #tpu.memory_space<vmem>>) dst(%dma_wait3A_246 : memref<10128x64xf32, #tpu.memory_space<vmem_shared>>)
    %dma_wait3A_247 = arith.constant 9840 : i32
    %dma_wait3A_248 = tpu.memref_slice %arg7[%dma_wait3A_247] : memref<10000xi32, #tpu.memory_space<vmem>> -> memref<80xi32, #tpu.memory_space<vmem>>
    %dma_wait3A_249 = arith.constant 0 : i32
    %dma_wait3A_250 = arith.constant 0 : i32
    %dma_wait3A_251 = tpu.memref_slice %arg32[%dma_wait3A_249, %dma_wait3A_250] : memref<10128x64xf32, #tpu.memory_space<vmem_shared>> -> memref<10128x64xf32, #tpu.memory_space<vmem_shared>>
    tpu.wait_indirect_dma semaphore(%arg27 : memref<!tpu.dma_semaphore, #tpu.memory_space<semaphore_mem>>) src(%arg11 : memref<80x64xf32, #tpu.memory_space<vmem>>) dst(%dma_wait3A_251 : memref<10128x64xf32, #tpu.memory_space<vmem_shared>>)
    %dma_wait3A_252 = arith.constant 9920 : i32
    %dma_wait3A_253 = tpu.memref_slice %arg7[%dma_wait3A_252] : memref<10000xi32, #tpu.memory_space<vmem>> -> memref<80xi32, #tpu.memory_space<vmem>>
    %dma_wait3A_254 = arith.constant 0 : i32
    %dma_wait3A_255 = arith.constant 0 : i32
    %dma_wait3A_256 = tpu.memref_slice %arg32[%dma_wait3A_254, %dma_wait3A_255] : memref<10128x64xf32, #tpu.memory_space<vmem_shared>> -> memref<10128x64xf32, #tpu.memory_space<vmem_shared>>
    tpu.wait_indirect_dma semaphore(%arg28 : memref<!tpu.dma_semaphore, #tpu.memory_space<semaphore_mem>>) src(%arg12 : memref<80x64xf32, #tpu.memory_space<vmem>>) dst(%dma_wait3A_256 : memref<10128x64xf32, #tpu.memory_space<vmem_shared>>)
    %dma_wait3A_257 = arith.constant 9360 : i32
    %dma_wait3A_258 = tpu.memref_slice %arg7[%dma_wait3A_257] : memref<10000xi32, #tpu.memory_space<vmem>> -> memref<80xi32, #tpu.memory_space<vmem>>
    %dma_wait3A_259 = arith.constant 0 : i32
    %dma_wait3A_260 = arith.constant 0 : i32
    %dma_wait3A_261 = tpu.memref_slice %arg32[%dma_wait3A_259, %dma_wait3A_260] : memref<10128x64xf32, #tpu.memory_space<vmem_shared>> -> memref<10128x64xf32, #tpu.memory_space<vmem_shared>>
    tpu.wait_indirect_dma semaphore(%arg29 : memref<!tpu.dma_semaphore, #tpu.memory_space<semaphore_mem>>) src(%arg13 : memref<80x64xf32, #tpu.memory_space<vmem>>) dst(%dma_wait3A_261 : memref<10128x64xf32, #tpu.memory_space<vmem_shared>>)
    %dma_wait3A_262 = arith.constant 9440 : i32
    %dma_wait3A_263 = tpu.memref_slice %arg7[%dma_wait3A_262] : memref<10000xi32, #tpu.memory_space<vmem>> -> memref<80xi32, #tpu.memory_space<vmem>>
    %dma_wait3A_264 = arith.constant 0 : i32
    %dma_wait3A_265 = arith.constant 0 : i32
    %dma_wait3A_266 = tpu.memref_slice %arg32[%dma_wait3A_264, %dma_wait3A_265] : memref<10128x64xf32, #tpu.memory_space<vmem_shared>> -> memref<10128x64xf32, #tpu.memory_space<vmem_shared>>
    tpu.wait_indirect_dma semaphore(%arg30 : memref<!tpu.dma_semaphore, #tpu.memory_space<semaphore_mem>>) src(%arg14 : memref<80x64xf32, #tpu.memory_space<vmem>>) dst(%dma_wait3A_266 : memref<10128x64xf32, #tpu.memory_space<vmem_shared>>)
    %dma_wait3A_267 = arith.constant 9520 : i32
    %dma_wait3A_268 = tpu.memref_slice %arg7[%dma_wait3A_267] : memref<10000xi32, #tpu.memory_space<vmem>> -> memref<80xi32, #tpu.memory_space<vmem>>
    %dma_wait3A_269 = arith.constant 0 : i32
    %dma_wait3A_270 = arith.constant 0 : i32
    %dma_wait3A_271 = tpu.memref_slice %arg32[%dma_wait3A_269, %dma_wait3A_270] : memref<10128x64xf32, #tpu.memory_space<vmem_shared>> -> memref<10128x64xf32, #tpu.memory_space<vmem_shared>>
    tpu.wait_indirect_dma semaphore(%arg31 : memref<!tpu.dma_semaphore, #tpu.memory_space<semaphore_mem>>) src(%arg15 : memref<80x64xf32, #tpu.memory_space<vmem>>) dst(%dma_wait3A_271 : memref<10128x64xf32, #tpu.memory_space<vmem_shared>>)
    %barrier3A_272 = arith.constant 0 : index
    tpu.barrier barrier_id(%barrier3A_272)
    %mul3A_273 = arith.constant 624 : i32
    %mul3A_274 = arith.muli %arg1, %mul3A_273 : i32
    %mul3A_275 = arith.constant 624 : i32
    %mul3A_276 = arith.muli %arg1, %mul3A_275 : i32
    "tpu.region"() ({
      %run_scoped3A_282 = tpu.sem_alloc : memref<!tpu.dma_semaphore, #tpu.memory_space<semaphore_mem>>
      %dma_start3A_283 = arith.constant 0 : i32
      %dma_start3A_284 = arith.constant 0 : i32
      %dma_start3A_285 = tpu.memref_slice %arg5[%arg0, %dma_start3A_283, %dma_start3A_284] : memref<2x10000x64xf32, #tpu.memory_space<hbm>> -> memref<1x10000x64xf32, #tpu.memory_space<hbm>>
      %dma_start3A_286 = tpu.memref_squeeze %dma_start3A_285 : memref<1x10000x64xf32, #tpu.memory_space<hbm>> -> memref<10000x64xf32, #tpu.memory_space<hbm>>
      %dma_start3A_287 = arith.constant 0 : i32
      %dma_start3A_288 = tpu.memref_slice %dma_start3A_286[%mul3A_276, %dma_start3A_287] : memref<10000x64xf32, #tpu.memory_space<hbm>> -> memref<624x64xf32, #tpu.memory_space<hbm>>
      %dma_start3A_289 = arith.constant 0 : i32
      %dma_start3A_290 = tpu.memref_slice %arg32[%mul3A_274, %dma_start3A_289] : memref<10128x64xf32, #tpu.memory_space<vmem_shared>> -> memref<624x64xf32, #tpu.memory_space<vmem_shared>>
      tpu.enqueue_dma source(%dma_start3A_290 : memref<624x64xf32, #tpu.memory_space<vmem_shared>>) target(%dma_start3A_288 : memref<624x64xf32, #tpu.memory_space<hbm>>) target_semaphore(%run_scoped3A_282 : memref<!tpu.dma_semaphore, #tpu.memory_space<semaphore_mem>>)
      %dma_wait3A_291 = arith.constant 0 : i32
      %dma_wait3A_292 = arith.constant 0 : i32
      %dma_wait3A_293 = tpu.memref_slice %arg5[%arg0, %dma_wait3A_291, %dma_wait3A_292] : memref<2x10000x64xf32, #tpu.memory_space<hbm>> -> memref<1x10000x64xf32, #tpu.memory_space<hbm>>
      %dma_wait3A_294 = tpu.memref_squeeze %dma_wait3A_293 : memref<1x10000x64xf32, #tpu.memory_space<hbm>> -> memref<10000x64xf32, #tpu.memory_space<hbm>>
      %dma_wait3A_295 = arith.constant 0 : i32
      %dma_wait3A_296 = tpu.memref_slice %dma_wait3A_294[%mul3A_276, %dma_wait3A_295] : memref<10000x64xf32, #tpu.memory_space<hbm>> -> memref<624x64xf32, #tpu.memory_space<hbm>>
      %dma_wait3A_297 = arith.constant 0 : i32
      %dma_wait3A_298 = tpu.memref_slice %arg32[%mul3A_274, %dma_wait3A_297] : memref<10128x64xf32, #tpu.memory_space<vmem_shared>> -> memref<624x64xf32, #tpu.memory_space<vmem_shared>>
      tpu.wait_dma2 semaphore(%run_scoped3A_282 : memref<!tpu.dma_semaphore, #tpu.memory_space<semaphore_mem>>) src(%dma_wait3A_298 : memref<624x64xf32, #tpu.memory_space<vmem_shared>>) dst(%dma_wait3A_296 : memref<624x64xf32, #tpu.memory_space<hbm>>)
      tpu.yield
    }) : () -> ()
    %eq3A_277 = arith.constant 15 : i32
    %eq3A_278 = arith.cmpi eq, %arg1, %eq3A_277 : i32
    %convert_element_type3A_279 = arith.extui %eq3A_278 : i1 to i32
    %cond3A_280 = arith.constant 0 : i32
    %cond3A_281 = arith.cmpi ne, %convert_element_type3A_279, %cond3A_280 : i32
    scf.if %cond3A_281 {
      "tpu.region"() ({
        %run_scoped3A_282 = tpu.sem_alloc : memref<!tpu.dma_semaphore, #tpu.memory_space<semaphore_mem>>
        %dma_start3A_283 = arith.constant 0 : i32
        %dma_start3A_284 = arith.constant 0 : i32
        %dma_start3A_285 = tpu.memref_slice %arg5[%arg0, %dma_start3A_283, %dma_start3A_284] : memref<2x10000x64xf32, #tpu.memory_space<hbm>> -> memref<1x10000x64xf32, #tpu.memory_space<hbm>>
        %dma_start3A_286 = tpu.memref_squeeze %dma_start3A_285 : memref<1x10000x64xf32, #tpu.memory_space<hbm>> -> memref<10000x64xf32, #tpu.memory_space<hbm>>
        %dma_start3A_287 = arith.constant 9984 : i32
        %dma_start3A_288 = arith.constant 0 : i32
        %dma_start3A_289 = tpu.memref_slice %dma_start3A_286[%dma_start3A_287, %dma_start3A_288] : memref<10000x64xf32, #tpu.memory_space<hbm>> -> memref<16x64xf32, #tpu.memory_space<hbm>>
        %dma_start3A_290 = arith.constant 9984 : i32
        %dma_start3A_291 = arith.constant 0 : i32
        %dma_start3A_292 = tpu.memref_slice %arg32[%dma_start3A_290, %dma_start3A_291] : memref<10128x64xf32, #tpu.memory_space<vmem_shared>> -> memref<16x64xf32, #tpu.memory_space<vmem_shared>>
        tpu.enqueue_dma source(%dma_start3A_292 : memref<16x64xf32, #tpu.memory_space<vmem_shared>>) target(%dma_start3A_289 : memref<16x64xf32, #tpu.memory_space<hbm>>) target_semaphore(%run_scoped3A_282 : memref<!tpu.dma_semaphore, #tpu.memory_space<semaphore_mem>>)
        %dma_wait3A_293 = arith.constant 0 : i32
        %dma_wait3A_294 = arith.constant 0 : i32
        %dma_wait3A_295 = tpu.memref_slice %arg5[%arg0, %dma_wait3A_293, %dma_wait3A_294] : memref<2x10000x64xf32, #tpu.memory_space<hbm>> -> memref<1x10000x64xf32, #tpu.memory_space<hbm>>
        %dma_wait3A_296 = tpu.memref_squeeze %dma_wait3A_295 : memref<1x10000x64xf32, #tpu.memory_space<hbm>> -> memref<10000x64xf32, #tpu.memory_space<hbm>>
        %dma_wait3A_297 = arith.constant 9984 : i32
        %dma_wait3A_298 = arith.constant 0 : i32
        %dma_wait3A_299 = tpu.memref_slice %dma_wait3A_296[%dma_wait3A_297, %dma_wait3A_298] : memref<10000x64xf32, #tpu.memory_space<hbm>> -> memref<16x64xf32, #tpu.memory_space<hbm>>
        %dma_wait3A_300 = arith.constant 9984 : i32
        %dma_wait3A_301 = arith.constant 0 : i32
        %dma_wait3A_302 = tpu.memref_slice %arg32[%dma_wait3A_300, %dma_wait3A_301] : memref<10128x64xf32, #tpu.memory_space<vmem_shared>> -> memref<16x64xf32, #tpu.memory_space<vmem_shared>>
        tpu.wait_dma2 semaphore(%run_scoped3A_282 : memref<!tpu.dma_semaphore, #tpu.memory_space<semaphore_mem>>) src(%dma_wait3A_302 : memref<16x64xf32, #tpu.memory_space<vmem_shared>>) dst(%dma_wait3A_299 : memref<16x64xf32, #tpu.memory_space<hbm>>)
        tpu.yield
      }) : () -> ()
    } else {
    }
    return
  }
}

#map = affine_map<(d0, d1) -> (0, 0)>
#map1 = affine_map<(d0, d1) -> (0)>
module attributes {stable_mosaic.version = 14 : i64} {
  func.func @sc_degree(%arg0: i32, %arg1: i32, %arg2: memref<2x320000xi32, #tpu.memory_space<hbm>>, %arg3: memref<632xf32, #tpu.memory_space<hbm>>, %arg4: memref<2x10000xf32, #tpu.memory_space<hbm>>, %arg5: memref<10000xi32, #tpu.memory_space<vmem>>, %arg6: memref<80xf32, #tpu.memory_space<vmem>>, %arg7: memref<10128xf32, #tpu.memory_space<vmem_shared>>, %arg8: memref<!tpu.dma_semaphore, #tpu.memory_space<semaphore_mem>>) attributes {dimension_semantics = [#tpu.dimension_semantics<core_parallel>, #tpu.dimension_semantics<subcore_parallel>], iteration_bounds = array<i64: 2, 16>, scalar_prefetch = 0 : i64, scratch_operands = 4 : i64, tpu.core_type = #tpu.core_type<sc_vector_subcore>, window_params = [{transform_indices = #map}, {transform_indices = #map1}, {transform_indices = #map}]} {
    %mul3A = arith.constant 16 : i32
    %mul3A_0 = arith.muli %arg0, %mul3A : i32
    %add3A = arith.addi %mul3A_0, %arg1 : i32
    %mul3A_1 = arith.constant 10000 : i32
    %mul3A_2 = arith.muli %add3A, %mul3A_1 : i32
    %run_scoped3A = arith.constant 1 : i32
    "tpu.region"() ({
      %run_scoped3A_31 = tpu.sem_alloc : memref<!tpu.dma_semaphore, #tpu.memory_space<semaphore_mem>>
      %dma_start3A = arith.constant 0 : i32
      %dma_start3A_32 = tpu.memref_slice %arg2[%run_scoped3A, %dma_start3A] : memref<2x320000xi32, #tpu.memory_space<hbm>> -> memref<1x320000xi32, #tpu.memory_space<hbm>>
      %dma_start3A_33 = tpu.memref_squeeze %dma_start3A_32 : memref<1x320000xi32, #tpu.memory_space<hbm>> -> memref<320000xi32, #tpu.memory_space<hbm>>
      %dma_start3A_34 = tpu.memref_slice %dma_start3A_33[%mul3A_2] : memref<320000xi32, #tpu.memory_space<hbm>> -> memref<10000xi32, #tpu.memory_space<hbm>>
      %dma_start3A_35 = arith.constant 0 : i32
      %dma_start3A_36 = tpu.memref_slice %arg2[%run_scoped3A, %dma_start3A_35] : memref<2x320000xi32, #tpu.memory_space<hbm>> -> memref<1x320000xi32, #tpu.memory_space<hbm>>
      %dma_start3A_37 = tpu.memref_squeeze %dma_start3A_36 : memref<1x320000xi32, #tpu.memory_space<hbm>> -> memref<320000xi32, #tpu.memory_space<hbm>>
      %dma_start3A_38 = tpu.memref_slice %dma_start3A_37[%mul3A_2] : memref<320000xi32, #tpu.memory_space<hbm>> -> memref<10000xi32, #tpu.memory_space<hbm>>
      tpu.enqueue_dma source(%dma_start3A_38 : memref<10000xi32, #tpu.memory_space<hbm>>) target(%arg5 : memref<10000xi32, #tpu.memory_space<vmem>>) target_semaphore(%run_scoped3A_31 : memref<!tpu.dma_semaphore, #tpu.memory_space<semaphore_mem>>)
      %dma_wait3A = arith.constant 0 : i32
      %dma_wait3A_39 = tpu.memref_slice %arg2[%run_scoped3A, %dma_wait3A] : memref<2x320000xi32, #tpu.memory_space<hbm>> -> memref<1x320000xi32, #tpu.memory_space<hbm>>
      %dma_wait3A_40 = tpu.memref_squeeze %dma_wait3A_39 : memref<1x320000xi32, #tpu.memory_space<hbm>> -> memref<320000xi32, #tpu.memory_space<hbm>>
      %dma_wait3A_41 = tpu.memref_slice %dma_wait3A_40[%mul3A_2] : memref<320000xi32, #tpu.memory_space<hbm>> -> memref<10000xi32, #tpu.memory_space<hbm>>
      %dma_wait3A_42 = arith.constant 0 : i32
      %dma_wait3A_43 = tpu.memref_slice %arg2[%run_scoped3A, %dma_wait3A_42] : memref<2x320000xi32, #tpu.memory_space<hbm>> -> memref<1x320000xi32, #tpu.memory_space<hbm>>
      %dma_wait3A_44 = tpu.memref_squeeze %dma_wait3A_43 : memref<1x320000xi32, #tpu.memory_space<hbm>> -> memref<320000xi32, #tpu.memory_space<hbm>>
      %dma_wait3A_45 = tpu.memref_slice %dma_wait3A_44[%mul3A_2] : memref<320000xi32, #tpu.memory_space<hbm>> -> memref<10000xi32, #tpu.memory_space<hbm>>
      tpu.wait_dma2 semaphore(%run_scoped3A_31 : memref<!tpu.dma_semaphore, #tpu.memory_space<semaphore_mem>>) src(%dma_wait3A_45 : memref<10000xi32, #tpu.memory_space<hbm>>) dst(%arg5 : memref<10000xi32, #tpu.memory_space<vmem>>)
      tpu.yield
    }) : () -> ()
    %scan3A = arith.constant 0 : i32
    %scan3A_3 = arith.constant 5 : i32
    %scan3A_4 = arith.addi %scan3A, %scan3A_3 : i32
    %scan3A_5 = arith.constant 1 : i32
    scf.for %scan3A_31 = %scan3A to %scan3A_4 step %scan3A_5  : i32 {
      %mul3A_32 = arith.constant 16 : i32
      %mul3A_33 = arith.muli %scan3A_31, %mul3A_32 : i32
      %add3A_34 = arith.constant 0 : i32
      %add3A_35 = arith.addi %add3A_34, %mul3A_33 : i32
      %broadcast_in_dim3A = arith.constant 1.000000e+00 : f32
      %broadcast_in_dim3A_36 = vector.broadcast %broadcast_in_dim3A : f32 to vector<16xf32>
      %swap3A = arith.index_cast %add3A_35 : i32 to index
      %swap3A_37 = tpu.vector_load %arg6[%swap3A] {strides = array<i32>} : memref<80xf32, #tpu.memory_space<vmem>>, vector<16xf32>,
      %swap3A_38 = vector.shape_cast %swap3A_37 : vector<16xf32> to vector<16xf32>
      %swap3A_39 = vector.shape_cast %broadcast_in_dim3A_36 : vector<16xf32> to vector<16xf32>
      tpu.vector_store %arg6[%swap3A], %swap3A_39 {strides = array<i32>} : memref<80xf32, #tpu.memory_space<vmem>>, vector<16xf32>,
    }
    %scan3A_6 = arith.constant 5 : i32
    %mul3A_7 = arith.constant 632 : i32
    %mul3A_8 = arith.muli %arg1, %mul3A_7 : i32
    "tpu.region"() ({
      %run_scoped3A_31 = tpu.sem_alloc : memref<!tpu.dma_semaphore, #tpu.memory_space<semaphore_mem>>
      %dma_start3A = tpu.memref_slice %arg7[%mul3A_8] : memref<10128xf32, #tpu.memory_space<vmem_shared>> -> memref<632xf32, #tpu.memory_space<vmem_shared>>
      %dma_start3A_32 = arith.constant 0 : i32
      %dma_start3A_33 = tpu.memref_slice %arg3[%dma_start3A_32] : memref<632xf32, #tpu.memory_space<hbm>> -> memref<632xf32, #tpu.memory_space<hbm>>
      tpu.enqueue_dma source(%dma_start3A_33 : memref<632xf32, #tpu.memory_space<hbm>>) target(%dma_start3A : memref<632xf32, #tpu.memory_space<vmem_shared>>) target_semaphore(%run_scoped3A_31 : memref<!tpu.dma_semaphore, #tpu.memory_space<semaphore_mem>>)
      %dma_wait3A = tpu.memref_slice %arg7[%mul3A_8] : memref<10128xf32, #tpu.memory_space<vmem_shared>> -> memref<632xf32, #tpu.memory_space<vmem_shared>>
      %dma_wait3A_34 = arith.constant 0 : i32
      %dma_wait3A_35 = tpu.memref_slice %arg3[%dma_wait3A_34] : memref<632xf32, #tpu.memory_space<hbm>> -> memref<632xf32, #tpu.memory_space<hbm>>
      tpu.wait_dma2 semaphore(%run_scoped3A_31 : memref<!tpu.dma_semaphore, #tpu.memory_space<semaphore_mem>>) src(%dma_wait3A_35 : memref<632xf32, #tpu.memory_space<hbm>>) dst(%dma_wait3A : memref<632xf32, #tpu.memory_space<vmem_shared>>)
      tpu.yield
    }) : () -> ()
    %eq3A = arith.constant 15 : i32
    %eq3A_9 = arith.cmpi eq, %arg1, %eq3A : i32
    %convert_element_type3A = arith.extui %eq3A_9 : i1 to i32
    %cond3A = arith.constant 0 : i32
    %cond3A_10 = arith.cmpi ne, %convert_element_type3A, %cond3A : i32
    scf.if %cond3A_10 {
      "tpu.region"() ({
        %run_scoped3A_31 = tpu.sem_alloc : memref<!tpu.dma_semaphore, #tpu.memory_space<semaphore_mem>>
        %dma_start3A = arith.constant 10112 : i32
        %dma_start3A_32 = tpu.memref_slice %arg7[%dma_start3A] : memref<10128xf32, #tpu.memory_space<vmem_shared>> -> memref<16xf32, #tpu.memory_space<vmem_shared>>
        %dma_start3A_33 = arith.constant 0 : i32
        %dma_start3A_34 = tpu.memref_slice %arg3[%dma_start3A_33] : memref<632xf32, #tpu.memory_space<hbm>> -> memref<16xf32, #tpu.memory_space<hbm>>
        tpu.enqueue_dma source(%dma_start3A_34 : memref<16xf32, #tpu.memory_space<hbm>>) target(%dma_start3A_32 : memref<16xf32, #tpu.memory_space<vmem_shared>>) target_semaphore(%run_scoped3A_31 : memref<!tpu.dma_semaphore, #tpu.memory_space<semaphore_mem>>)
        %dma_wait3A = arith.constant 10112 : i32
        %dma_wait3A_35 = tpu.memref_slice %arg7[%dma_wait3A] : memref<10128xf32, #tpu.memory_space<vmem_shared>> -> memref<16xf32, #tpu.memory_space<vmem_shared>>
        %dma_wait3A_36 = arith.constant 0 : i32
        %dma_wait3A_37 = tpu.memref_slice %arg3[%dma_wait3A_36] : memref<632xf32, #tpu.memory_space<hbm>> -> memref<16xf32, #tpu.memory_space<hbm>>
        tpu.wait_dma2 semaphore(%run_scoped3A_31 : memref<!tpu.dma_semaphore, #tpu.memory_space<semaphore_mem>>) src(%dma_wait3A_37 : memref<16xf32, #tpu.memory_space<hbm>>) dst(%dma_wait3A_35 : memref<16xf32, #tpu.memory_space<vmem_shared>>)
        tpu.yield
      }) : () -> ()
    } else {
    }
    %barrier3A = arith.constant 0 : index
    tpu.barrier barrier_id(%barrier3A)
    %scan3A_11 = arith.constant 0 : i32
    %scan3A_12 = arith.constant 125 : i32
    %scan3A_13 = arith.addi %scan3A_11, %scan3A_12 : i32
    %scan3A_14 = arith.constant 1 : i32
    scf.for %scan3A_31 = %scan3A_11 to %scan3A_13 step %scan3A_14  : i32 {
      %mul3A_32 = arith.constant 1 : i32
      %mul3A_33 = arith.muli %scan3A_31, %mul3A_32 : i32
      %add3A_34 = arith.constant 0 : i32
      %add3A_35 = arith.addi %add3A_34, %mul3A_33 : i32
      %mul3A_36 = arith.constant 80 : i32
      %mul3A_37 = arith.muli %add3A_35, %mul3A_36 : i32
      %dma_start3A = tpu.memref_slice %arg5[%mul3A_37] : memref<10000xi32, #tpu.memory_space<vmem>> -> memref<80xi32, #tpu.memory_space<vmem>>
      %dma_start3A_38 = arith.constant 0 : i32
      %dma_start3A_39 = tpu.memref_slice %arg7[%dma_start3A_38] : memref<10128xf32, #tpu.memory_space<vmem_shared>> -> memref<10128xf32, #tpu.memory_space<vmem_shared>>
      tpu.enqueue_indirect_dma source(%arg6 : memref<80xf32, #tpu.memory_space<vmem>>) target(%dma_start3A_39 : memref<10128xf32, #tpu.memory_space<vmem_shared>>) offsets(%dma_start3A : memref<80xi32, #tpu.memory_space<vmem>>) semaphore(%arg8 : memref<!tpu.dma_semaphore, #tpu.memory_space<semaphore_mem>>) {add = true}
    }
    %scan3A_15 = arith.constant 125 : i32
    %scan3A_16 = arith.constant 0 : i32
    %scan3A_17 = arith.constant 125 : i32
    %scan3A_18 = arith.addi %scan3A_16, %scan3A_17 : i32
    %scan3A_19 = arith.constant 1 : i32
    scf.for %scan3A_31 = %scan3A_16 to %scan3A_18 step %scan3A_19  : i32 {
      %mul3A_32 = arith.constant 1 : i32
      %mul3A_33 = arith.muli %scan3A_31, %mul3A_32 : i32
      %add3A_34 = arith.constant 0 : i32
      %add3A_35 = arith.addi %add3A_34, %mul3A_33 : i32
      %mul3A_36 = arith.constant 80 : i32
      %mul3A_37 = arith.muli %add3A_35, %mul3A_36 : i32
      %dma_wait3A = tpu.memref_slice %arg5[%mul3A_37] : memref<10000xi32, #tpu.memory_space<vmem>> -> memref<80xi32, #tpu.memory_space<vmem>>
      %dma_wait3A_38 = arith.constant 0 : i32
      %dma_wait3A_39 = tpu.memref_slice %arg7[%dma_wait3A_38] : memref<10128xf32, #tpu.memory_space<vmem_shared>> -> memref<10128xf32, #tpu.memory_space<vmem_shared>>
      tpu.wait_indirect_dma semaphore(%arg8 : memref<!tpu.dma_semaphore, #tpu.memory_space<semaphore_mem>>) src(%arg6 : memref<80xf32, #tpu.memory_space<vmem>>) dst(%dma_wait3A_39 : memref<10128xf32, #tpu.memory_space<vmem_shared>>)
    }
    %scan3A_20 = arith.constant 125 : i32
    %barrier3A_21 = arith.constant 0 : index
    tpu.barrier barrier_id(%barrier3A_21)
    %mul3A_22 = arith.constant 624 : i32
    %mul3A_23 = arith.muli %arg1, %mul3A_22 : i32
    %mul3A_24 = arith.constant 624 : i32
    %mul3A_25 = arith.muli %arg1, %mul3A_24 : i32
    "tpu.region"() ({
      %run_scoped3A_31 = tpu.sem_alloc : memref<!tpu.dma_semaphore, #tpu.memory_space<semaphore_mem>>
      %dma_start3A = arith.constant 0 : i32
      %dma_start3A_32 = tpu.memref_slice %arg4[%arg0, %dma_start3A] : memref<2x10000xf32, #tpu.memory_space<hbm>> -> memref<1x10000xf32, #tpu.memory_space<hbm>>
      %dma_start3A_33 = tpu.memref_squeeze %dma_start3A_32 : memref<1x10000xf32, #tpu.memory_space<hbm>> -> memref<10000xf32, #tpu.memory_space<hbm>>
      %dma_start3A_34 = tpu.memref_slice %dma_start3A_33[%mul3A_25] : memref<10000xf32, #tpu.memory_space<hbm>> -> memref<624xf32, #tpu.memory_space<hbm>>
      %dma_start3A_35 = tpu.memref_slice %arg7[%mul3A_23] : memref<10128xf32, #tpu.memory_space<vmem_shared>> -> memref<624xf32, #tpu.memory_space<vmem_shared>>
      tpu.enqueue_dma source(%dma_start3A_35 : memref<624xf32, #tpu.memory_space<vmem_shared>>) target(%dma_start3A_34 : memref<624xf32, #tpu.memory_space<hbm>>) target_semaphore(%run_scoped3A_31 : memref<!tpu.dma_semaphore, #tpu.memory_space<semaphore_mem>>)
      %dma_wait3A = arith.constant 0 : i32
      %dma_wait3A_36 = tpu.memref_slice %arg4[%arg0, %dma_wait3A] : memref<2x10000xf32, #tpu.memory_space<hbm>> -> memref<1x10000xf32, #tpu.memory_space<hbm>>
      %dma_wait3A_37 = tpu.memref_squeeze %dma_wait3A_36 : memref<1x10000xf32, #tpu.memory_space<hbm>> -> memref<10000xf32, #tpu.memory_space<hbm>>
      %dma_wait3A_38 = tpu.memref_slice %dma_wait3A_37[%mul3A_25] : memref<10000xf32, #tpu.memory_space<hbm>> -> memref<624xf32, #tpu.memory_space<hbm>>
      %dma_wait3A_39 = tpu.memref_slice %arg7[%mul3A_23] : memref<10128xf32, #tpu.memory_space<vmem_shared>> -> memref<624xf32, #tpu.memory_space<vmem_shared>>
      tpu.wait_dma2 semaphore(%run_scoped3A_31 : memref<!tpu.dma_semaphore, #tpu.memory_space<semaphore_mem>>) src(%dma_wait3A_39 : memref<624xf32, #tpu.memory_space<vmem_shared>>) dst(%dma_wait3A_38 : memref<624xf32, #tpu.memory_space<hbm>>)
      tpu.yield
    }) : () -> ()
    %eq3A_26 = arith.constant 15 : i32
    %eq3A_27 = arith.cmpi eq, %arg1, %eq3A_26 : i32
    %convert_element_type3A_28 = arith.extui %eq3A_27 : i1 to i32
    %cond3A_29 = arith.constant 0 : i32
    %cond3A_30 = arith.cmpi ne, %convert_element_type3A_28, %cond3A_29 : i32
    scf.if %cond3A_30 {
      "tpu.region"() ({
        %run_scoped3A_31 = tpu.sem_alloc : memref<!tpu.dma_semaphore, #tpu.memory_space<semaphore_mem>>
        %dma_start3A = arith.constant 0 : i32
        %dma_start3A_32 = tpu.memref_slice %arg4[%arg0, %dma_start3A] : memref<2x10000xf32, #tpu.memory_space<hbm>> -> memref<1x10000xf32, #tpu.memory_space<hbm>>
        %dma_start3A_33 = tpu.memref_squeeze %dma_start3A_32 : memref<1x10000xf32, #tpu.memory_space<hbm>> -> memref<10000xf32, #tpu.memory_space<hbm>>
        %dma_start3A_34 = arith.constant 9984 : i32
        %dma_start3A_35 = tpu.memref_slice %dma_start3A_33[%dma_start3A_34] : memref<10000xf32, #tpu.memory_space<hbm>> -> memref<16xf32, #tpu.memory_space<hbm>>
        %dma_start3A_36 = arith.constant 9984 : i32
        %dma_start3A_37 = tpu.memref_slice %arg7[%dma_start3A_36] : memref<10128xf32, #tpu.memory_space<vmem_shared>> -> memref<16xf32, #tpu.memory_space<vmem_shared>>
        tpu.enqueue_dma source(%dma_start3A_37 : memref<16xf32, #tpu.memory_space<vmem_shared>>) target(%dma_start3A_35 : memref<16xf32, #tpu.memory_space<hbm>>) target_semaphore(%run_scoped3A_31 : memref<!tpu.dma_semaphore, #tpu.memory_space<semaphore_mem>>)
        %dma_wait3A = arith.constant 0 : i32
        %dma_wait3A_38 = tpu.memref_slice %arg4[%arg0, %dma_wait3A] : memref<2x10000xf32, #tpu.memory_space<hbm>> -> memref<1x10000xf32, #tpu.memory_space<hbm>>
        %dma_wait3A_39 = tpu.memref_squeeze %dma_wait3A_38 : memref<1x10000xf32, #tpu.memory_space<hbm>> -> memref<10000xf32, #tpu.memory_space<hbm>>
        %dma_wait3A_40 = arith.constant 9984 : i32
        %dma_wait3A_41 = tpu.memref_slice %dma_wait3A_39[%dma_wait3A_40] : memref<10000xf32, #tpu.memory_space<hbm>> -> memref<16xf32, #tpu.memory_space<hbm>>
        %dma_wait3A_42 = arith.constant 9984 : i32
        %dma_wait3A_43 = tpu.memref_slice %arg7[%dma_wait3A_42] : memref<10128xf32, #tpu.memory_space<vmem_shared>> -> memref<16xf32, #tpu.memory_space<vmem_shared>>
        tpu.wait_dma2 semaphore(%run_scoped3A_31 : memref<!tpu.dma_semaphore, #tpu.memory_space<semaphore_mem>>) src(%dma_wait3A_43 : memref<16xf32, #tpu.memory_space<vmem_shared>>) dst(%dma_wait3A_41 : memref<16xf32, #tpu.memory_space<hbm>>)
        tpu.yield
      }) : () -> ()
    } else {
    }
    return
  }
}

#map = affine_map<(d0, d1) -> (0, 0)>
#map1 = affine_map<(d0, d1) -> (0, 0, 0)>
module attributes {stable_mosaic.version = 14 : i64} {
  func.func @sc_scatter_sum(%arg0: i32, %arg1: i32, %arg2: memref<10000x64xf32, #tpu.memory_space<hbm>>, %arg3: memref<2x320000xi32, #tpu.memory_space<hbm>>, %arg4: memref<632x64xf32, #tpu.memory_space<hbm>>, %arg5: memref<2x10000x64xf32, #tpu.memory_space<hbm>>, %arg6: memref<10000xi32, #tpu.memory_space<vmem>>, %arg7: memref<10000xi32, #tpu.memory_space<vmem>>, %arg8: memref<80x64xf32, #tpu.memory_space<vmem>>, %arg9: memref<80x64xf32, #tpu.memory_space<vmem>>, %arg10: memref<80x64xf32, #tpu.memory_space<vmem>>, %arg11: memref<80x64xf32, #tpu.memory_space<vmem>>, %arg12: memref<80x64xf32, #tpu.memory_space<vmem>>, %arg13: memref<80x64xf32, #tpu.memory_space<vmem>>, %arg14: memref<80x64xf32, #tpu.memory_space<vmem>>, %arg15: memref<80x64xf32, #tpu.memory_space<vmem>>, %arg16: memref<!tpu.dma_semaphore, #tpu.memory_space<semaphore_mem>>, %arg17: memref<!tpu.dma_semaphore, #tpu.memory_space<semaphore_mem>>, %arg18: memref<!tpu.dma_semaphore, #tpu.memory_space<semaphore_mem>>, %arg19: memref<!tpu.dma_semaphore, #tpu.memory_space<semaphore_mem>>, %arg20: memref<!tpu.dma_semaphore, #tpu.memory_space<semaphore_mem>>, %arg21: memref<!tpu.dma_semaphore, #tpu.memory_space<semaphore_mem>>, %arg22: memref<!tpu.dma_semaphore, #tpu.memory_space<semaphore_mem>>, %arg23: memref<!tpu.dma_semaphore, #tpu.memory_space<semaphore_mem>>, %arg24: memref<!tpu.dma_semaphore, #tpu.memory_space<semaphore_mem>>, %arg25: memref<!tpu.dma_semaphore, #tpu.memory_space<semaphore_mem>>, %arg26: memref<!tpu.dma_semaphore, #tpu.memory_space<semaphore_mem>>, %arg27: memref<!tpu.dma_semaphore, #tpu.memory_space<semaphore_mem>>, %arg28: memref<!tpu.dma_semaphore, #tpu.memory_space<semaphore_mem>>, %arg29: memref<!tpu.dma_semaphore, #tpu.memory_space<semaphore_mem>>, %arg30: memref<!tpu.dma_semaphore, #tpu.memory_space<semaphore_mem>>, %arg31: memref<!tpu.dma_semaphore, #tpu.memory_space<semaphore_mem>>, %arg32: memref<10128x64xf32, #tpu.memory_space<vmem_shared>>) attributes {dimension_semantics = [#tpu.dimension_semantics<core_parallel>, #tpu.dimension_semantics<subcore_parallel>], iteration_bounds = array<i64: 2, 16>, scalar_prefetch = 0 : i64, scratch_operands = 27 : i64, tpu.core_type = #tpu.core_type<sc_vector_subcore>, window_params = [{transform_indices = #map}, {transform_indices = #map}, {transform_indices = #map}, {transform_indices = #map1}]} {
    %mul3A = arith.constant 16 : i32
    %mul3A_0 = arith.muli %arg0, %mul3A : i32
    %add3A = arith.addi %mul3A_0, %arg1 : i32
    %mul3A_1 = arith.constant 10000 : i32
    %mul3A_2 = arith.muli %add3A, %mul3A_1 : i32
    %run_scoped3A = arith.constant 0 : i32
    "tpu.region"() ({
      %run_scoped3A_282 = tpu.sem_alloc : memref<!tpu.dma_semaphore, #tpu.memory_space<semaphore_mem>>
      %dma_start3A_283 = arith.constant 0 : i32
      %dma_start3A_284 = tpu.memref_slice %arg3[%run_scoped3A, %dma_start3A_283] : memref<2x320000xi32, #tpu.memory_space<hbm>> -> memref<1x320000xi32, #tpu.memory_space<hbm>>
      %dma_start3A_285 = tpu.memref_squeeze %dma_start3A_284 : memref<1x320000xi32, #tpu.memory_space<hbm>> -> memref<320000xi32, #tpu.memory_space<hbm>>
      %dma_start3A_286 = tpu.memref_slice %dma_start3A_285[%mul3A_2] : memref<320000xi32, #tpu.memory_space<hbm>> -> memref<10000xi32, #tpu.memory_space<hbm>>
      %dma_start3A_287 = arith.constant 0 : i32
      %dma_start3A_288 = tpu.memref_slice %arg3[%run_scoped3A, %dma_start3A_287] : memref<2x320000xi32, #tpu.memory_space<hbm>> -> memref<1x320000xi32, #tpu.memory_space<hbm>>
      %dma_start3A_289 = tpu.memref_squeeze %dma_start3A_288 : memref<1x320000xi32, #tpu.memory_space<hbm>> -> memref<320000xi32, #tpu.memory_space<hbm>>
      %dma_start3A_290 = tpu.memref_slice %dma_start3A_289[%mul3A_2] : memref<320000xi32, #tpu.memory_space<hbm>> -> memref<10000xi32, #tpu.memory_space<hbm>>
      tpu.enqueue_dma source(%dma_start3A_290 : memref<10000xi32, #tpu.memory_space<hbm>>) target(%arg6 : memref<10000xi32, #tpu.memory_space<vmem>>) target_semaphore(%run_scoped3A_282 : memref<!tpu.dma_semaphore, #tpu.memory_space<semaphore_mem>>)
      %dma_wait3A_291 = arith.constant 0 : i32
      %dma_wait3A_292 = tpu.memref_slice %arg3[%run_scoped3A, %dma_wait3A_291] : memref<2x320000xi32, #tpu.memory_space<hbm>> -> memref<1x320000xi32, #tpu.memory_space<hbm>>
      %dma_wait3A_293 = tpu.memref_squeeze %dma_wait3A_292 : memref<1x320000xi32, #tpu.memory_space<hbm>> -> memref<320000xi32, #tpu.memory_space<hbm>>
      %dma_wait3A_294 = tpu.memref_slice %dma_wait3A_293[%mul3A_2] : memref<320000xi32, #tpu.memory_space<hbm>> -> memref<10000xi32, #tpu.memory_space<hbm>>
      %dma_wait3A_295 = arith.constant 0 : i32
      %dma_wait3A_296 = tpu.memref_slice %arg3[%run_scoped3A, %dma_wait3A_295] : memref<2x320000xi32, #tpu.memory_space<hbm>> -> memref<1x320000xi32, #tpu.memory_space<hbm>>
      %dma_wait3A_297 = tpu.memref_squeeze %dma_wait3A_296 : memref<1x320000xi32, #tpu.memory_space<hbm>> -> memref<320000xi32, #tpu.memory_space<hbm>>
      %dma_wait3A_298 = tpu.memref_slice %dma_wait3A_297[%mul3A_2] : memref<320000xi32, #tpu.memory_space<hbm>> -> memref<10000xi32, #tpu.memory_space<hbm>>
      tpu.wait_dma2 semaphore(%run_scoped3A_282 : memref<!tpu.dma_semaphore, #tpu.memory_space<semaphore_mem>>) src(%dma_wait3A_298 : memref<10000xi32, #tpu.memory_space<hbm>>) dst(%arg6 : memref<10000xi32, #tpu.memory_space<vmem>>)
      tpu.yield
    }) : () -> ()
    %mul3A_3 = arith.constant 10000 : i32
    %mul3A_4 = arith.muli %add3A, %mul3A_3 : i32
    %run_scoped3A_5 = arith.constant 1 : i32
    "tpu.region"() ({
      %run_scoped3A_282 = tpu.sem_alloc : memref<!tpu.dma_semaphore, #tpu.memory_space<semaphore_mem>>
      %dma_start3A_283 = arith.constant 0 : i32
      %dma_start3A_284 = tpu.memref_slice %arg3[%run_scoped3A_5, %dma_start3A_283] : memref<2x320000xi32, #tpu.memory_space<hbm>> -> memref<1x320000xi32, #tpu.memory_space<hbm>>
      %dma_start3A_285 = tpu.memref_squeeze %dma_start3A_284 : memref<1x320000xi32, #tpu.memory_space<hbm>> -> memref<320000xi32, #tpu.memory_space<hbm>>
      %dma_start3A_286 = tpu.memref_slice %dma_start3A_285[%mul3A_4] : memref<320000xi32, #tpu.memory_space<hbm>> -> memref<10000xi32, #tpu.memory_space<hbm>>
      %dma_start3A_287 = arith.constant 0 : i32
      %dma_start3A_288 = tpu.memref_slice %arg3[%run_scoped3A_5, %dma_start3A_287] : memref<2x320000xi32, #tpu.memory_space<hbm>> -> memref<1x320000xi32, #tpu.memory_space<hbm>>
      %dma_start3A_289 = tpu.memref_squeeze %dma_start3A_288 : memref<1x320000xi32, #tpu.memory_space<hbm>> -> memref<320000xi32, #tpu.memory_space<hbm>>
      %dma_start3A_290 = tpu.memref_slice %dma_start3A_289[%mul3A_4] : memref<320000xi32, #tpu.memory_space<hbm>> -> memref<10000xi32, #tpu.memory_space<hbm>>
      tpu.enqueue_dma source(%dma_start3A_290 : memref<10000xi32, #tpu.memory_space<hbm>>) target(%arg7 : memref<10000xi32, #tpu.memory_space<vmem>>) target_semaphore(%run_scoped3A_282 : memref<!tpu.dma_semaphore, #tpu.memory_space<semaphore_mem>>)
      %dma_wait3A_291 = arith.constant 0 : i32
      %dma_wait3A_292 = tpu.memref_slice %arg3[%run_scoped3A_5, %dma_wait3A_291] : memref<2x320000xi32, #tpu.memory_space<hbm>> -> memref<1x320000xi32, #tpu.memory_space<hbm>>
      %dma_wait3A_293 = tpu.memref_squeeze %dma_wait3A_292 : memref<1x320000xi32, #tpu.memory_space<hbm>> -> memref<320000xi32, #tpu.memory_space<hbm>>
      %dma_wait3A_294 = tpu.memref_slice %dma_wait3A_293[%mul3A_4] : memref<320000xi32, #tpu.memory_space<hbm>> -> memref<10000xi32, #tpu.memory_space<hbm>>
      %dma_wait3A_295 = arith.constant 0 : i32
      %dma_wait3A_296 = tpu.memref_slice %arg3[%run_scoped3A_5, %dma_wait3A_295] : memref<2x320000xi32, #tpu.memory_space<hbm>> -> memref<1x320000xi32, #tpu.memory_space<hbm>>
      %dma_wait3A_297 = tpu.memref_squeeze %dma_wait3A_296 : memref<1x320000xi32, #tpu.memory_space<hbm>> -> memref<320000xi32, #tpu.memory_space<hbm>>
      %dma_wait3A_298 = tpu.memref_slice %dma_wait3A_297[%mul3A_4] : memref<320000xi32, #tpu.memory_space<hbm>> -> memref<10000xi32, #tpu.memory_space<hbm>>
      tpu.wait_dma2 semaphore(%run_scoped3A_282 : memref<!tpu.dma_semaphore, #tpu.memory_space<semaphore_mem>>) src(%dma_wait3A_298 : memref<10000xi32, #tpu.memory_space<hbm>>) dst(%arg7 : memref<10000xi32, #tpu.memory_space<vmem>>)
      tpu.yield
    }) : () -> ()
    %mul3A_6 = arith.constant 632 : i32
    %mul3A_7 = arith.muli %arg1, %mul3A_6 : i32
    "tpu.region"() ({
      %run_scoped3A_282 = tpu.sem_alloc : memref<!tpu.dma_semaphore, #tpu.memory_space<semaphore_mem>>
      %dma_start3A_283 = arith.constant 0 : i32
      %dma_start3A_284 = tpu.memref_slice %arg32[%mul3A_7, %dma_start3A_283] : memref<10128x64xf32, #tpu.memory_space<vmem_shared>> -> memref<632x64xf32, #tpu.memory_space<vmem_shared>>
      %dma_start3A_285 = arith.constant 0 : i32
      %dma_start3A_286 = arith.constant 0 : i32
      %dma_start3A_287 = tpu.memref_slice %arg4[%dma_start3A_285, %dma_start3A_286] : memref<632x64xf32, #tpu.memory_space<hbm>> -> memref<632x64xf32, #tpu.memory_space<hbm>>
      tpu.enqueue_dma source(%dma_start3A_287 : memref<632x64xf32, #tpu.memory_space<hbm>>) target(%dma_start3A_284 : memref<632x64xf32, #tpu.memory_space<vmem_shared>>) target_semaphore(%run_scoped3A_282 : memref<!tpu.dma_semaphore, #tpu.memory_space<semaphore_mem>>)
      %dma_wait3A_288 = arith.constant 0 : i32
      %dma_wait3A_289 = tpu.memref_slice %arg32[%mul3A_7, %dma_wait3A_288] : memref<10128x64xf32, #tpu.memory_space<vmem_shared>> -> memref<632x64xf32, #tpu.memory_space<vmem_shared>>
      %dma_wait3A_290 = arith.constant 0 : i32
      %dma_wait3A_291 = arith.constant 0 : i32
      %dma_wait3A_292 = tpu.memref_slice %arg4[%dma_wait3A_290, %dma_wait3A_291] : memref<632x64xf32, #tpu.memory_space<hbm>> -> memref<632x64xf32, #tpu.memory_space<hbm>>
      tpu.wait_dma2 semaphore(%run_scoped3A_282 : memref<!tpu.dma_semaphore, #tpu.memory_space<semaphore_mem>>) src(%dma_wait3A_292 : memref<632x64xf32, #tpu.memory_space<hbm>>) dst(%dma_wait3A_289 : memref<632x64xf32, #tpu.memory_space<vmem_shared>>)
      tpu.yield
    }) : () -> ()
    %eq3A = arith.constant 15 : i32
    %eq3A_8 = arith.cmpi eq, %arg1, %eq3A : i32
    %convert_element_type3A = arith.extui %eq3A_8 : i1 to i32
    %cond3A = arith.constant 0 : i32
    %cond3A_9 = arith.cmpi ne, %convert_element_type3A, %cond3A : i32
    scf.if %cond3A_9 {
      "tpu.region"() ({
        %run_scoped3A_282 = tpu.sem_alloc : memref<!tpu.dma_semaphore, #tpu.memory_space<semaphore_mem>>
        %dma_start3A_283 = arith.constant 10112 : i32
        %dma_start3A_284 = arith.constant 0 : i32
        %dma_start3A_285 = tpu.memref_slice %arg32[%dma_start3A_283, %dma_start3A_284] : memref<10128x64xf32, #tpu.memory_space<vmem_shared>> -> memref<16x64xf32, #tpu.memory_space<vmem_shared>>
        %dma_start3A_286 = arith.constant 0 : i32
        %dma_start3A_287 = arith.constant 0 : i32
        %dma_start3A_288 = tpu.memref_slice %arg4[%dma_start3A_286, %dma_start3A_287] : memref<632x64xf32, #tpu.memory_space<hbm>> -> memref<16x64xf32, #tpu.memory_space<hbm>>
        tpu.enqueue_dma source(%dma_start3A_288 : memref<16x64xf32, #tpu.memory_space<hbm>>) target(%dma_start3A_285 : memref<16x64xf32, #tpu.memory_space<vmem_shared>>) target_semaphore(%run_scoped3A_282 : memref<!tpu.dma_semaphore, #tpu.memory_space<semaphore_mem>>)
        %dma_wait3A_289 = arith.constant 10112 : i32
        %dma_wait3A_290 = arith.constant 0 : i32
        %dma_wait3A_291 = tpu.memref_slice %arg32[%dma_wait3A_289, %dma_wait3A_290] : memref<10128x64xf32, #tpu.memory_space<vmem_shared>> -> memref<16x64xf32, #tpu.memory_space<vmem_shared>>
        %dma_wait3A_292 = arith.constant 0 : i32
        %dma_wait3A_293 = arith.constant 0 : i32
        %dma_wait3A_294 = tpu.memref_slice %arg4[%dma_wait3A_292, %dma_wait3A_293] : memref<632x64xf32, #tpu.memory_space<hbm>> -> memref<16x64xf32, #tpu.memory_space<hbm>>
        tpu.wait_dma2 semaphore(%run_scoped3A_282 : memref<!tpu.dma_semaphore, #tpu.memory_space<semaphore_mem>>) src(%dma_wait3A_294 : memref<16x64xf32, #tpu.memory_space<hbm>>) dst(%dma_wait3A_291 : memref<16x64xf32, #tpu.memory_space<vmem_shared>>)
        tpu.yield
      }) : () -> ()
    } else {
    }
    %barrier3A = arith.constant 0 : index
    tpu.barrier barrier_id(%barrier3A)
    %dma_start3A = arith.constant 0 : i32
    %dma_start3A_10 = tpu.memref_slice %arg6[%dma_start3A] : memref<10000xi32, #tpu.memory_space<vmem>> -> memref<80xi32, #tpu.memory_space<vmem>>
    %dma_start3A_11 = arith.constant 0 : i32
    %dma_start3A_12 = arith.constant 0 : i32
    %dma_start3A_13 = tpu.memref_slice %arg2[%dma_start3A_11, %dma_start3A_12] : memref<10000x64xf32, #tpu.memory_space<hbm>> -> memref<10000x64xf32, #tpu.memory_space<hbm>>
    tpu.enqueue_indirect_dma source(%dma_start3A_13 : memref<10000x64xf32, #tpu.memory_space<hbm>>) target(%arg8 : memref<80x64xf32, #tpu.memory_space<vmem>>) offsets(%dma_start3A_10 : memref<80xi32, #tpu.memory_space<vmem>>) semaphore(%arg16 : memref<!tpu.dma_semaphore, #tpu.memory_space<semaphore_mem>>)
    %dma_start3A_14 = arith.constant 80 : i32
    %dma_start3A_15 = tpu.memref_slice %arg6[%dma_start3A_14] : memref<10000xi32, #tpu.memory_space<vmem>> -> memref<80xi32, #tpu.memory_space<vmem>>
    %dma_start3A_16 = arith.constant 0 : i32
    %dma_start3A_17 = arith.constant 0 : i32
    %dma_start3A_18 = tpu.memref_slice %arg2[%dma_start3A_16, %dma_start3A_17] : memref<10000x64xf32, #tpu.memory_space<hbm>> -> memref<10000x64xf32, #tpu.memory_space<hbm>>
    tpu.enqueue_indirect_dma source(%dma_start3A_18 : memref<10000x64xf32, #tpu.memory_space<hbm>>) target(%arg9 : memref<80x64xf32, #tpu.memory_space<vmem>>) offsets(%dma_start3A_15 : memref<80xi32, #tpu.memory_space<vmem>>) semaphore(%arg17 : memref<!tpu.dma_semaphore, #tpu.memory_space<semaphore_mem>>)
    %dma_start3A_19 = arith.constant 160 : i32
    %dma_start3A_20 = tpu.memref_slice %arg6[%dma_start3A_19] : memref<10000xi32, #tpu.memory_space<vmem>> -> memref<80xi32, #tpu.memory_space<vmem>>
    %dma_start3A_21 = arith.constant 0 : i32
    %dma_start3A_22 = arith.constant 0 : i32
    %dma_start3A_23 = tpu.memref_slice %arg2[%dma_start3A_21, %dma_start3A_22] : memref<10000x64xf32, #tpu.memory_space<hbm>> -> memref<10000x64xf32, #tpu.memory_space<hbm>>
    tpu.enqueue_indirect_dma source(%dma_start3A_23 : memref<10000x64xf32, #tpu.memory_space<hbm>>) target(%arg10 : memref<80x64xf32, #tpu.memory_space<vmem>>) offsets(%dma_start3A_20 : memref<80xi32, #tpu.memory_space<vmem>>) semaphore(%arg18 : memref<!tpu.dma_semaphore, #tpu.memory_space<semaphore_mem>>)
    %dma_start3A_24 = arith.constant 240 : i32
    %dma_start3A_25 = tpu.memref_slice %arg6[%dma_start3A_24] : memref<10000xi32, #tpu.memory_space<vmem>> -> memref<80xi32, #tpu.memory_space<vmem>>
    %dma_start3A_26 = arith.constant 0 : i32
    %dma_start3A_27 = arith.constant 0 : i32
    %dma_start3A_28 = tpu.memref_slice %arg2[%dma_start3A_26, %dma_start3A_27] : memref<10000x64xf32, #tpu.memory_space<hbm>> -> memref<10000x64xf32, #tpu.memory_space<hbm>>
    tpu.enqueue_indirect_dma source(%dma_start3A_28 : memref<10000x64xf32, #tpu.memory_space<hbm>>) target(%arg11 : memref<80x64xf32, #tpu.memory_space<vmem>>) offsets(%dma_start3A_25 : memref<80xi32, #tpu.memory_space<vmem>>) semaphore(%arg19 : memref<!tpu.dma_semaphore, #tpu.memory_space<semaphore_mem>>)
    %dma_start3A_29 = arith.constant 320 : i32
    %dma_start3A_30 = tpu.memref_slice %arg6[%dma_start3A_29] : memref<10000xi32, #tpu.memory_space<vmem>> -> memref<80xi32, #tpu.memory_space<vmem>>
    %dma_start3A_31 = arith.constant 0 : i32
    %dma_start3A_32 = arith.constant 0 : i32
    %dma_start3A_33 = tpu.memref_slice %arg2[%dma_start3A_31, %dma_start3A_32] : memref<10000x64xf32, #tpu.memory_space<hbm>> -> memref<10000x64xf32, #tpu.memory_space<hbm>>
    tpu.enqueue_indirect_dma source(%dma_start3A_33 : memref<10000x64xf32, #tpu.memory_space<hbm>>) target(%arg12 : memref<80x64xf32, #tpu.memory_space<vmem>>) offsets(%dma_start3A_30 : memref<80xi32, #tpu.memory_space<vmem>>) semaphore(%arg20 : memref<!tpu.dma_semaphore, #tpu.memory_space<semaphore_mem>>)
    %dma_start3A_34 = arith.constant 400 : i32
    %dma_start3A_35 = tpu.memref_slice %arg6[%dma_start3A_34] : memref<10000xi32, #tpu.memory_space<vmem>> -> memref<80xi32, #tpu.memory_space<vmem>>
    %dma_start3A_36 = arith.constant 0 : i32
    %dma_start3A_37 = arith.constant 0 : i32
    %dma_start3A_38 = tpu.memref_slice %arg2[%dma_start3A_36, %dma_start3A_37] : memref<10000x64xf32, #tpu.memory_space<hbm>> -> memref<10000x64xf32, #tpu.memory_space<hbm>>
    tpu.enqueue_indirect_dma source(%dma_start3A_38 : memref<10000x64xf32, #tpu.memory_space<hbm>>) target(%arg13 : memref<80x64xf32, #tpu.memory_space<vmem>>) offsets(%dma_start3A_35 : memref<80xi32, #tpu.memory_space<vmem>>) semaphore(%arg21 : memref<!tpu.dma_semaphore, #tpu.memory_space<semaphore_mem>>)
    %dma_start3A_39 = arith.constant 480 : i32
    %dma_start3A_40 = tpu.memref_slice %arg6[%dma_start3A_39] : memref<10000xi32, #tpu.memory_space<vmem>> -> memref<80xi32, #tpu.memory_space<vmem>>
    %dma_start3A_41 = arith.constant 0 : i32
    %dma_start3A_42 = arith.constant 0 : i32
    %dma_start3A_43 = tpu.memref_slice %arg2[%dma_start3A_41, %dma_start3A_42] : memref<10000x64xf32, #tpu.memory_space<hbm>> -> memref<10000x64xf32, #tpu.memory_space<hbm>>
    tpu.enqueue_indirect_dma source(%dma_start3A_43 : memref<10000x64xf32, #tpu.memory_space<hbm>>) target(%arg14 : memref<80x64xf32, #tpu.memory_space<vmem>>) offsets(%dma_start3A_40 : memref<80xi32, #tpu.memory_space<vmem>>) semaphore(%arg22 : memref<!tpu.dma_semaphore, #tpu.memory_space<semaphore_mem>>)
    %dma_start3A_44 = arith.constant 560 : i32
    %dma_start3A_45 = tpu.memref_slice %arg6[%dma_start3A_44] : memref<10000xi32, #tpu.memory_space<vmem>> -> memref<80xi32, #tpu.memory_space<vmem>>
    %dma_start3A_46 = arith.constant 0 : i32
    %dma_start3A_47 = arith.constant 0 : i32
    %dma_start3A_48 = tpu.memref_slice %arg2[%dma_start3A_46, %dma_start3A_47] : memref<10000x64xf32, #tpu.memory_space<hbm>> -> memref<10000x64xf32, #tpu.memory_space<hbm>>
    tpu.enqueue_indirect_dma source(%dma_start3A_48 : memref<10000x64xf32, #tpu.memory_space<hbm>>) target(%arg15 : memref<80x64xf32, #tpu.memory_space<vmem>>) offsets(%dma_start3A_45 : memref<80xi32, #tpu.memory_space<vmem>>) semaphore(%arg23 : memref<!tpu.dma_semaphore, #tpu.memory_space<semaphore_mem>>)
    %scan3A = arith.constant 0 : i32
    %scan3A_49 = arith.constant 14 : i32
    %scan3A_50 = arith.addi %scan3A, %scan3A_49 : i32
    %scan3A_51 = arith.constant 1 : i32
    scf.for %scan3A_282 = %scan3A to %scan3A_50 step %scan3A_51  : i32 {
      %mul3A_283 = arith.constant 1 : i32
      %mul3A_284 = arith.muli %scan3A_282, %mul3A_283 : i32
      %add3A_285 = arith.constant 0 : i32
      %add3A_286 = arith.addi %add3A_285, %mul3A_284 : i32
      %mul3A_287 = arith.constant 8 : i32
      %mul3A_288 = arith.muli %add3A_286, %mul3A_287 : i32
      %add3A_289 = arith.constant 0 : i32
      %add3A_290 = arith.addi %mul3A_288, %add3A_289 : i32
      %mul3A_291 = arith.constant 80 : i32
      %mul3A_292 = arith.muli %add3A_290, %mul3A_291 : i32
      %dma_wait3A_293 = tpu.memref_slice %arg6[%mul3A_292] : memref<10000xi32, #tpu.memory_space<vmem>> -> memref<80xi32, #tpu.memory_space<vmem>>
      %dma_wait3A_294 = arith.constant 0 : i32
      %dma_wait3A_295 = arith.constant 0 : i32
      %dma_wait3A_296 = tpu.memref_slice %arg2[%dma_wait3A_294, %dma_wait3A_295] : memref<10000x64xf32, #tpu.memory_space<hbm>> -> memref<10000x64xf32, #tpu.memory_space<hbm>>
      tpu.wait_indirect_dma semaphore(%arg16 : memref<!tpu.dma_semaphore, #tpu.memory_space<semaphore_mem>>) src(%dma_wait3A_296 : memref<10000x64xf32, #tpu.memory_space<hbm>>) dst(%arg8 : memref<80x64xf32, #tpu.memory_space<vmem>>)
      %mul3A_297 = arith.constant 80 : i32
      %mul3A_298 = arith.muli %add3A_290, %mul3A_297 : i32
      %dma_start3A_299 = tpu.memref_slice %arg7[%mul3A_298] : memref<10000xi32, #tpu.memory_space<vmem>> -> memref<80xi32, #tpu.memory_space<vmem>>
      %dma_start3A_300 = arith.constant 0 : i32
      %dma_start3A_301 = arith.constant 0 : i32
      %dma_start3A_302 = tpu.memref_slice %arg32[%dma_start3A_300, %dma_start3A_301] : memref<10128x64xf32, #tpu.memory_space<vmem_shared>> -> memref<10128x64xf32, #tpu.memory_space<vmem_shared>>
      tpu.enqueue_indirect_dma source(%arg8 : memref<80x64xf32, #tpu.memory_space<vmem>>) target(%dma_start3A_302 : memref<10128x64xf32, #tpu.memory_space<vmem_shared>>) offsets(%dma_start3A_299 : memref<80xi32, #tpu.memory_space<vmem>>) semaphore(%arg24 : memref<!tpu.dma_semaphore, #tpu.memory_space<semaphore_mem>>) {add = true}
      %add3A_303 = arith.constant 1 : i32
      %add3A_304 = arith.addi %mul3A_288, %add3A_303 : i32
      %mul3A_305 = arith.constant 80 : i32
      %mul3A_306 = arith.muli %add3A_304, %mul3A_305 : i32
      %dma_wait3A_307 = tpu.memref_slice %arg6[%mul3A_306] : memref<10000xi32, #tpu.memory_space<vmem>> -> memref<80xi32, #tpu.memory_space<vmem>>
      %dma_wait3A_308 = arith.constant 0 : i32
      %dma_wait3A_309 = arith.constant 0 : i32
      %dma_wait3A_310 = tpu.memref_slice %arg2[%dma_wait3A_308, %dma_wait3A_309] : memref<10000x64xf32, #tpu.memory_space<hbm>> -> memref<10000x64xf32, #tpu.memory_space<hbm>>
      tpu.wait_indirect_dma semaphore(%arg17 : memref<!tpu.dma_semaphore, #tpu.memory_space<semaphore_mem>>) src(%dma_wait3A_310 : memref<10000x64xf32, #tpu.memory_space<hbm>>) dst(%arg9 : memref<80x64xf32, #tpu.memory_space<vmem>>)
      %mul3A_311 = arith.constant 80 : i32
      %mul3A_312 = arith.muli %add3A_304, %mul3A_311 : i32
      %dma_start3A_313 = tpu.memref_slice %arg7[%mul3A_312] : memref<10000xi32, #tpu.memory_space<vmem>> -> memref<80xi32, #tpu.memory_space<vmem>>
      %dma_start3A_314 = arith.constant 0 : i32
      %dma_start3A_315 = arith.constant 0 : i32
      %dma_start3A_316 = tpu.memref_slice %arg32[%dma_start3A_314, %dma_start3A_315] : memref<10128x64xf32, #tpu.memory_space<vmem_shared>> -> memref<10128x64xf32, #tpu.memory_space<vmem_shared>>
      tpu.enqueue_indirect_dma source(%arg9 : memref<80x64xf32, #tpu.memory_space<vmem>>) target(%dma_start3A_316 : memref<10128x64xf32, #tpu.memory_space<vmem_shared>>) offsets(%dma_start3A_313 : memref<80xi32, #tpu.memory_space<vmem>>) semaphore(%arg25 : memref<!tpu.dma_semaphore, #tpu.memory_space<semaphore_mem>>) {add = true}
      %add3A_317 = arith.constant 2 : i32
      %add3A_318 = arith.addi %mul3A_288, %add3A_317 : i32
      %mul3A_319 = arith.constant 80 : i32
      %mul3A_320 = arith.muli %add3A_318, %mul3A_319 : i32
      %dma_wait3A_321 = tpu.memref_slice %arg6[%mul3A_320] : memref<10000xi32, #tpu.memory_space<vmem>> -> memref<80xi32, #tpu.memory_space<vmem>>
      %dma_wait3A_322 = arith.constant 0 : i32
      %dma_wait3A_323 = arith.constant 0 : i32
      %dma_wait3A_324 = tpu.memref_slice %arg2[%dma_wait3A_322, %dma_wait3A_323] : memref<10000x64xf32, #tpu.memory_space<hbm>> -> memref<10000x64xf32, #tpu.memory_space<hbm>>
      tpu.wait_indirect_dma semaphore(%arg18 : memref<!tpu.dma_semaphore, #tpu.memory_space<semaphore_mem>>) src(%dma_wait3A_324 : memref<10000x64xf32, #tpu.memory_space<hbm>>) dst(%arg10 : memref<80x64xf32, #tpu.memory_space<vmem>>)
      %mul3A_325 = arith.constant 80 : i32
      %mul3A_326 = arith.muli %add3A_318, %mul3A_325 : i32
      %dma_start3A_327 = tpu.memref_slice %arg7[%mul3A_326] : memref<10000xi32, #tpu.memory_space<vmem>> -> memref<80xi32, #tpu.memory_space<vmem>>
      %dma_start3A_328 = arith.constant 0 : i32
      %dma_start3A_329 = arith.constant 0 : i32
      %dma_start3A_330 = tpu.memref_slice %arg32[%dma_start3A_328, %dma_start3A_329] : memref<10128x64xf32, #tpu.memory_space<vmem_shared>> -> memref<10128x64xf32, #tpu.memory_space<vmem_shared>>
      tpu.enqueue_indirect_dma source(%arg10 : memref<80x64xf32, #tpu.memory_space<vmem>>) target(%dma_start3A_330 : memref<10128x64xf32, #tpu.memory_space<vmem_shared>>) offsets(%dma_start3A_327 : memref<80xi32, #tpu.memory_space<vmem>>) semaphore(%arg26 : memref<!tpu.dma_semaphore, #tpu.memory_space<semaphore_mem>>) {add = true}
      %add3A_331 = arith.constant 3 : i32
      %add3A_332 = arith.addi %mul3A_288, %add3A_331 : i32
      %mul3A_333 = arith.constant 80 : i32
      %mul3A_334 = arith.muli %add3A_332, %mul3A_333 : i32
      %dma_wait3A_335 = tpu.memref_slice %arg6[%mul3A_334] : memref<10000xi32, #tpu.memory_space<vmem>> -> memref<80xi32, #tpu.memory_space<vmem>>
      %dma_wait3A_336 = arith.constant 0 : i32
      %dma_wait3A_337 = arith.constant 0 : i32
      %dma_wait3A_338 = tpu.memref_slice %arg2[%dma_wait3A_336, %dma_wait3A_337] : memref<10000x64xf32, #tpu.memory_space<hbm>> -> memref<10000x64xf32, #tpu.memory_space<hbm>>
      tpu.wait_indirect_dma semaphore(%arg19 : memref<!tpu.dma_semaphore, #tpu.memory_space<semaphore_mem>>) src(%dma_wait3A_338 : memref<10000x64xf32, #tpu.memory_space<hbm>>) dst(%arg11 : memref<80x64xf32, #tpu.memory_space<vmem>>)
      %mul3A_339 = arith.constant 80 : i32
      %mul3A_340 = arith.muli %add3A_332, %mul3A_339 : i32
      %dma_start3A_341 = tpu.memref_slice %arg7[%mul3A_340] : memref<10000xi32, #tpu.memory_space<vmem>> -> memref<80xi32, #tpu.memory_space<vmem>>
      %dma_start3A_342 = arith.constant 0 : i32
      %dma_start3A_343 = arith.constant 0 : i32
      %dma_start3A_344 = tpu.memref_slice %arg32[%dma_start3A_342, %dma_start3A_343] : memref<10128x64xf32, #tpu.memory_space<vmem_shared>> -> memref<10128x64xf32, #tpu.memory_space<vmem_shared>>
      tpu.enqueue_indirect_dma source(%arg11 : memref<80x64xf32, #tpu.memory_space<vmem>>) target(%dma_start3A_344 : memref<10128x64xf32, #tpu.memory_space<vmem_shared>>) offsets(%dma_start3A_341 : memref<80xi32, #tpu.memory_space<vmem>>) semaphore(%arg27 : memref<!tpu.dma_semaphore, #tpu.memory_space<semaphore_mem>>) {add = true}
      %add3A_345 = arith.constant 4 : i32
      %add3A_346 = arith.addi %mul3A_288, %add3A_345 : i32
      %mul3A_347 = arith.constant 80 : i32
      %mul3A_348 = arith.muli %add3A_346, %mul3A_347 : i32
      %dma_wait3A_349 = tpu.memref_slice %arg6[%mul3A_348] : memref<10000xi32, #tpu.memory_space<vmem>> -> memref<80xi32, #tpu.memory_space<vmem>>
      %dma_wait3A_350 = arith.constant 0 : i32
      %dma_wait3A_351 = arith.constant 0 : i32
      %dma_wait3A_352 = tpu.memref_slice %arg2[%dma_wait3A_350, %dma_wait3A_351] : memref<10000x64xf32, #tpu.memory_space<hbm>> -> memref<10000x64xf32, #tpu.memory_space<hbm>>
      tpu.wait_indirect_dma semaphore(%arg20 : memref<!tpu.dma_semaphore, #tpu.memory_space<semaphore_mem>>) src(%dma_wait3A_352 : memref<10000x64xf32, #tpu.memory_space<hbm>>) dst(%arg12 : memref<80x64xf32, #tpu.memory_space<vmem>>)
      %mul3A_353 = arith.constant 80 : i32
      %mul3A_354 = arith.muli %add3A_346, %mul3A_353 : i32
      %dma_start3A_355 = tpu.memref_slice %arg7[%mul3A_354] : memref<10000xi32, #tpu.memory_space<vmem>> -> memref<80xi32, #tpu.memory_space<vmem>>
      %dma_start3A_356 = arith.constant 0 : i32
      %dma_start3A_357 = arith.constant 0 : i32
      %dma_start3A_358 = tpu.memref_slice %arg32[%dma_start3A_356, %dma_start3A_357] : memref<10128x64xf32, #tpu.memory_space<vmem_shared>> -> memref<10128x64xf32, #tpu.memory_space<vmem_shared>>
      tpu.enqueue_indirect_dma source(%arg12 : memref<80x64xf32, #tpu.memory_space<vmem>>) target(%dma_start3A_358 : memref<10128x64xf32, #tpu.memory_space<vmem_shared>>) offsets(%dma_start3A_355 : memref<80xi32, #tpu.memory_space<vmem>>) semaphore(%arg28 : memref<!tpu.dma_semaphore, #tpu.memory_space<semaphore_mem>>) {add = true}
      %add3A_359 = arith.constant 5 : i32
      %add3A_360 = arith.addi %mul3A_288, %add3A_359 : i32
      %mul3A_361 = arith.constant 80 : i32
      %mul3A_362 = arith.muli %add3A_360, %mul3A_361 : i32
      %dma_wait3A_363 = tpu.memref_slice %arg6[%mul3A_362] : memref<10000xi32, #tpu.memory_space<vmem>> -> memref<80xi32, #tpu.memory_space<vmem>>
      %dma_wait3A_364 = arith.constant 0 : i32
      %dma_wait3A_365 = arith.constant 0 : i32
      %dma_wait3A_366 = tpu.memref_slice %arg2[%dma_wait3A_364, %dma_wait3A_365] : memref<10000x64xf32, #tpu.memory_space<hbm>> -> memref<10000x64xf32, #tpu.memory_space<hbm>>
      tpu.wait_indirect_dma semaphore(%arg21 : memref<!tpu.dma_semaphore, #tpu.memory_space<semaphore_mem>>) src(%dma_wait3A_366 : memref<10000x64xf32, #tpu.memory_space<hbm>>) dst(%arg13 : memref<80x64xf32, #tpu.memory_space<vmem>>)
      %mul3A_367 = arith.constant 80 : i32
      %mul3A_368 = arith.muli %add3A_360, %mul3A_367 : i32
      %dma_start3A_369 = tpu.memref_slice %arg7[%mul3A_368] : memref<10000xi32, #tpu.memory_space<vmem>> -> memref<80xi32, #tpu.memory_space<vmem>>
      %dma_start3A_370 = arith.constant 0 : i32
      %dma_start3A_371 = arith.constant 0 : i32
      %dma_start3A_372 = tpu.memref_slice %arg32[%dma_start3A_370, %dma_start3A_371] : memref<10128x64xf32, #tpu.memory_space<vmem_shared>> -> memref<10128x64xf32, #tpu.memory_space<vmem_shared>>
      tpu.enqueue_indirect_dma source(%arg13 : memref<80x64xf32, #tpu.memory_space<vmem>>) target(%dma_start3A_372 : memref<10128x64xf32, #tpu.memory_space<vmem_shared>>) offsets(%dma_start3A_369 : memref<80xi32, #tpu.memory_space<vmem>>) semaphore(%arg29 : memref<!tpu.dma_semaphore, #tpu.memory_space<semaphore_mem>>) {add = true}
      %add3A_373 = arith.constant 6 : i32
      %add3A_374 = arith.addi %mul3A_288, %add3A_373 : i32
      %mul3A_375 = arith.constant 80 : i32
      %mul3A_376 = arith.muli %add3A_374, %mul3A_375 : i32
      %dma_wait3A_377 = tpu.memref_slice %arg6[%mul3A_376] : memref<10000xi32, #tpu.memory_space<vmem>> -> memref<80xi32, #tpu.memory_space<vmem>>
      %dma_wait3A_378 = arith.constant 0 : i32
      %dma_wait3A_379 = arith.constant 0 : i32
      %dma_wait3A_380 = tpu.memref_slice %arg2[%dma_wait3A_378, %dma_wait3A_379] : memref<10000x64xf32, #tpu.memory_space<hbm>> -> memref<10000x64xf32, #tpu.memory_space<hbm>>
      tpu.wait_indirect_dma semaphore(%arg22 : memref<!tpu.dma_semaphore, #tpu.memory_space<semaphore_mem>>) src(%dma_wait3A_380 : memref<10000x64xf32, #tpu.memory_space<hbm>>) dst(%arg14 : memref<80x64xf32, #tpu.memory_space<vmem>>)
      %mul3A_381 = arith.constant 80 : i32
      %mul3A_382 = arith.muli %add3A_374, %mul3A_381 : i32
      %dma_start3A_383 = tpu.memref_slice %arg7[%mul3A_382] : memref<10000xi32, #tpu.memory_space<vmem>> -> memref<80xi32, #tpu.memory_space<vmem>>
      %dma_start3A_384 = arith.constant 0 : i32
      %dma_start3A_385 = arith.constant 0 : i32
      %dma_start3A_386 = tpu.memref_slice %arg32[%dma_start3A_384, %dma_start3A_385] : memref<10128x64xf32, #tpu.memory_space<vmem_shared>> -> memref<10128x64xf32, #tpu.memory_space<vmem_shared>>
      tpu.enqueue_indirect_dma source(%arg14 : memref<80x64xf32, #tpu.memory_space<vmem>>) target(%dma_start3A_386 : memref<10128x64xf32, #tpu.memory_space<vmem_shared>>) offsets(%dma_start3A_383 : memref<80xi32, #tpu.memory_space<vmem>>) semaphore(%arg30 : memref<!tpu.dma_semaphore, #tpu.memory_space<semaphore_mem>>) {add = true}
      %add3A_387 = arith.constant 7 : i32
      %add3A_388 = arith.addi %mul3A_288, %add3A_387 : i32
      %mul3A_389 = arith.constant 80 : i32
      %mul3A_390 = arith.muli %add3A_388, %mul3A_389 : i32
      %dma_wait3A_391 = tpu.memref_slice %arg6[%mul3A_390] : memref<10000xi32, #tpu.memory_space<vmem>> -> memref<80xi32, #tpu.memory_space<vmem>>
      %dma_wait3A_392 = arith.constant 0 : i32
      %dma_wait3A_393 = arith.constant 0 : i32
      %dma_wait3A_394 = tpu.memref_slice %arg2[%dma_wait3A_392, %dma_wait3A_393] : memref<10000x64xf32, #tpu.memory_space<hbm>> -> memref<10000x64xf32, #tpu.memory_space<hbm>>
      tpu.wait_indirect_dma semaphore(%arg23 : memref<!tpu.dma_semaphore, #tpu.memory_space<semaphore_mem>>) src(%dma_wait3A_394 : memref<10000x64xf32, #tpu.memory_space<hbm>>) dst(%arg15 : memref<80x64xf32, #tpu.memory_space<vmem>>)
      %mul3A_395 = arith.constant 80 : i32
      %mul3A_396 = arith.muli %add3A_388, %mul3A_395 : i32
      %dma_start3A_397 = tpu.memref_slice %arg7[%mul3A_396] : memref<10000xi32, #tpu.memory_space<vmem>> -> memref<80xi32, #tpu.memory_space<vmem>>
      %dma_start3A_398 = arith.constant 0 : i32
      %dma_start3A_399 = arith.constant 0 : i32
      %dma_start3A_400 = tpu.memref_slice %arg32[%dma_start3A_398, %dma_start3A_399] : memref<10128x64xf32, #tpu.memory_space<vmem_shared>> -> memref<10128x64xf32, #tpu.memory_space<vmem_shared>>
      tpu.enqueue_indirect_dma source(%arg15 : memref<80x64xf32, #tpu.memory_space<vmem>>) target(%dma_start3A_400 : memref<10128x64xf32, #tpu.memory_space<vmem_shared>>) offsets(%dma_start3A_397 : memref<80xi32, #tpu.memory_space<vmem>>) semaphore(%arg31 : memref<!tpu.dma_semaphore, #tpu.memory_space<semaphore_mem>>) {add = true}
      %add3A_401 = arith.constant 0 : i32
      %add3A_402 = arith.addi %mul3A_288, %add3A_401 : i32
      %mul3A_403 = arith.constant 80 : i32
      %mul3A_404 = arith.muli %add3A_402, %mul3A_403 : i32
      %dma_wait3A_405 = tpu.memref_slice %arg7[%mul3A_404] : memref<10000xi32, #tpu.memory_space<vmem>> -> memref<80xi32, #tpu.memory_space<vmem>>
      %dma_wait3A_406 = arith.constant 0 : i32
      %dma_wait3A_407 = arith.constant 0 : i32
      %dma_wait3A_408 = tpu.memref_slice %arg32[%dma_wait3A_406, %dma_wait3A_407] : memref<10128x64xf32, #tpu.memory_space<vmem_shared>> -> memref<10128x64xf32, #tpu.memory_space<vmem_shared>>
      tpu.wait_indirect_dma semaphore(%arg24 : memref<!tpu.dma_semaphore, #tpu.memory_space<semaphore_mem>>) src(%arg8 : memref<80x64xf32, #tpu.memory_space<vmem>>) dst(%dma_wait3A_408 : memref<10128x64xf32, #tpu.memory_space<vmem_shared>>)
      %add3A_409 = arith.constant 8 : i32
      %add3A_410 = arith.addi %add3A_402, %add3A_409 : i32
      %mul3A_411 = arith.constant 80 : i32
      %mul3A_412 = arith.muli %add3A_410, %mul3A_411 : i32
      %dma_start3A_413 = tpu.memref_slice %arg6[%mul3A_412] : memref<10000xi32, #tpu.memory_space<vmem>> -> memref<80xi32, #tpu.memory_space<vmem>>
      %dma_start3A_414 = arith.constant 0 : i32
      %dma_start3A_415 = arith.constant 0 : i32
      %dma_start3A_416 = tpu.memref_slice %arg2[%dma_start3A_414, %dma_start3A_415] : memref<10000x64xf32, #tpu.memory_space<hbm>> -> memref<10000x64xf32, #tpu.memory_space<hbm>>
      tpu.enqueue_indirect_dma source(%dma_start3A_416 : memref<10000x64xf32, #tpu.memory_space<hbm>>) target(%arg8 : memref<80x64xf32, #tpu.memory_space<vmem>>) offsets(%dma_start3A_413 : memref<80xi32, #tpu.memory_space<vmem>>) semaphore(%arg16 : memref<!tpu.dma_semaphore, #tpu.memory_space<semaphore_mem>>)
      %add3A_417 = arith.constant 1 : i32
      %add3A_418 = arith.addi %mul3A_288, %add3A_417 : i32
      %mul3A_419 = arith.constant 80 : i32
      %mul3A_420 = arith.muli %add3A_418, %mul3A_419 : i32
      %dma_wait3A_421 = tpu.memref_slice %arg7[%mul3A_420] : memref<10000xi32, #tpu.memory_space<vmem>> -> memref<80xi32, #tpu.memory_space<vmem>>
      %dma_wait3A_422 = arith.constant 0 : i32
      %dma_wait3A_423 = arith.constant 0 : i32
      %dma_wait3A_424 = tpu.memref_slice %arg32[%dma_wait3A_422, %dma_wait3A_423] : memref<10128x64xf32, #tpu.memory_space<vmem_shared>> -> memref<10128x64xf32, #tpu.memory_space<vmem_shared>>
      tpu.wait_indirect_dma semaphore(%arg25 : memref<!tpu.dma_semaphore, #tpu.memory_space<semaphore_mem>>) src(%arg9 : memref<80x64xf32, #tpu.memory_space<vmem>>) dst(%dma_wait3A_424 : memref<10128x64xf32, #tpu.memory_space<vmem_shared>>)
      %add3A_425 = arith.constant 8 : i32
      %add3A_426 = arith.addi %add3A_418, %add3A_425 : i32
      %mul3A_427 = arith.constant 80 : i32
      %mul3A_428 = arith.muli %add3A_426, %mul3A_427 : i32
      %dma_start3A_429 = tpu.memref_slice %arg6[%mul3A_428] : memref<10000xi32, #tpu.memory_space<vmem>> -> memref<80xi32, #tpu.memory_space<vmem>>
      %dma_start3A_430 = arith.constant 0 : i32
      %dma_start3A_431 = arith.constant 0 : i32
      %dma_start3A_432 = tpu.memref_slice %arg2[%dma_start3A_430, %dma_start3A_431] : memref<10000x64xf32, #tpu.memory_space<hbm>> -> memref<10000x64xf32, #tpu.memory_space<hbm>>
      tpu.enqueue_indirect_dma source(%dma_start3A_432 : memref<10000x64xf32, #tpu.memory_space<hbm>>) target(%arg9 : memref<80x64xf32, #tpu.memory_space<vmem>>) offsets(%dma_start3A_429 : memref<80xi32, #tpu.memory_space<vmem>>) semaphore(%arg17 : memref<!tpu.dma_semaphore, #tpu.memory_space<semaphore_mem>>)
      %add3A_433 = arith.constant 2 : i32
      %add3A_434 = arith.addi %mul3A_288, %add3A_433 : i32
      %mul3A_435 = arith.constant 80 : i32
      %mul3A_436 = arith.muli %add3A_434, %mul3A_435 : i32
      %dma_wait3A_437 = tpu.memref_slice %arg7[%mul3A_436] : memref<10000xi32, #tpu.memory_space<vmem>> -> memref<80xi32, #tpu.memory_space<vmem>>
      %dma_wait3A_438 = arith.constant 0 : i32
      %dma_wait3A_439 = arith.constant 0 : i32
      %dma_wait3A_440 = tpu.memref_slice %arg32[%dma_wait3A_438, %dma_wait3A_439] : memref<10128x64xf32, #tpu.memory_space<vmem_shared>> -> memref<10128x64xf32, #tpu.memory_space<vmem_shared>>
      tpu.wait_indirect_dma semaphore(%arg26 : memref<!tpu.dma_semaphore, #tpu.memory_space<semaphore_mem>>) src(%arg10 : memref<80x64xf32, #tpu.memory_space<vmem>>) dst(%dma_wait3A_440 : memref<10128x64xf32, #tpu.memory_space<vmem_shared>>)
      %add3A_441 = arith.constant 8 : i32
      %add3A_442 = arith.addi %add3A_434, %add3A_441 : i32
      %mul3A_443 = arith.constant 80 : i32
      %mul3A_444 = arith.muli %add3A_442, %mul3A_443 : i32
      %dma_start3A_445 = tpu.memref_slice %arg6[%mul3A_444] : memref<10000xi32, #tpu.memory_space<vmem>> -> memref<80xi32, #tpu.memory_space<vmem>>
      %dma_start3A_446 = arith.constant 0 : i32
      %dma_start3A_447 = arith.constant 0 : i32
      %dma_start3A_448 = tpu.memref_slice %arg2[%dma_start3A_446, %dma_start3A_447] : memref<10000x64xf32, #tpu.memory_space<hbm>> -> memref<10000x64xf32, #tpu.memory_space<hbm>>
      tpu.enqueue_indirect_dma source(%dma_start3A_448 : memref<10000x64xf32, #tpu.memory_space<hbm>>) target(%arg10 : memref<80x64xf32, #tpu.memory_space<vmem>>) offsets(%dma_start3A_445 : memref<80xi32, #tpu.memory_space<vmem>>) semaphore(%arg18 : memref<!tpu.dma_semaphore, #tpu.memory_space<semaphore_mem>>)
      %add3A_449 = arith.constant 3 : i32
      %add3A_450 = arith.addi %mul3A_288, %add3A_449 : i32
      %mul3A_451 = arith.constant 80 : i32
      %mul3A_452 = arith.muli %add3A_450, %mul3A_451 : i32
      %dma_wait3A_453 = tpu.memref_slice %arg7[%mul3A_452] : memref<10000xi32, #tpu.memory_space<vmem>> -> memref<80xi32, #tpu.memory_space<vmem>>
      %dma_wait3A_454 = arith.constant 0 : i32
      %dma_wait3A_455 = arith.constant 0 : i32
      %dma_wait3A_456 = tpu.memref_slice %arg32[%dma_wait3A_454, %dma_wait3A_455] : memref<10128x64xf32, #tpu.memory_space<vmem_shared>> -> memref<10128x64xf32, #tpu.memory_space<vmem_shared>>
      tpu.wait_indirect_dma semaphore(%arg27 : memref<!tpu.dma_semaphore, #tpu.memory_space<semaphore_mem>>) src(%arg11 : memref<80x64xf32, #tpu.memory_space<vmem>>) dst(%dma_wait3A_456 : memref<10128x64xf32, #tpu.memory_space<vmem_shared>>)
      %add3A_457 = arith.constant 8 : i32
      %add3A_458 = arith.addi %add3A_450, %add3A_457 : i32
      %mul3A_459 = arith.constant 80 : i32
      %mul3A_460 = arith.muli %add3A_458, %mul3A_459 : i32
      %dma_start3A_461 = tpu.memref_slice %arg6[%mul3A_460] : memref<10000xi32, #tpu.memory_space<vmem>> -> memref<80xi32, #tpu.memory_space<vmem>>
      %dma_start3A_462 = arith.constant 0 : i32
      %dma_start3A_463 = arith.constant 0 : i32
      %dma_start3A_464 = tpu.memref_slice %arg2[%dma_start3A_462, %dma_start3A_463] : memref<10000x64xf32, #tpu.memory_space<hbm>> -> memref<10000x64xf32, #tpu.memory_space<hbm>>
      tpu.enqueue_indirect_dma source(%dma_start3A_464 : memref<10000x64xf32, #tpu.memory_space<hbm>>) target(%arg11 : memref<80x64xf32, #tpu.memory_space<vmem>>) offsets(%dma_start3A_461 : memref<80xi32, #tpu.memory_space<vmem>>) semaphore(%arg19 : memref<!tpu.dma_semaphore, #tpu.memory_space<semaphore_mem>>)
      %add3A_465 = arith.constant 4 : i32
      %add3A_466 = arith.addi %mul3A_288, %add3A_465 : i32
      %mul3A_467 = arith.constant 80 : i32
      %mul3A_468 = arith.muli %add3A_466, %mul3A_467 : i32
      %dma_wait3A_469 = tpu.memref_slice %arg7[%mul3A_468] : memref<10000xi32, #tpu.memory_space<vmem>> -> memref<80xi32, #tpu.memory_space<vmem>>
      %dma_wait3A_470 = arith.constant 0 : i32
      %dma_wait3A_471 = arith.constant 0 : i32
      %dma_wait3A_472 = tpu.memref_slice %arg32[%dma_wait3A_470, %dma_wait3A_471] : memref<10128x64xf32, #tpu.memory_space<vmem_shared>> -> memref<10128x64xf32, #tpu.memory_space<vmem_shared>>
      tpu.wait_indirect_dma semaphore(%arg28 : memref<!tpu.dma_semaphore, #tpu.memory_space<semaphore_mem>>) src(%arg12 : memref<80x64xf32, #tpu.memory_space<vmem>>) dst(%dma_wait3A_472 : memref<10128x64xf32, #tpu.memory_space<vmem_shared>>)
      %add3A_473 = arith.constant 8 : i32
      %add3A_474 = arith.addi %add3A_466, %add3A_473 : i32
      %mul3A_475 = arith.constant 80 : i32
      %mul3A_476 = arith.muli %add3A_474, %mul3A_475 : i32
      %dma_start3A_477 = tpu.memref_slice %arg6[%mul3A_476] : memref<10000xi32, #tpu.memory_space<vmem>> -> memref<80xi32, #tpu.memory_space<vmem>>
      %dma_start3A_478 = arith.constant 0 : i32
      %dma_start3A_479 = arith.constant 0 : i32
      %dma_start3A_480 = tpu.memref_slice %arg2[%dma_start3A_478, %dma_start3A_479] : memref<10000x64xf32, #tpu.memory_space<hbm>> -> memref<10000x64xf32, #tpu.memory_space<hbm>>
      tpu.enqueue_indirect_dma source(%dma_start3A_480 : memref<10000x64xf32, #tpu.memory_space<hbm>>) target(%arg12 : memref<80x64xf32, #tpu.memory_space<vmem>>) offsets(%dma_start3A_477 : memref<80xi32, #tpu.memory_space<vmem>>) semaphore(%arg20 : memref<!tpu.dma_semaphore, #tpu.memory_space<semaphore_mem>>)
      %add3A_481 = arith.constant 5 : i32
      %add3A_482 = arith.addi %mul3A_288, %add3A_481 : i32
      %mul3A_483 = arith.constant 80 : i32
      %mul3A_484 = arith.muli %add3A_482, %mul3A_483 : i32
      %dma_wait3A_485 = tpu.memref_slice %arg7[%mul3A_484] : memref<10000xi32, #tpu.memory_space<vmem>> -> memref<80xi32, #tpu.memory_space<vmem>>
      %dma_wait3A_486 = arith.constant 0 : i32
      %dma_wait3A_487 = arith.constant 0 : i32
      %dma_wait3A_488 = tpu.memref_slice %arg32[%dma_wait3A_486, %dma_wait3A_487] : memref<10128x64xf32, #tpu.memory_space<vmem_shared>> -> memref<10128x64xf32, #tpu.memory_space<vmem_shared>>
      tpu.wait_indirect_dma semaphore(%arg29 : memref<!tpu.dma_semaphore, #tpu.memory_space<semaphore_mem>>) src(%arg13 : memref<80x64xf32, #tpu.memory_space<vmem>>) dst(%dma_wait3A_488 : memref<10128x64xf32, #tpu.memory_space<vmem_shared>>)
      %add3A_489 = arith.constant 8 : i32
      %add3A_490 = arith.addi %add3A_482, %add3A_489 : i32
      %mul3A_491 = arith.constant 80 : i32
      %mul3A_492 = arith.muli %add3A_490, %mul3A_491 : i32
      %dma_start3A_493 = tpu.memref_slice %arg6[%mul3A_492] : memref<10000xi32, #tpu.memory_space<vmem>> -> memref<80xi32, #tpu.memory_space<vmem>>
      %dma_start3A_494 = arith.constant 0 : i32
      %dma_start3A_495 = arith.constant 0 : i32
      %dma_start3A_496 = tpu.memref_slice %arg2[%dma_start3A_494, %dma_start3A_495] : memref<10000x64xf32, #tpu.memory_space<hbm>> -> memref<10000x64xf32, #tpu.memory_space<hbm>>
      tpu.enqueue_indirect_dma source(%dma_start3A_496 : memref<10000x64xf32, #tpu.memory_space<hbm>>) target(%arg13 : memref<80x64xf32, #tpu.memory_space<vmem>>) offsets(%dma_start3A_493 : memref<80xi32, #tpu.memory_space<vmem>>) semaphore(%arg21 : memref<!tpu.dma_semaphore, #tpu.memory_space<semaphore_mem>>)
      %add3A_497 = arith.constant 6 : i32
      %add3A_498 = arith.addi %mul3A_288, %add3A_497 : i32
      %mul3A_499 = arith.constant 80 : i32
      %mul3A_500 = arith.muli %add3A_498, %mul3A_499 : i32
      %dma_wait3A_501 = tpu.memref_slice %arg7[%mul3A_500] : memref<10000xi32, #tpu.memory_space<vmem>> -> memref<80xi32, #tpu.memory_space<vmem>>
      %dma_wait3A_502 = arith.constant 0 : i32
      %dma_wait3A_503 = arith.constant 0 : i32
      %dma_wait3A_504 = tpu.memref_slice %arg32[%dma_wait3A_502, %dma_wait3A_503] : memref<10128x64xf32, #tpu.memory_space<vmem_shared>> -> memref<10128x64xf32, #tpu.memory_space<vmem_shared>>
      tpu.wait_indirect_dma semaphore(%arg30 : memref<!tpu.dma_semaphore, #tpu.memory_space<semaphore_mem>>) src(%arg14 : memref<80x64xf32, #tpu.memory_space<vmem>>) dst(%dma_wait3A_504 : memref<10128x64xf32, #tpu.memory_space<vmem_shared>>)
      %add3A_505 = arith.constant 8 : i32
      %add3A_506 = arith.addi %add3A_498, %add3A_505 : i32
      %mul3A_507 = arith.constant 80 : i32
      %mul3A_508 = arith.muli %add3A_506, %mul3A_507 : i32
      %dma_start3A_509 = tpu.memref_slice %arg6[%mul3A_508] : memref<10000xi32, #tpu.memory_space<vmem>> -> memref<80xi32, #tpu.memory_space<vmem>>
      %dma_start3A_510 = arith.constant 0 : i32
      %dma_start3A_511 = arith.constant 0 : i32
      %dma_start3A_512 = tpu.memref_slice %arg2[%dma_start3A_510, %dma_start3A_511] : memref<10000x64xf32, #tpu.memory_space<hbm>> -> memref<10000x64xf32, #tpu.memory_space<hbm>>
      tpu.enqueue_indirect_dma source(%dma_start3A_512 : memref<10000x64xf32, #tpu.memory_space<hbm>>) target(%arg14 : memref<80x64xf32, #tpu.memory_space<vmem>>) offsets(%dma_start3A_509 : memref<80xi32, #tpu.memory_space<vmem>>) semaphore(%arg22 : memref<!tpu.dma_semaphore, #tpu.memory_space<semaphore_mem>>)
      %add3A_513 = arith.constant 7 : i32
      %add3A_514 = arith.addi %mul3A_288, %add3A_513 : i32
      %mul3A_515 = arith.constant 80 : i32
      %mul3A_516 = arith.muli %add3A_514, %mul3A_515 : i32
      %dma_wait3A_517 = tpu.memref_slice %arg7[%mul3A_516] : memref<10000xi32, #tpu.memory_space<vmem>> -> memref<80xi32, #tpu.memory_space<vmem>>
      %dma_wait3A_518 = arith.constant 0 : i32
      %dma_wait3A_519 = arith.constant 0 : i32
      %dma_wait3A_520 = tpu.memref_slice %arg32[%dma_wait3A_518, %dma_wait3A_519] : memref<10128x64xf32, #tpu.memory_space<vmem_shared>> -> memref<10128x64xf32, #tpu.memory_space<vmem_shared>>
      tpu.wait_indirect_dma semaphore(%arg31 : memref<!tpu.dma_semaphore, #tpu.memory_space<semaphore_mem>>) src(%arg15 : memref<80x64xf32, #tpu.memory_space<vmem>>) dst(%dma_wait3A_520 : memref<10128x64xf32, #tpu.memory_space<vmem_shared>>)
      %add3A_521 = arith.constant 8 : i32
      %add3A_522 = arith.addi %add3A_514, %add3A_521 : i32
      %mul3A_523 = arith.constant 80 : i32
      %mul3A_524 = arith.muli %add3A_522, %mul3A_523 : i32
      %dma_start3A_525 = tpu.memref_slice %arg6[%mul3A_524] : memref<10000xi32, #tpu.memory_space<vmem>> -> memref<80xi32, #tpu.memory_space<vmem>>
      %dma_start3A_526 = arith.constant 0 : i32
      %dma_start3A_527 = arith.constant 0 : i32
      %dma_start3A_528 = tpu.memref_slice %arg2[%dma_start3A_526, %dma_start3A_527] : memref<10000x64xf32, #tpu.memory_space<hbm>> -> memref<10000x64xf32, #tpu.memory_space<hbm>>
      tpu.enqueue_indirect_dma source(%dma_start3A_528 : memref<10000x64xf32, #tpu.memory_space<hbm>>) target(%arg15 : memref<80x64xf32, #tpu.memory_space<vmem>>) offsets(%dma_start3A_525 : memref<80xi32, #tpu.memory_space<vmem>>) semaphore(%arg23 : memref<!tpu.dma_semaphore, #tpu.memory_space<semaphore_mem>>)
    }
    %scan3A_52 = arith.constant 14 : i32
    %dma_wait3A = arith.constant 8960 : i32
    %dma_wait3A_53 = tpu.memref_slice %arg6[%dma_wait3A] : memref<10000xi32, #tpu.memory_space<vmem>> -> memref<80xi32, #tpu.memory_space<vmem>>
    %dma_wait3A_54 = arith.constant 0 : i32
    %dma_wait3A_55 = arith.constant 0 : i32
    %dma_wait3A_56 = tpu.memref_slice %arg2[%dma_wait3A_54, %dma_wait3A_55] : memref<10000x64xf32, #tpu.memory_space<hbm>> -> memref<10000x64xf32, #tpu.memory_space<hbm>>
    tpu.wait_indirect_dma semaphore(%arg16 : memref<!tpu.dma_semaphore, #tpu.memory_space<semaphore_mem>>) src(%dma_wait3A_56 : memref<10000x64xf32, #tpu.memory_space<hbm>>) dst(%arg8 : memref<80x64xf32, #tpu.memory_space<vmem>>)
    %dma_start3A_57 = arith.constant 8960 : i32
    %dma_start3A_58 = tpu.memref_slice %arg7[%dma_start3A_57] : memref<10000xi32, #tpu.memory_space<vmem>> -> memref<80xi32, #tpu.memory_space<vmem>>
    %dma_start3A_59 = arith.constant 0 : i32
    %dma_start3A_60 = arith.constant 0 : i32
    %dma_start3A_61 = tpu.memref_slice %arg32[%dma_start3A_59, %dma_start3A_60] : memref<10128x64xf32, #tpu.memory_space<vmem_shared>> -> memref<10128x64xf32, #tpu.memory_space<vmem_shared>>
    tpu.enqueue_indirect_dma source(%arg8 : memref<80x64xf32, #tpu.memory_space<vmem>>) target(%dma_start3A_61 : memref<10128x64xf32, #tpu.memory_space<vmem_shared>>) offsets(%dma_start3A_58 : memref<80xi32, #tpu.memory_space<vmem>>) semaphore(%arg24 : memref<!tpu.dma_semaphore, #tpu.memory_space<semaphore_mem>>) {add = true}
    %dma_wait3A_62 = arith.constant 9040 : i32
    %dma_wait3A_63 = tpu.memref_slice %arg6[%dma_wait3A_62] : memref<10000xi32, #tpu.memory_space<vmem>> -> memref<80xi32, #tpu.memory_space<vmem>>
    %dma_wait3A_64 = arith.constant 0 : i32
    %dma_wait3A_65 = arith.constant 0 : i32
    %dma_wait3A_66 = tpu.memref_slice %arg2[%dma_wait3A_64, %dma_wait3A_65] : memref<10000x64xf32, #tpu.memory_space<hbm>> -> memref<10000x64xf32, #tpu.memory_space<hbm>>
    tpu.wait_indirect_dma semaphore(%arg17 : memref<!tpu.dma_semaphore, #tpu.memory_space<semaphore_mem>>) src(%dma_wait3A_66 : memref<10000x64xf32, #tpu.memory_space<hbm>>) dst(%arg9 : memref<80x64xf32, #tpu.memory_space<vmem>>)
    %dma_start3A_67 = arith.constant 9040 : i32
    %dma_start3A_68 = tpu.memref_slice %arg7[%dma_start3A_67] : memref<10000xi32, #tpu.memory_space<vmem>> -> memref<80xi32, #tpu.memory_space<vmem>>
    %dma_start3A_69 = arith.constant 0 : i32
    %dma_start3A_70 = arith.constant 0 : i32
    %dma_start3A_71 = tpu.memref_slice %arg32[%dma_start3A_69, %dma_start3A_70] : memref<10128x64xf32, #tpu.memory_space<vmem_shared>> -> memref<10128x64xf32, #tpu.memory_space<vmem_shared>>
    tpu.enqueue_indirect_dma source(%arg9 : memref<80x64xf32, #tpu.memory_space<vmem>>) target(%dma_start3A_71 : memref<10128x64xf32, #tpu.memory_space<vmem_shared>>) offsets(%dma_start3A_68 : memref<80xi32, #tpu.memory_space<vmem>>) semaphore(%arg25 : memref<!tpu.dma_semaphore, #tpu.memory_space<semaphore_mem>>) {add = true}
    %dma_wait3A_72 = arith.constant 9120 : i32
    %dma_wait3A_73 = tpu.memref_slice %arg6[%dma_wait3A_72] : memref<10000xi32, #tpu.memory_space<vmem>> -> memref<80xi32, #tpu.memory_space<vmem>>
    %dma_wait3A_74 = arith.constant 0 : i32
    %dma_wait3A_75 = arith.constant 0 : i32
    %dma_wait3A_76 = tpu.memref_slice %arg2[%dma_wait3A_74, %dma_wait3A_75] : memref<10000x64xf32, #tpu.memory_space<hbm>> -> memref<10000x64xf32, #tpu.memory_space<hbm>>
    tpu.wait_indirect_dma semaphore(%arg18 : memref<!tpu.dma_semaphore, #tpu.memory_space<semaphore_mem>>) src(%dma_wait3A_76 : memref<10000x64xf32, #tpu.memory_space<hbm>>) dst(%arg10 : memref<80x64xf32, #tpu.memory_space<vmem>>)
    %dma_start3A_77 = arith.constant 9120 : i32
    %dma_start3A_78 = tpu.memref_slice %arg7[%dma_start3A_77] : memref<10000xi32, #tpu.memory_space<vmem>> -> memref<80xi32, #tpu.memory_space<vmem>>
    %dma_start3A_79 = arith.constant 0 : i32
    %dma_start3A_80 = arith.constant 0 : i32
    %dma_start3A_81 = tpu.memref_slice %arg32[%dma_start3A_79, %dma_start3A_80] : memref<10128x64xf32, #tpu.memory_space<vmem_shared>> -> memref<10128x64xf32, #tpu.memory_space<vmem_shared>>
    tpu.enqueue_indirect_dma source(%arg10 : memref<80x64xf32, #tpu.memory_space<vmem>>) target(%dma_start3A_81 : memref<10128x64xf32, #tpu.memory_space<vmem_shared>>) offsets(%dma_start3A_78 : memref<80xi32, #tpu.memory_space<vmem>>) semaphore(%arg26 : memref<!tpu.dma_semaphore, #tpu.memory_space<semaphore_mem>>) {add = true}
    %dma_wait3A_82 = arith.constant 9200 : i32
    %dma_wait3A_83 = tpu.memref_slice %arg6[%dma_wait3A_82] : memref<10000xi32, #tpu.memory_space<vmem>> -> memref<80xi32, #tpu.memory_space<vmem>>
    %dma_wait3A_84 = arith.constant 0 : i32
    %dma_wait3A_85 = arith.constant 0 : i32
    %dma_wait3A_86 = tpu.memref_slice %arg2[%dma_wait3A_84, %dma_wait3A_85] : memref<10000x64xf32, #tpu.memory_space<hbm>> -> memref<10000x64xf32, #tpu.memory_space<hbm>>
    tpu.wait_indirect_dma semaphore(%arg19 : memref<!tpu.dma_semaphore, #tpu.memory_space<semaphore_mem>>) src(%dma_wait3A_86 : memref<10000x64xf32, #tpu.memory_space<hbm>>) dst(%arg11 : memref<80x64xf32, #tpu.memory_space<vmem>>)
    %dma_start3A_87 = arith.constant 9200 : i32
    %dma_start3A_88 = tpu.memref_slice %arg7[%dma_start3A_87] : memref<10000xi32, #tpu.memory_space<vmem>> -> memref<80xi32, #tpu.memory_space<vmem>>
    %dma_start3A_89 = arith.constant 0 : i32
    %dma_start3A_90 = arith.constant 0 : i32
    %dma_start3A_91 = tpu.memref_slice %arg32[%dma_start3A_89, %dma_start3A_90] : memref<10128x64xf32, #tpu.memory_space<vmem_shared>> -> memref<10128x64xf32, #tpu.memory_space<vmem_shared>>
    tpu.enqueue_indirect_dma source(%arg11 : memref<80x64xf32, #tpu.memory_space<vmem>>) target(%dma_start3A_91 : memref<10128x64xf32, #tpu.memory_space<vmem_shared>>) offsets(%dma_start3A_88 : memref<80xi32, #tpu.memory_space<vmem>>) semaphore(%arg27 : memref<!tpu.dma_semaphore, #tpu.memory_space<semaphore_mem>>) {add = true}
    %dma_wait3A_92 = arith.constant 9280 : i32
    %dma_wait3A_93 = tpu.memref_slice %arg6[%dma_wait3A_92] : memref<10000xi32, #tpu.memory_space<vmem>> -> memref<80xi32, #tpu.memory_space<vmem>>
    %dma_wait3A_94 = arith.constant 0 : i32
    %dma_wait3A_95 = arith.constant 0 : i32
    %dma_wait3A_96 = tpu.memref_slice %arg2[%dma_wait3A_94, %dma_wait3A_95] : memref<10000x64xf32, #tpu.memory_space<hbm>> -> memref<10000x64xf32, #tpu.memory_space<hbm>>
    tpu.wait_indirect_dma semaphore(%arg20 : memref<!tpu.dma_semaphore, #tpu.memory_space<semaphore_mem>>) src(%dma_wait3A_96 : memref<10000x64xf32, #tpu.memory_space<hbm>>) dst(%arg12 : memref<80x64xf32, #tpu.memory_space<vmem>>)
    %dma_start3A_97 = arith.constant 9280 : i32
    %dma_start3A_98 = tpu.memref_slice %arg7[%dma_start3A_97] : memref<10000xi32, #tpu.memory_space<vmem>> -> memref<80xi32, #tpu.memory_space<vmem>>
    %dma_start3A_99 = arith.constant 0 : i32
    %dma_start3A_100 = arith.constant 0 : i32
    %dma_start3A_101 = tpu.memref_slice %arg32[%dma_start3A_99, %dma_start3A_100] : memref<10128x64xf32, #tpu.memory_space<vmem_shared>> -> memref<10128x64xf32, #tpu.memory_space<vmem_shared>>
    tpu.enqueue_indirect_dma source(%arg12 : memref<80x64xf32, #tpu.memory_space<vmem>>) target(%dma_start3A_101 : memref<10128x64xf32, #tpu.memory_space<vmem_shared>>) offsets(%dma_start3A_98 : memref<80xi32, #tpu.memory_space<vmem>>) semaphore(%arg28 : memref<!tpu.dma_semaphore, #tpu.memory_space<semaphore_mem>>) {add = true}
    %dma_wait3A_102 = arith.constant 9360 : i32
    %dma_wait3A_103 = tpu.memref_slice %arg6[%dma_wait3A_102] : memref<10000xi32, #tpu.memory_space<vmem>> -> memref<80xi32, #tpu.memory_space<vmem>>
    %dma_wait3A_104 = arith.constant 0 : i32
    %dma_wait3A_105 = arith.constant 0 : i32
    %dma_wait3A_106 = tpu.memref_slice %arg2[%dma_wait3A_104, %dma_wait3A_105] : memref<10000x64xf32, #tpu.memory_space<hbm>> -> memref<10000x64xf32, #tpu.memory_space<hbm>>
    tpu.wait_indirect_dma semaphore(%arg21 : memref<!tpu.dma_semaphore, #tpu.memory_space<semaphore_mem>>) src(%dma_wait3A_106 : memref<10000x64xf32, #tpu.memory_space<hbm>>) dst(%arg13 : memref<80x64xf32, #tpu.memory_space<vmem>>)
    %dma_start3A_107 = arith.constant 9360 : i32
    %dma_start3A_108 = tpu.memref_slice %arg7[%dma_start3A_107] : memref<10000xi32, #tpu.memory_space<vmem>> -> memref<80xi32, #tpu.memory_space<vmem>>
    %dma_start3A_109 = arith.constant 0 : i32
    %dma_start3A_110 = arith.constant 0 : i32
    %dma_start3A_111 = tpu.memref_slice %arg32[%dma_start3A_109, %dma_start3A_110] : memref<10128x64xf32, #tpu.memory_space<vmem_shared>> -> memref<10128x64xf32, #tpu.memory_space<vmem_shared>>
    tpu.enqueue_indirect_dma source(%arg13 : memref<80x64xf32, #tpu.memory_space<vmem>>) target(%dma_start3A_111 : memref<10128x64xf32, #tpu.memory_space<vmem_shared>>) offsets(%dma_start3A_108 : memref<80xi32, #tpu.memory_space<vmem>>) semaphore(%arg29 : memref<!tpu.dma_semaphore, #tpu.memory_space<semaphore_mem>>) {add = true}
    %dma_wait3A_112 = arith.constant 9440 : i32
    %dma_wait3A_113 = tpu.memref_slice %arg6[%dma_wait3A_112] : memref<10000xi32, #tpu.memory_space<vmem>> -> memref<80xi32, #tpu.memory_space<vmem>>
    %dma_wait3A_114 = arith.constant 0 : i32
    %dma_wait3A_115 = arith.constant 0 : i32
    %dma_wait3A_116 = tpu.memref_slice %arg2[%dma_wait3A_114, %dma_wait3A_115] : memref<10000x64xf32, #tpu.memory_space<hbm>> -> memref<10000x64xf32, #tpu.memory_space<hbm>>
    tpu.wait_indirect_dma semaphore(%arg22 : memref<!tpu.dma_semaphore, #tpu.memory_space<semaphore_mem>>) src(%dma_wait3A_116 : memref<10000x64xf32, #tpu.memory_space<hbm>>) dst(%arg14 : memref<80x64xf32, #tpu.memory_space<vmem>>)
    %dma_start3A_117 = arith.constant 9440 : i32
    %dma_start3A_118 = tpu.memref_slice %arg7[%dma_start3A_117] : memref<10000xi32, #tpu.memory_space<vmem>> -> memref<80xi32, #tpu.memory_space<vmem>>
    %dma_start3A_119 = arith.constant 0 : i32
    %dma_start3A_120 = arith.constant 0 : i32
    %dma_start3A_121 = tpu.memref_slice %arg32[%dma_start3A_119, %dma_start3A_120] : memref<10128x64xf32, #tpu.memory_space<vmem_shared>> -> memref<10128x64xf32, #tpu.memory_space<vmem_shared>>
    tpu.enqueue_indirect_dma source(%arg14 : memref<80x64xf32, #tpu.memory_space<vmem>>) target(%dma_start3A_121 : memref<10128x64xf32, #tpu.memory_space<vmem_shared>>) offsets(%dma_start3A_118 : memref<80xi32, #tpu.memory_space<vmem>>) semaphore(%arg30 : memref<!tpu.dma_semaphore, #tpu.memory_space<semaphore_mem>>) {add = true}
    %dma_wait3A_122 = arith.constant 9520 : i32
    %dma_wait3A_123 = tpu.memref_slice %arg6[%dma_wait3A_122] : memref<10000xi32, #tpu.memory_space<vmem>> -> memref<80xi32, #tpu.memory_space<vmem>>
    %dma_wait3A_124 = arith.constant 0 : i32
    %dma_wait3A_125 = arith.constant 0 : i32
    %dma_wait3A_126 = tpu.memref_slice %arg2[%dma_wait3A_124, %dma_wait3A_125] : memref<10000x64xf32, #tpu.memory_space<hbm>> -> memref<10000x64xf32, #tpu.memory_space<hbm>>
    tpu.wait_indirect_dma semaphore(%arg23 : memref<!tpu.dma_semaphore, #tpu.memory_space<semaphore_mem>>) src(%dma_wait3A_126 : memref<10000x64xf32, #tpu.memory_space<hbm>>) dst(%arg15 : memref<80x64xf32, #tpu.memory_space<vmem>>)
    %dma_start3A_127 = arith.constant 9520 : i32
    %dma_start3A_128 = tpu.memref_slice %arg7[%dma_start3A_127] : memref<10000xi32, #tpu.memory_space<vmem>> -> memref<80xi32, #tpu.memory_space<vmem>>
    %dma_start3A_129 = arith.constant 0 : i32
    %dma_start3A_130 = arith.constant 0 : i32
    %dma_start3A_131 = tpu.memref_slice %arg32[%dma_start3A_129, %dma_start3A_130] : memref<10128x64xf32, #tpu.memory_space<vmem_shared>> -> memref<10128x64xf32, #tpu.memory_space<vmem_shared>>
    tpu.enqueue_indirect_dma source(%arg15 : memref<80x64xf32, #tpu.memory_space<vmem>>) target(%dma_start3A_131 : memref<10128x64xf32, #tpu.memory_space<vmem_shared>>) offsets(%dma_start3A_128 : memref<80xi32, #tpu.memory_space<vmem>>) semaphore(%arg31 : memref<!tpu.dma_semaphore, #tpu.memory_space<semaphore_mem>>) {add = true}
    %dma_wait3A_132 = arith.constant 8960 : i32
    %dma_wait3A_133 = tpu.memref_slice %arg7[%dma_wait3A_132] : memref<10000xi32, #tpu.memory_space<vmem>> -> memref<80xi32, #tpu.memory_space<vmem>>
    %dma_wait3A_134 = arith.constant 0 : i32
    %dma_wait3A_135 = arith.constant 0 : i32
    %dma_wait3A_136 = tpu.memref_slice %arg32[%dma_wait3A_134, %dma_wait3A_135] : memref<10128x64xf32, #tpu.memory_space<vmem_shared>> -> memref<10128x64xf32, #tpu.memory_space<vmem_shared>>
    tpu.wait_indirect_dma semaphore(%arg24 : memref<!tpu.dma_semaphore, #tpu.memory_space<semaphore_mem>>) src(%arg8 : memref<80x64xf32, #tpu.memory_space<vmem>>) dst(%dma_wait3A_136 : memref<10128x64xf32, #tpu.memory_space<vmem_shared>>)
    %dma_start3A_137 = arith.constant 9600 : i32
    %dma_start3A_138 = tpu.memref_slice %arg6[%dma_start3A_137] : memref<10000xi32, #tpu.memory_space<vmem>> -> memref<80xi32, #tpu.memory_space<vmem>>
    %dma_start3A_139 = arith.constant 0 : i32
    %dma_start3A_140 = arith.constant 0 : i32
    %dma_start3A_141 = tpu.memref_slice %arg2[%dma_start3A_139, %dma_start3A_140] : memref<10000x64xf32, #tpu.memory_space<hbm>> -> memref<10000x64xf32, #tpu.memory_space<hbm>>
    tpu.enqueue_indirect_dma source(%dma_start3A_141 : memref<10000x64xf32, #tpu.memory_space<hbm>>) target(%arg8 : memref<80x64xf32, #tpu.memory_space<vmem>>) offsets(%dma_start3A_138 : memref<80xi32, #tpu.memory_space<vmem>>) semaphore(%arg16 : memref<!tpu.dma_semaphore, #tpu.memory_space<semaphore_mem>>)
    %dma_wait3A_142 = arith.constant 9040 : i32
    %dma_wait3A_143 = tpu.memref_slice %arg7[%dma_wait3A_142] : memref<10000xi32, #tpu.memory_space<vmem>> -> memref<80xi32, #tpu.memory_space<vmem>>
    %dma_wait3A_144 = arith.constant 0 : i32
    %dma_wait3A_145 = arith.constant 0 : i32
    %dma_wait3A_146 = tpu.memref_slice %arg32[%dma_wait3A_144, %dma_wait3A_145] : memref<10128x64xf32, #tpu.memory_space<vmem_shared>> -> memref<10128x64xf32, #tpu.memory_space<vmem_shared>>
    tpu.wait_indirect_dma semaphore(%arg25 : memref<!tpu.dma_semaphore, #tpu.memory_space<semaphore_mem>>) src(%arg9 : memref<80x64xf32, #tpu.memory_space<vmem>>) dst(%dma_wait3A_146 : memref<10128x64xf32, #tpu.memory_space<vmem_shared>>)
    %dma_start3A_147 = arith.constant 9680 : i32
    %dma_start3A_148 = tpu.memref_slice %arg6[%dma_start3A_147] : memref<10000xi32, #tpu.memory_space<vmem>> -> memref<80xi32, #tpu.memory_space<vmem>>
    %dma_start3A_149 = arith.constant 0 : i32
    %dma_start3A_150 = arith.constant 0 : i32
    %dma_start3A_151 = tpu.memref_slice %arg2[%dma_start3A_149, %dma_start3A_150] : memref<10000x64xf32, #tpu.memory_space<hbm>> -> memref<10000x64xf32, #tpu.memory_space<hbm>>
    tpu.enqueue_indirect_dma source(%dma_start3A_151 : memref<10000x64xf32, #tpu.memory_space<hbm>>) target(%arg9 : memref<80x64xf32, #tpu.memory_space<vmem>>) offsets(%dma_start3A_148 : memref<80xi32, #tpu.memory_space<vmem>>) semaphore(%arg17 : memref<!tpu.dma_semaphore, #tpu.memory_space<semaphore_mem>>)
    %dma_wait3A_152 = arith.constant 9120 : i32
    %dma_wait3A_153 = tpu.memref_slice %arg7[%dma_wait3A_152] : memref<10000xi32, #tpu.memory_space<vmem>> -> memref<80xi32, #tpu.memory_space<vmem>>
    %dma_wait3A_154 = arith.constant 0 : i32
    %dma_wait3A_155 = arith.constant 0 : i32
    %dma_wait3A_156 = tpu.memref_slice %arg32[%dma_wait3A_154, %dma_wait3A_155] : memref<10128x64xf32, #tpu.memory_space<vmem_shared>> -> memref<10128x64xf32, #tpu.memory_space<vmem_shared>>
    tpu.wait_indirect_dma semaphore(%arg26 : memref<!tpu.dma_semaphore, #tpu.memory_space<semaphore_mem>>) src(%arg10 : memref<80x64xf32, #tpu.memory_space<vmem>>) dst(%dma_wait3A_156 : memref<10128x64xf32, #tpu.memory_space<vmem_shared>>)
    %dma_start3A_157 = arith.constant 9760 : i32
    %dma_start3A_158 = tpu.memref_slice %arg6[%dma_start3A_157] : memref<10000xi32, #tpu.memory_space<vmem>> -> memref<80xi32, #tpu.memory_space<vmem>>
    %dma_start3A_159 = arith.constant 0 : i32
    %dma_start3A_160 = arith.constant 0 : i32
    %dma_start3A_161 = tpu.memref_slice %arg2[%dma_start3A_159, %dma_start3A_160] : memref<10000x64xf32, #tpu.memory_space<hbm>> -> memref<10000x64xf32, #tpu.memory_space<hbm>>
    tpu.enqueue_indirect_dma source(%dma_start3A_161 : memref<10000x64xf32, #tpu.memory_space<hbm>>) target(%arg10 : memref<80x64xf32, #tpu.memory_space<vmem>>) offsets(%dma_start3A_158 : memref<80xi32, #tpu.memory_space<vmem>>) semaphore(%arg18 : memref<!tpu.dma_semaphore, #tpu.memory_space<semaphore_mem>>)
    %dma_wait3A_162 = arith.constant 9200 : i32
    %dma_wait3A_163 = tpu.memref_slice %arg7[%dma_wait3A_162] : memref<10000xi32, #tpu.memory_space<vmem>> -> memref<80xi32, #tpu.memory_space<vmem>>
    %dma_wait3A_164 = arith.constant 0 : i32
    %dma_wait3A_165 = arith.constant 0 : i32
    %dma_wait3A_166 = tpu.memref_slice %arg32[%dma_wait3A_164, %dma_wait3A_165] : memref<10128x64xf32, #tpu.memory_space<vmem_shared>> -> memref<10128x64xf32, #tpu.memory_space<vmem_shared>>
    tpu.wait_indirect_dma semaphore(%arg27 : memref<!tpu.dma_semaphore, #tpu.memory_space<semaphore_mem>>) src(%arg11 : memref<80x64xf32, #tpu.memory_space<vmem>>) dst(%dma_wait3A_166 : memref<10128x64xf32, #tpu.memory_space<vmem_shared>>)
    %dma_start3A_167 = arith.constant 9840 : i32
    %dma_start3A_168 = tpu.memref_slice %arg6[%dma_start3A_167] : memref<10000xi32, #tpu.memory_space<vmem>> -> memref<80xi32, #tpu.memory_space<vmem>>
    %dma_start3A_169 = arith.constant 0 : i32
    %dma_start3A_170 = arith.constant 0 : i32
    %dma_start3A_171 = tpu.memref_slice %arg2[%dma_start3A_169, %dma_start3A_170] : memref<10000x64xf32, #tpu.memory_space<hbm>> -> memref<10000x64xf32, #tpu.memory_space<hbm>>
    tpu.enqueue_indirect_dma source(%dma_start3A_171 : memref<10000x64xf32, #tpu.memory_space<hbm>>) target(%arg11 : memref<80x64xf32, #tpu.memory_space<vmem>>) offsets(%dma_start3A_168 : memref<80xi32, #tpu.memory_space<vmem>>) semaphore(%arg19 : memref<!tpu.dma_semaphore, #tpu.memory_space<semaphore_mem>>)
    %dma_wait3A_172 = arith.constant 9280 : i32
    %dma_wait3A_173 = tpu.memref_slice %arg7[%dma_wait3A_172] : memref<10000xi32, #tpu.memory_space<vmem>> -> memref<80xi32, #tpu.memory_space<vmem>>
    %dma_wait3A_174 = arith.constant 0 : i32
    %dma_wait3A_175 = arith.constant 0 : i32
    %dma_wait3A_176 = tpu.memref_slice %arg32[%dma_wait3A_174, %dma_wait3A_175] : memref<10128x64xf32, #tpu.memory_space<vmem_shared>> -> memref<10128x64xf32, #tpu.memory_space<vmem_shared>>
    tpu.wait_indirect_dma semaphore(%arg28 : memref<!tpu.dma_semaphore, #tpu.memory_space<semaphore_mem>>) src(%arg12 : memref<80x64xf32, #tpu.memory_space<vmem>>) dst(%dma_wait3A_176 : memref<10128x64xf32, #tpu.memory_space<vmem_shared>>)
    %dma_start3A_177 = arith.constant 9920 : i32
    %dma_start3A_178 = tpu.memref_slice %arg6[%dma_start3A_177] : memref<10000xi32, #tpu.memory_space<vmem>> -> memref<80xi32, #tpu.memory_space<vmem>>
    %dma_start3A_179 = arith.constant 0 : i32
    %dma_start3A_180 = arith.constant 0 : i32
    %dma_start3A_181 = tpu.memref_slice %arg2[%dma_start3A_179, %dma_start3A_180] : memref<10000x64xf32, #tpu.memory_space<hbm>> -> memref<10000x64xf32, #tpu.memory_space<hbm>>
    tpu.enqueue_indirect_dma source(%dma_start3A_181 : memref<10000x64xf32, #tpu.memory_space<hbm>>) target(%arg12 : memref<80x64xf32, #tpu.memory_space<vmem>>) offsets(%dma_start3A_178 : memref<80xi32, #tpu.memory_space<vmem>>) semaphore(%arg20 : memref<!tpu.dma_semaphore, #tpu.memory_space<semaphore_mem>>)
    %dma_wait3A_182 = arith.constant 9600 : i32
    %dma_wait3A_183 = tpu.memref_slice %arg6[%dma_wait3A_182] : memref<10000xi32, #tpu.memory_space<vmem>> -> memref<80xi32, #tpu.memory_space<vmem>>
    %dma_wait3A_184 = arith.constant 0 : i32
    %dma_wait3A_185 = arith.constant 0 : i32
    %dma_wait3A_186 = tpu.memref_slice %arg2[%dma_wait3A_184, %dma_wait3A_185] : memref<10000x64xf32, #tpu.memory_space<hbm>> -> memref<10000x64xf32, #tpu.memory_space<hbm>>
    tpu.wait_indirect_dma semaphore(%arg16 : memref<!tpu.dma_semaphore, #tpu.memory_space<semaphore_mem>>) src(%dma_wait3A_186 : memref<10000x64xf32, #tpu.memory_space<hbm>>) dst(%arg8 : memref<80x64xf32, #tpu.memory_space<vmem>>)
    %dma_start3A_187 = arith.constant 9600 : i32
    %dma_start3A_188 = tpu.memref_slice %arg7[%dma_start3A_187] : memref<10000xi32, #tpu.memory_space<vmem>> -> memref<80xi32, #tpu.memory_space<vmem>>
    %dma_start3A_189 = arith.constant 0 : i32
    %dma_start3A_190 = arith.constant 0 : i32
    %dma_start3A_191 = tpu.memref_slice %arg32[%dma_start3A_189, %dma_start3A_190] : memref<10128x64xf32, #tpu.memory_space<vmem_shared>> -> memref<10128x64xf32, #tpu.memory_space<vmem_shared>>
    tpu.enqueue_indirect_dma source(%arg8 : memref<80x64xf32, #tpu.memory_space<vmem>>) target(%dma_start3A_191 : memref<10128x64xf32, #tpu.memory_space<vmem_shared>>) offsets(%dma_start3A_188 : memref<80xi32, #tpu.memory_space<vmem>>) semaphore(%arg24 : memref<!tpu.dma_semaphore, #tpu.memory_space<semaphore_mem>>) {add = true}
    %dma_wait3A_192 = arith.constant 9680 : i32
    %dma_wait3A_193 = tpu.memref_slice %arg6[%dma_wait3A_192] : memref<10000xi32, #tpu.memory_space<vmem>> -> memref<80xi32, #tpu.memory_space<vmem>>
    %dma_wait3A_194 = arith.constant 0 : i32
    %dma_wait3A_195 = arith.constant 0 : i32
    %dma_wait3A_196 = tpu.memref_slice %arg2[%dma_wait3A_194, %dma_wait3A_195] : memref<10000x64xf32, #tpu.memory_space<hbm>> -> memref<10000x64xf32, #tpu.memory_space<hbm>>
    tpu.wait_indirect_dma semaphore(%arg17 : memref<!tpu.dma_semaphore, #tpu.memory_space<semaphore_mem>>) src(%dma_wait3A_196 : memref<10000x64xf32, #tpu.memory_space<hbm>>) dst(%arg9 : memref<80x64xf32, #tpu.memory_space<vmem>>)
    %dma_start3A_197 = arith.constant 9680 : i32
    %dma_start3A_198 = tpu.memref_slice %arg7[%dma_start3A_197] : memref<10000xi32, #tpu.memory_space<vmem>> -> memref<80xi32, #tpu.memory_space<vmem>>
    %dma_start3A_199 = arith.constant 0 : i32
    %dma_start3A_200 = arith.constant 0 : i32
    %dma_start3A_201 = tpu.memref_slice %arg32[%dma_start3A_199, %dma_start3A_200] : memref<10128x64xf32, #tpu.memory_space<vmem_shared>> -> memref<10128x64xf32, #tpu.memory_space<vmem_shared>>
    tpu.enqueue_indirect_dma source(%arg9 : memref<80x64xf32, #tpu.memory_space<vmem>>) target(%dma_start3A_201 : memref<10128x64xf32, #tpu.memory_space<vmem_shared>>) offsets(%dma_start3A_198 : memref<80xi32, #tpu.memory_space<vmem>>) semaphore(%arg25 : memref<!tpu.dma_semaphore, #tpu.memory_space<semaphore_mem>>) {add = true}
    %dma_wait3A_202 = arith.constant 9760 : i32
    %dma_wait3A_203 = tpu.memref_slice %arg6[%dma_wait3A_202] : memref<10000xi32, #tpu.memory_space<vmem>> -> memref<80xi32, #tpu.memory_space<vmem>>
    %dma_wait3A_204 = arith.constant 0 : i32
    %dma_wait3A_205 = arith.constant 0 : i32
    %dma_wait3A_206 = tpu.memref_slice %arg2[%dma_wait3A_204, %dma_wait3A_205] : memref<10000x64xf32, #tpu.memory_space<hbm>> -> memref<10000x64xf32, #tpu.memory_space<hbm>>
    tpu.wait_indirect_dma semaphore(%arg18 : memref<!tpu.dma_semaphore, #tpu.memory_space<semaphore_mem>>) src(%dma_wait3A_206 : memref<10000x64xf32, #tpu.memory_space<hbm>>) dst(%arg10 : memref<80x64xf32, #tpu.memory_space<vmem>>)
    %dma_start3A_207 = arith.constant 9760 : i32
    %dma_start3A_208 = tpu.memref_slice %arg7[%dma_start3A_207] : memref<10000xi32, #tpu.memory_space<vmem>> -> memref<80xi32, #tpu.memory_space<vmem>>
    %dma_start3A_209 = arith.constant 0 : i32
    %dma_start3A_210 = arith.constant 0 : i32
    %dma_start3A_211 = tpu.memref_slice %arg32[%dma_start3A_209, %dma_start3A_210] : memref<10128x64xf32, #tpu.memory_space<vmem_shared>> -> memref<10128x64xf32, #tpu.memory_space<vmem_shared>>
    tpu.enqueue_indirect_dma source(%arg10 : memref<80x64xf32, #tpu.memory_space<vmem>>) target(%dma_start3A_211 : memref<10128x64xf32, #tpu.memory_space<vmem_shared>>) offsets(%dma_start3A_208 : memref<80xi32, #tpu.memory_space<vmem>>) semaphore(%arg26 : memref<!tpu.dma_semaphore, #tpu.memory_space<semaphore_mem>>) {add = true}
    %dma_wait3A_212 = arith.constant 9840 : i32
    %dma_wait3A_213 = tpu.memref_slice %arg6[%dma_wait3A_212] : memref<10000xi32, #tpu.memory_space<vmem>> -> memref<80xi32, #tpu.memory_space<vmem>>
    %dma_wait3A_214 = arith.constant 0 : i32
    %dma_wait3A_215 = arith.constant 0 : i32
    %dma_wait3A_216 = tpu.memref_slice %arg2[%dma_wait3A_214, %dma_wait3A_215] : memref<10000x64xf32, #tpu.memory_space<hbm>> -> memref<10000x64xf32, #tpu.memory_space<hbm>>
    tpu.wait_indirect_dma semaphore(%arg19 : memref<!tpu.dma_semaphore, #tpu.memory_space<semaphore_mem>>) src(%dma_wait3A_216 : memref<10000x64xf32, #tpu.memory_space<hbm>>) dst(%arg11 : memref<80x64xf32, #tpu.memory_space<vmem>>)
    %dma_start3A_217 = arith.constant 9840 : i32
    %dma_start3A_218 = tpu.memref_slice %arg7[%dma_start3A_217] : memref<10000xi32, #tpu.memory_space<vmem>> -> memref<80xi32, #tpu.memory_space<vmem>>
    %dma_start3A_219 = arith.constant 0 : i32
    %dma_start3A_220 = arith.constant 0 : i32
    %dma_start3A_221 = tpu.memref_slice %arg32[%dma_start3A_219, %dma_start3A_220] : memref<10128x64xf32, #tpu.memory_space<vmem_shared>> -> memref<10128x64xf32, #tpu.memory_space<vmem_shared>>
    tpu.enqueue_indirect_dma source(%arg11 : memref<80x64xf32, #tpu.memory_space<vmem>>) target(%dma_start3A_221 : memref<10128x64xf32, #tpu.memory_space<vmem_shared>>) offsets(%dma_start3A_218 : memref<80xi32, #tpu.memory_space<vmem>>) semaphore(%arg27 : memref<!tpu.dma_semaphore, #tpu.memory_space<semaphore_mem>>) {add = true}
    %dma_wait3A_222 = arith.constant 9920 : i32
    %dma_wait3A_223 = tpu.memref_slice %arg6[%dma_wait3A_222] : memref<10000xi32, #tpu.memory_space<vmem>> -> memref<80xi32, #tpu.memory_space<vmem>>
    %dma_wait3A_224 = arith.constant 0 : i32
    %dma_wait3A_225 = arith.constant 0 : i32
    %dma_wait3A_226 = tpu.memref_slice %arg2[%dma_wait3A_224, %dma_wait3A_225] : memref<10000x64xf32, #tpu.memory_space<hbm>> -> memref<10000x64xf32, #tpu.memory_space<hbm>>
    tpu.wait_indirect_dma semaphore(%arg20 : memref<!tpu.dma_semaphore, #tpu.memory_space<semaphore_mem>>) src(%dma_wait3A_226 : memref<10000x64xf32, #tpu.memory_space<hbm>>) dst(%arg12 : memref<80x64xf32, #tpu.memory_space<vmem>>)
    %dma_start3A_227 = arith.constant 9920 : i32
    %dma_start3A_228 = tpu.memref_slice %arg7[%dma_start3A_227] : memref<10000xi32, #tpu.memory_space<vmem>> -> memref<80xi32, #tpu.memory_space<vmem>>
    %dma_start3A_229 = arith.constant 0 : i32
    %dma_start3A_230 = arith.constant 0 : i32
    %dma_start3A_231 = tpu.memref_slice %arg32[%dma_start3A_229, %dma_start3A_230] : memref<10128x64xf32, #tpu.memory_space<vmem_shared>> -> memref<10128x64xf32, #tpu.memory_space<vmem_shared>>
    tpu.enqueue_indirect_dma source(%arg12 : memref<80x64xf32, #tpu.memory_space<vmem>>) target(%dma_start3A_231 : memref<10128x64xf32, #tpu.memory_space<vmem_shared>>) offsets(%dma_start3A_228 : memref<80xi32, #tpu.memory_space<vmem>>) semaphore(%arg28 : memref<!tpu.dma_semaphore, #tpu.memory_space<semaphore_mem>>) {add = true}
    %dma_wait3A_232 = arith.constant 9600 : i32
    %dma_wait3A_233 = tpu.memref_slice %arg7[%dma_wait3A_232] : memref<10000xi32, #tpu.memory_space<vmem>> -> memref<80xi32, #tpu.memory_space<vmem>>
    %dma_wait3A_234 = arith.constant 0 : i32
    %dma_wait3A_235 = arith.constant 0 : i32
    %dma_wait3A_236 = tpu.memref_slice %arg32[%dma_wait3A_234, %dma_wait3A_235] : memref<10128x64xf32, #tpu.memory_space<vmem_shared>> -> memref<10128x64xf32, #tpu.memory_space<vmem_shared>>
    tpu.wait_indirect_dma semaphore(%arg24 : memref<!tpu.dma_semaphore, #tpu.memory_space<semaphore_mem>>) src(%arg8 : memref<80x64xf32, #tpu.memory_space<vmem>>) dst(%dma_wait3A_236 : memref<10128x64xf32, #tpu.memory_space<vmem_shared>>)
    %dma_wait3A_237 = arith.constant 9680 : i32
    %dma_wait3A_238 = tpu.memref_slice %arg7[%dma_wait3A_237] : memref<10000xi32, #tpu.memory_space<vmem>> -> memref<80xi32, #tpu.memory_space<vmem>>
    %dma_wait3A_239 = arith.constant 0 : i32
    %dma_wait3A_240 = arith.constant 0 : i32
    %dma_wait3A_241 = tpu.memref_slice %arg32[%dma_wait3A_239, %dma_wait3A_240] : memref<10128x64xf32, #tpu.memory_space<vmem_shared>> -> memref<10128x64xf32, #tpu.memory_space<vmem_shared>>
    tpu.wait_indirect_dma semaphore(%arg25 : memref<!tpu.dma_semaphore, #tpu.memory_space<semaphore_mem>>) src(%arg9 : memref<80x64xf32, #tpu.memory_space<vmem>>) dst(%dma_wait3A_241 : memref<10128x64xf32, #tpu.memory_space<vmem_shared>>)
    %dma_wait3A_242 = arith.constant 9760 : i32
    %dma_wait3A_243 = tpu.memref_slice %arg7[%dma_wait3A_242] : memref<10000xi32, #tpu.memory_space<vmem>> -> memref<80xi32, #tpu.memory_space<vmem>>
    %dma_wait3A_244 = arith.constant 0 : i32
    %dma_wait3A_245 = arith.constant 0 : i32
    %dma_wait3A_246 = tpu.memref_slice %arg32[%dma_wait3A_244, %dma_wait3A_245] : memref<10128x64xf32, #tpu.memory_space<vmem_shared>> -> memref<10128x64xf32, #tpu.memory_space<vmem_shared>>
    tpu.wait_indirect_dma semaphore(%arg26 : memref<!tpu.dma_semaphore, #tpu.memory_space<semaphore_mem>>) src(%arg10 : memref<80x64xf32, #tpu.memory_space<vmem>>) dst(%dma_wait3A_246 : memref<10128x64xf32, #tpu.memory_space<vmem_shared>>)
    %dma_wait3A_247 = arith.constant 9840 : i32
    %dma_wait3A_248 = tpu.memref_slice %arg7[%dma_wait3A_247] : memref<10000xi32, #tpu.memory_space<vmem>> -> memref<80xi32, #tpu.memory_space<vmem>>
    %dma_wait3A_249 = arith.constant 0 : i32
    %dma_wait3A_250 = arith.constant 0 : i32
    %dma_wait3A_251 = tpu.memref_slice %arg32[%dma_wait3A_249, %dma_wait3A_250] : memref<10128x64xf32, #tpu.memory_space<vmem_shared>> -> memref<10128x64xf32, #tpu.memory_space<vmem_shared>>
    tpu.wait_indirect_dma semaphore(%arg27 : memref<!tpu.dma_semaphore, #tpu.memory_space<semaphore_mem>>) src(%arg11 : memref<80x64xf32, #tpu.memory_space<vmem>>) dst(%dma_wait3A_251 : memref<10128x64xf32, #tpu.memory_space<vmem_shared>>)
    %dma_wait3A_252 = arith.constant 9920 : i32
    %dma_wait3A_253 = tpu.memref_slice %arg7[%dma_wait3A_252] : memref<10000xi32, #tpu.memory_space<vmem>> -> memref<80xi32, #tpu.memory_space<vmem>>
    %dma_wait3A_254 = arith.constant 0 : i32
    %dma_wait3A_255 = arith.constant 0 : i32
    %dma_wait3A_256 = tpu.memref_slice %arg32[%dma_wait3A_254, %dma_wait3A_255] : memref<10128x64xf32, #tpu.memory_space<vmem_shared>> -> memref<10128x64xf32, #tpu.memory_space<vmem_shared>>
    tpu.wait_indirect_dma semaphore(%arg28 : memref<!tpu.dma_semaphore, #tpu.memory_space<semaphore_mem>>) src(%arg12 : memref<80x64xf32, #tpu.memory_space<vmem>>) dst(%dma_wait3A_256 : memref<10128x64xf32, #tpu.memory_space<vmem_shared>>)
    %dma_wait3A_257 = arith.constant 9360 : i32
    %dma_wait3A_258 = tpu.memref_slice %arg7[%dma_wait3A_257] : memref<10000xi32, #tpu.memory_space<vmem>> -> memref<80xi32, #tpu.memory_space<vmem>>
    %dma_wait3A_259 = arith.constant 0 : i32
    %dma_wait3A_260 = arith.constant 0 : i32
    %dma_wait3A_261 = tpu.memref_slice %arg32[%dma_wait3A_259, %dma_wait3A_260] : memref<10128x64xf32, #tpu.memory_space<vmem_shared>> -> memref<10128x64xf32, #tpu.memory_space<vmem_shared>>
    tpu.wait_indirect_dma semaphore(%arg29 : memref<!tpu.dma_semaphore, #tpu.memory_space<semaphore_mem>>) src(%arg13 : memref<80x64xf32, #tpu.memory_space<vmem>>) dst(%dma_wait3A_261 : memref<10128x64xf32, #tpu.memory_space<vmem_shared>>)
    %dma_wait3A_262 = arith.constant 9440 : i32
    %dma_wait3A_263 = tpu.memref_slice %arg7[%dma_wait3A_262] : memref<10000xi32, #tpu.memory_space<vmem>> -> memref<80xi32, #tpu.memory_space<vmem>>
    %dma_wait3A_264 = arith.constant 0 : i32
    %dma_wait3A_265 = arith.constant 0 : i32
    %dma_wait3A_266 = tpu.memref_slice %arg32[%dma_wait3A_264, %dma_wait3A_265] : memref<10128x64xf32, #tpu.memory_space<vmem_shared>> -> memref<10128x64xf32, #tpu.memory_space<vmem_shared>>
    tpu.wait_indirect_dma semaphore(%arg30 : memref<!tpu.dma_semaphore, #tpu.memory_space<semaphore_mem>>) src(%arg14 : memref<80x64xf32, #tpu.memory_space<vmem>>) dst(%dma_wait3A_266 : memref<10128x64xf32, #tpu.memory_space<vmem_shared>>)
    %dma_wait3A_267 = arith.constant 9520 : i32
    %dma_wait3A_268 = tpu.memref_slice %arg7[%dma_wait3A_267] : memref<10000xi32, #tpu.memory_space<vmem>> -> memref<80xi32, #tpu.memory_space<vmem>>
    %dma_wait3A_269 = arith.constant 0 : i32
    %dma_wait3A_270 = arith.constant 0 : i32
    %dma_wait3A_271 = tpu.memref_slice %arg32[%dma_wait3A_269, %dma_wait3A_270] : memref<10128x64xf32, #tpu.memory_space<vmem_shared>> -> memref<10128x64xf32, #tpu.memory_space<vmem_shared>>
    tpu.wait_indirect_dma semaphore(%arg31 : memref<!tpu.dma_semaphore, #tpu.memory_space<semaphore_mem>>) src(%arg15 : memref<80x64xf32, #tpu.memory_space<vmem>>) dst(%dma_wait3A_271 : memref<10128x64xf32, #tpu.memory_space<vmem_shared>>)
    %barrier3A_272 = arith.constant 0 : index
    tpu.barrier barrier_id(%barrier3A_272)
    %mul3A_273 = arith.constant 624 : i32
    %mul3A_274 = arith.muli %arg1, %mul3A_273 : i32
    %mul3A_275 = arith.constant 624 : i32
    %mul3A_276 = arith.muli %arg1, %mul3A_275 : i32
    "tpu.region"() ({
      %run_scoped3A_282 = tpu.sem_alloc : memref<!tpu.dma_semaphore, #tpu.memory_space<semaphore_mem>>
      %dma_start3A_283 = arith.constant 0 : i32
      %dma_start3A_284 = arith.constant 0 : i32
      %dma_start3A_285 = tpu.memref_slice %arg5[%arg0, %dma_start3A_283, %dma_start3A_284] : memref<2x10000x64xf32, #tpu.memory_space<hbm>> -> memref<1x10000x64xf32, #tpu.memory_space<hbm>>
      %dma_start3A_286 = tpu.memref_squeeze %dma_start3A_285 : memref<1x10000x64xf32, #tpu.memory_space<hbm>> -> memref<10000x64xf32, #tpu.memory_space<hbm>>
      %dma_start3A_287 = arith.constant 0 : i32
      %dma_start3A_288 = tpu.memref_slice %dma_start3A_286[%mul3A_276, %dma_start3A_287] : memref<10000x64xf32, #tpu.memory_space<hbm>> -> memref<624x64xf32, #tpu.memory_space<hbm>>
      %dma_start3A_289 = arith.constant 0 : i32
      %dma_start3A_290 = tpu.memref_slice %arg32[%mul3A_274, %dma_start3A_289] : memref<10128x64xf32, #tpu.memory_space<vmem_shared>> -> memref<624x64xf32, #tpu.memory_space<vmem_shared>>
      tpu.enqueue_dma source(%dma_start3A_290 : memref<624x64xf32, #tpu.memory_space<vmem_shared>>) target(%dma_start3A_288 : memref<624x64xf32, #tpu.memory_space<hbm>>) target_semaphore(%run_scoped3A_282 : memref<!tpu.dma_semaphore, #tpu.memory_space<semaphore_mem>>)
      %dma_wait3A_291 = arith.constant 0 : i32
      %dma_wait3A_292 = arith.constant 0 : i32
      %dma_wait3A_293 = tpu.memref_slice %arg5[%arg0, %dma_wait3A_291, %dma_wait3A_292] : memref<2x10000x64xf32, #tpu.memory_space<hbm>> -> memref<1x10000x64xf32, #tpu.memory_space<hbm>>
      %dma_wait3A_294 = tpu.memref_squeeze %dma_wait3A_293 : memref<1x10000x64xf32, #tpu.memory_space<hbm>> -> memref<10000x64xf32, #tpu.memory_space<hbm>>
      %dma_wait3A_295 = arith.constant 0 : i32
      %dma_wait3A_296 = tpu.memref_slice %dma_wait3A_294[%mul3A_276, %dma_wait3A_295] : memref<10000x64xf32, #tpu.memory_space<hbm>> -> memref<624x64xf32, #tpu.memory_space<hbm>>
      %dma_wait3A_297 = arith.constant 0 : i32
      %dma_wait3A_298 = tpu.memref_slice %arg32[%mul3A_274, %dma_wait3A_297] : memref<10128x64xf32, #tpu.memory_space<vmem_shared>> -> memref<624x64xf32, #tpu.memory_space<vmem_shared>>
      tpu.wait_dma2 semaphore(%run_scoped3A_282 : memref<!tpu.dma_semaphore, #tpu.memory_space<semaphore_mem>>) src(%dma_wait3A_298 : memref<624x64xf32, #tpu.memory_space<vmem_shared>>) dst(%dma_wait3A_296 : memref<624x64xf32, #tpu.memory_space<hbm>>)
      tpu.yield
    }) : () -> ()
    %eq3A_277 = arith.constant 15 : i32
    %eq3A_278 = arith.cmpi eq, %arg1, %eq3A_277 : i32
    %convert_element_type3A_279 = arith.extui %eq3A_278 : i1 to i32
    %cond3A_280 = arith.constant 0 : i32
    %cond3A_281 = arith.cmpi ne, %convert_element_type3A_279, %cond3A_280 : i32
    scf.if %cond3A_281 {
      "tpu.region"() ({
        %run_scoped3A_282 = tpu.sem_alloc : memref<!tpu.dma_semaphore, #tpu.memory_space<semaphore_mem>>
        %dma_start3A_283 = arith.constant 0 : i32
        %dma_start3A_284 = arith.constant 0 : i32
        %dma_start3A_285 = tpu.memref_slice %arg5[%arg0, %dma_start3A_283, %dma_start3A_284] : memref<2x10000x64xf32, #tpu.memory_space<hbm>> -> memref<1x10000x64xf32, #tpu.memory_space<hbm>>
        %dma_start3A_286 = tpu.memref_squeeze %dma_start3A_285 : memref<1x10000x64xf32, #tpu.memory_space<hbm>> -> memref<10000x64xf32, #tpu.memory_space<hbm>>
        %dma_start3A_287 = arith.constant 9984 : i32
        %dma_start3A_288 = arith.constant 0 : i32
        %dma_start3A_289 = tpu.memref_slice %dma_start3A_286[%dma_start3A_287, %dma_start3A_288] : memref<10000x64xf32, #tpu.memory_space<hbm>> -> memref<16x64xf32, #tpu.memory_space<hbm>>
        %dma_start3A_290 = arith.constant 9984 : i32
        %dma_start3A_291 = arith.constant 0 : i32
        %dma_start3A_292 = tpu.memref_slice %arg32[%dma_start3A_290, %dma_start3A_291] : memref<10128x64xf32, #tpu.memory_space<vmem_shared>> -> memref<16x64xf32, #tpu.memory_space<vmem_shared>>
        tpu.enqueue_dma source(%dma_start3A_292 : memref<16x64xf32, #tpu.memory_space<vmem_shared>>) target(%dma_start3A_289 : memref<16x64xf32, #tpu.memory_space<hbm>>) target_semaphore(%run_scoped3A_282 : memref<!tpu.dma_semaphore, #tpu.memory_space<semaphore_mem>>)
        %dma_wait3A_293 = arith.constant 0 : i32
        %dma_wait3A_294 = arith.constant 0 : i32
        %dma_wait3A_295 = tpu.memref_slice %arg5[%arg0, %dma_wait3A_293, %dma_wait3A_294] : memref<2x10000x64xf32, #tpu.memory_space<hbm>> -> memref<1x10000x64xf32, #tpu.memory_space<hbm>>
        %dma_wait3A_296 = tpu.memref_squeeze %dma_wait3A_295 : memref<1x10000x64xf32, #tpu.memory_space<hbm>> -> memref<10000x64xf32, #tpu.memory_space<hbm>>
        %dma_wait3A_297 = arith.constant 9984 : i32
        %dma_wait3A_298 = arith.constant 0 : i32
        %dma_wait3A_299 = tpu.memref_slice %dma_wait3A_296[%dma_wait3A_297, %dma_wait3A_298] : memref<10000x64xf32, #tpu.memory_space<hbm>> -> memref<16x64xf32, #tpu.memory_space<hbm>>
        %dma_wait3A_300 = arith.constant 9984 : i32
        %dma_wait3A_301 = arith.constant 0 : i32
        %dma_wait3A_302 = tpu.memref_slice %arg32[%dma_wait3A_300, %dma_wait3A_301] : memref<10128x64xf32, #tpu.memory_space<vmem_shared>> -> memref<16x64xf32, #tpu.memory_space<vmem_shared>>
        tpu.wait_dma2 semaphore(%run_scoped3A_282 : memref<!tpu.dma_semaphore, #tpu.memory_space<semaphore_mem>>) src(%dma_wait3A_302 : memref<16x64xf32, #tpu.memory_space<vmem_shared>>) dst(%dma_wait3A_299 : memref<16x64xf32, #tpu.memory_space<hbm>>)
        tpu.yield
      }) : () -> ()
    } else {
    }
    return
  }
}

module attributes {stable_mosaic.version = 14 : i64} {
  func.func @tc_layer1(%arg0: memref<10000x128xf32, #tpu.memory_space<vmem>>, %arg1: memref<128x64xf32, #tpu.memory_space<vmem>>, %arg2: memref<2x10000xf32, #tpu.memory_space<vmem>>, %arg3: memref<10000x64xf32, #tpu.memory_space<vmem>>, %arg4: memref<10000x64xf32, #tpu.memory_space<vmem>>) attributes {dimension_semantics = [], scalar_prefetch = 0 : i64, scratch_operands = 0 : i64, tpu.core_type = #tpu.core_type<tc>} {
    %get3A = arith.constant 0 : index
    %get3A_0 = arith.constant 0 : index
    %get3A_1 = vector.load %arg2[%get3A, %get3A_0] : memref<2x10000xf32, #tpu.memory_space<vmem>>, vector<1x10000xf32>
    %get3A_2 = vector.shape_cast %get3A_1 : vector<1x10000xf32> to vector<10000xf32>
    %get3A_3 = arith.constant 1 : index
    %get3A_4 = arith.constant 0 : index
    %get3A_5 = vector.load %arg2[%get3A_3, %get3A_4] : memref<2x10000xf32, #tpu.memory_space<vmem>>, vector<1x10000xf32>
    %get3A_6 = vector.shape_cast %get3A_5 : vector<1x10000xf32> to vector<10000xf32>
    %add3A = arith.addf %get3A_2, %get3A_6 : vector<10000xf32>
    %add3A_7 = arith.constant 1.000000e+00 : f32
    %add3A_8 = vector.broadcast %add3A_7 : f32 to vector<10000xf32>
    %add3A_9 = arith.addf %add3A, %add3A_8 : vector<10000xf32>
    %rsqrt3A = math.rsqrt %add3A_9 : vector<10000xf32>
    %reshape3A = vector.shape_cast %rsqrt3A : vector<10000xf32> to vector<10000x1xf32>
    %broadcast_in_dim3A = vector.shape_cast %reshape3A : vector<10000x1xf32> to vector<10000x1xf32>
    %broadcast_in_dim3A_10 = vector.broadcast %broadcast_in_dim3A : vector<10000x1xf32> to vector<10000x64xf32>
    %swap3A = arith.constant 0 : index
    %swap3A_11 = arith.constant 0 : index
    %swap3A_12 = vector.load %arg4[%swap3A, %swap3A_11] : memref<10000x64xf32, #tpu.memory_space<vmem>>, vector<10000x64xf32>
    tpu.vector_store %arg4[%swap3A, %swap3A_11], %broadcast_in_dim3A_10 {strides = array<i32>} : memref<10000x64xf32, #tpu.memory_space<vmem>>, vector<10000x64xf32>,
    %get3A_13 = arith.constant 0 : index
    %get3A_14 = arith.constant 0 : index
    %get3A_15 = vector.load %arg0[%get3A_13, %get3A_14] : memref<10000x128xf32, #tpu.memory_space<vmem>>, vector<10000x128xf32>
    %get3A_16 = arith.constant 0 : index
    %get3A_17 = arith.constant 0 : index
    %get3A_18 = vector.load %arg1[%get3A_16, %get3A_17] : memref<128x64xf32, #tpu.memory_space<vmem>>, vector<128x64xf32>
    %dot_general3A = arith.constant dense<0.000000e+00> : vector<10000x64xf32>
    %dot_general3A_19 = tpu.matmul %get3A_15, %get3A_18, %dot_general3A {dimension_numbers = #tpu.dot_dimension_numbers<[1], [0], [0], [1], [0, 0, 1, 1], [], []>, transpose_lhs_hint = false} : vector<10000x128xf32>, vector<128x64xf32>, vector<10000x64xf32> -> vector<10000x64xf32>
    %mul3A = arith.mulf %dot_general3A_19, %broadcast_in_dim3A_10 : vector<10000x64xf32>
    %swap3A_20 = arith.constant 0 : index
    %swap3A_21 = arith.constant 0 : index
    %swap3A_22 = vector.load %arg3[%swap3A_20, %swap3A_21] : memref<10000x64xf32, #tpu.memory_space<vmem>>, vector<10000x64xf32>
    tpu.vector_store %arg3[%swap3A_20, %swap3A_21], %mul3A {strides = array<i32>} : memref<10000x64xf32, #tpu.memory_space<vmem>>, vector<10000x64xf32>,
    return
  }
}

module attributes {stable_mosaic.version = 14 : i64} {
  func.func @tc_mid(%arg0: i32, %arg1: memref<2x1000x128xf32, #tpu.memory_space<vmem>>, %arg2: memref<1000x128xf32, #tpu.memory_space<vmem>>, %arg3: memref<1000x128xf32, #tpu.memory_space<vmem>>, %arg4: memref<1x128xf32, #tpu.memory_space<vmem>>, %arg5: memref<1000x128xf32, #tpu.memory_space<vmem>>) attributes {dimension_semantics = [#tpu.dimension_semantics<arbitrary>], iteration_bounds = array<i64: 5>, scalar_prefetch = 0 : i64, scratch_operands = 0 : i64, tpu.core_type = #tpu.core_type<tc>, window_params = [{transform_indices = @transform_0, window_bounds = array<i64: 2, 1000, 128>}, {transform_indices = @transform_1, window_bounds = array<i64: 1000, 128>}, {transform_indices = @transform_2, window_bounds = array<i64: 1000, 128>}, {pipeline_mode = #tpu.pipeline_mode<synchronous>, transform_indices = @transform_3, window_bounds = array<i64: 1, 128>}, {transform_indices = @transform_4, window_bounds = array<i64: 1000, 128>}]} {
    %get3A = arith.constant 0 : index
    %get3A_0 = arith.constant 0 : index
    %get3A_1 = arith.constant 0 : index
    %get3A_2 = vector.load %arg1[%get3A, %get3A_0, %get3A_1] : memref<2x1000x128xf32, #tpu.memory_space<vmem>>, vector<1x1000x128xf32>
    %get3A_3 = vector.shape_cast %get3A_2 : vector<1x1000x128xf32> to vector<1000x128xf32>
    %get3A_4 = arith.constant 1 : index
    %get3A_5 = arith.constant 0 : index
    %get3A_6 = arith.constant 0 : index
    %get3A_7 = vector.load %arg1[%get3A_4, %get3A_5, %get3A_6] : memref<2x1000x128xf32, #tpu.memory_space<vmem>>, vector<1x1000x128xf32>
    %get3A_8 = vector.shape_cast %get3A_7 : vector<1x1000x128xf32> to vector<1000x128xf32>
    %add3A = arith.addf %get3A_3, %get3A_8 : vector<1000x128xf32>
    %get3A_9 = arith.constant 0 : index
    %get3A_10 = arith.constant 0 : index
    %get3A_11 = vector.load %arg2[%get3A_9, %get3A_10] : memref<1000x128xf32, #tpu.memory_space<vmem>>, vector<1000x128xf32>
    %add3A_12 = arith.addf %add3A, %get3A_11 : vector<1000x128xf32>
    %get3A_13 = arith.constant 0 : index
    %get3A_14 = arith.constant 0 : index
    %get3A_15 = vector.load %arg3[%get3A_13, %get3A_14] : memref<1000x128xf32, #tpu.memory_space<vmem>>, vector<1000x128xf32>
    %mul3A = arith.mulf %get3A_15, %add3A_12 : vector<1000x128xf32>
    %get3A_16 = arith.constant 0 : index
    %get3A_17 = arith.constant 0 : index
    %get3A_18 = vector.load %arg4[%get3A_16, %get3A_17] : memref<1x128xf32, #tpu.memory_space<vmem>>, vector<1x128xf32>
    %add3A_19 = vector.broadcast %get3A_18 : vector<1x128xf32> to vector<1000x128xf32>
    %add3A_20 = arith.addf %mul3A, %add3A_19 : vector<1000x128xf32>
    %max3A = arith.constant 0.000000e+00 : f32
    %max3A_21 = vector.broadcast %max3A : f32 to vector<1000x128xf32>
    %max3A_22 = arith.maximumf %add3A_20, %max3A_21 : vector<1000x128xf32>
    %get3A_23 = arith.constant 0 : index
    %get3A_24 = arith.constant 0 : index
    %get3A_25 = vector.load %arg3[%get3A_23, %get3A_24] : memref<1000x128xf32, #tpu.memory_space<vmem>>, vector<1000x128xf32>
    %mul3A_26 = arith.mulf %get3A_25, %max3A_22 : vector<1000x128xf32>
    %swap3A = arith.constant 0 : index
    %swap3A_27 = arith.constant 0 : index
    %swap3A_28 = vector.load %arg5[%swap3A, %swap3A_27] : memref<1000x128xf32, #tpu.memory_space<vmem>>, vector<1000x128xf32>
    tpu.vector_store %arg5[%swap3A, %swap3A_27], %mul3A_26 {strides = array<i32>} : memref<1000x128xf32, #tpu.memory_space<vmem>>, vector<1000x128xf32>,
    return
  }
  func.func @transform_0(%arg0: i32) -> (i32, i32, i32) {
    %c0_i32 = arith.constant 0 : i32
    %c0_i32_0 = arith.constant 0 : i32
    %c0_i32_1 = arith.constant 0 : i32
    return %c0_i32, %arg0, %c0_i32_0 : i32, i32, i32
  }
  func.func @transform_1(%arg0: i32) -> (i32, i32) {
    %c0_i32 = arith.constant 0 : i32
    %c0_i32_0 = arith.constant 0 : i32
    return %arg0, %c0_i32 : i32, i32
  }
  func.func @transform_2(%arg0: i32) -> (i32, i32) {
    %c0_i32 = arith.constant 0 : i32
    %c0_i32_0 = arith.constant 0 : i32
    return %arg0, %c0_i32 : i32, i32
  }
  func.func @transform_3(%arg0: i32) -> (i32, i32) {
    %c0_i32 = arith.constant 0 : i32
    %c0_i32_0 = arith.constant 0 : i32
    %c0_i32_1 = arith.constant 0 : i32
    return %c0_i32, %c0_i32_0 : i32, i32
  }
  func.func @transform_4(%arg0: i32) -> (i32, i32) {
    %c0_i32 = arith.constant 0 : i32
    %c0_i32_0 = arith.constant 0 : i32
    return %arg0, %c0_i32 : i32, i32
  }
}

module attributes {stable_mosaic.version = 14 : i64} {
  func.func @tc_out(%arg0: i32, %arg1: memref<2x1000x128xf32, #tpu.memory_space<vmem>>, %arg2: memref<1000x128xf32, #tpu.memory_space<vmem>>, %arg3: memref<1000x128xf32, #tpu.memory_space<vmem>>, %arg4: memref<128x6xf32, #tpu.memory_space<vmem>>, %arg5: memref<1x6xf32, #tpu.memory_space<vmem>>, %arg6: memref<1000x6xf32, #tpu.memory_space<vmem>>) attributes {dimension_semantics = [#tpu.dimension_semantics<arbitrary>], iteration_bounds = array<i64: 5>, scalar_prefetch = 0 : i64, scratch_operands = 0 : i64, tpu.core_type = #tpu.core_type<tc>, window_params = [{transform_indices = @transform_0, window_bounds = array<i64: 2, 1000, 128>}, {transform_indices = @transform_1, window_bounds = array<i64: 1000, 128>}, {transform_indices = @transform_2, window_bounds = array<i64: 1000, 128>}, {pipeline_mode = #tpu.pipeline_mode<synchronous>, transform_indices = @transform_3, window_bounds = array<i64: 128, 6>}, {pipeline_mode = #tpu.pipeline_mode<synchronous>, transform_indices = @transform_4, window_bounds = array<i64: 1, 6>}, {transform_indices = @transform_5, window_bounds = array<i64: 1000, 6>}]} {
    %get3A = arith.constant 0 : index
    %get3A_0 = arith.constant 0 : index
    %get3A_1 = vector.load %arg3[%get3A, %get3A_0] : memref<1000x128xf32, #tpu.memory_space<vmem>>, vector<1000x128xf32>
    %get3A_2 = arith.constant 0 : index
    %get3A_3 = arith.constant 0 : index
    %get3A_4 = arith.constant 0 : index
    %get3A_5 = vector.load %arg1[%get3A_2, %get3A_3, %get3A_4] : memref<2x1000x128xf32, #tpu.memory_space<vmem>>, vector<1x1000x128xf32>
    %get3A_6 = vector.shape_cast %get3A_5 : vector<1x1000x128xf32> to vector<1000x128xf32>
    %get3A_7 = arith.constant 1 : index
    %get3A_8 = arith.constant 0 : index
    %get3A_9 = arith.constant 0 : index
    %get3A_10 = vector.load %arg1[%get3A_7, %get3A_8, %get3A_9] : memref<2x1000x128xf32, #tpu.memory_space<vmem>>, vector<1x1000x128xf32>
    %get3A_11 = vector.shape_cast %get3A_10 : vector<1x1000x128xf32> to vector<1000x128xf32>
    %add3A = arith.addf %get3A_6, %get3A_11 : vector<1000x128xf32>
    %get3A_12 = arith.constant 0 : index
    %get3A_13 = arith.constant 0 : index
    %get3A_14 = vector.load %arg2[%get3A_12, %get3A_13] : memref<1000x128xf32, #tpu.memory_space<vmem>>, vector<1000x128xf32>
    %add3A_15 = arith.addf %add3A, %get3A_14 : vector<1000x128xf32>
    %mul3A = arith.mulf %get3A_1, %add3A_15 : vector<1000x128xf32>
    %get3A_16 = arith.constant 0 : index
    %get3A_17 = arith.constant 0 : index
    %get3A_18 = vector.load %arg4[%get3A_16, %get3A_17] : memref<128x6xf32, #tpu.memory_space<vmem>>, vector<128x6xf32>
    %dot_general3A = arith.constant dense<0.000000e+00> : vector<1000x6xf32>
    %dot_general3A_19 = tpu.matmul %mul3A, %get3A_18, %dot_general3A {dimension_numbers = #tpu.dot_dimension_numbers<[1], [0], [0], [1], [0, 0, 1, 1], [], []>, transpose_lhs_hint = false} : vector<1000x128xf32>, vector<128x6xf32>, vector<1000x6xf32> -> vector<1000x6xf32>
    %get3A_20 = arith.constant 0 : index
    %get3A_21 = arith.constant 0 : index
    %get3A_22 = vector.load %arg5[%get3A_20, %get3A_21] : memref<1x6xf32, #tpu.memory_space<vmem>>, vector<1x6xf32>
    %add3A_23 = vector.broadcast %get3A_22 : vector<1x6xf32> to vector<1000x6xf32>
    %add3A_24 = arith.addf %dot_general3A_19, %add3A_23 : vector<1000x6xf32>
    %swap3A = arith.constant 0 : index
    %swap3A_25 = arith.constant 0 : index
    %swap3A_26 = vector.load %arg6[%swap3A, %swap3A_25] : memref<1000x6xf32, #tpu.memory_space<vmem>>, vector<1000x6xf32>
    tpu.vector_store %arg6[%swap3A, %swap3A_25], %add3A_24 {strides = array<i32>} : memref<1000x6xf32, #tpu.memory_space<vmem>>, vector<1000x6xf32>,
    return
  }
  func.func @transform_0(%arg0: i32) -> (i32, i32, i32) {
    %c0_i32 = arith.constant 0 : i32
    %c0_i32_0 = arith.constant 0 : i32
    %c0_i32_1 = arith.constant 0 : i32
    return %c0_i32, %arg0, %c0_i32_0 : i32, i32, i32
  }
  func.func @transform_1(%arg0: i32) -> (i32, i32) {
    %c0_i32 = arith.constant 0 : i32
    %c0_i32_0 = arith.constant 0 : i32
    return %arg0, %c0_i32 : i32, i32
  }
  func.func @transform_2(%arg0: i32) -> (i32, i32) {
    %c0_i32 = arith.constant 0 : i32
    %c0_i32_0 = arith.constant 0 : i32
    return %arg0, %c0_i32 : i32, i32
  }
  func.func @transform_3(%arg0: i32) -> (i32, i32) {
    %c0_i32 = arith.constant 0 : i32
    %c0_i32_0 = arith.constant 0 : i32
    %c0_i32_1 = arith.constant 0 : i32
    return %c0_i32, %c0_i32_0 : i32, i32
  }
  func.func @transform_4(%arg0: i32) -> (i32, i32) {
    %c0_i32 = arith.constant 0 : i32
    %c0_i32_0 = arith.constant 0 : i32
    %c0_i32_1 = arith.constant 0 : i32
    return %c0_i32, %c0_i32_0 : i32, i32
  }
  func.func @transform_5(%arg0: i32) -> (i32, i32) {
    %c0_i32 = arith.constant 0 : i32
    %c0_i32_0 = arith.constant 0 : i32
    return %arg0, %c0_i32 : i32, i32
  }
}

</mosaic_0001>

<sc_bundles>
// kernel: sc_degree.3.cloned.1.call-start
scs
__scs_entry_jumppad:
0x0: {  	(pc) =	sbr.rel $0x88, $3  }
0x1: {  	(tag) =	ssettag $0x0;
	lr =	simm.s32 $0x1  }
0x2: {  	[smem:$0x3F9B] =	sst lr;
	_ =	strace $0xD0000000  }
0x3: {  	_ = 	snop  }
0x4: {  	_ = 	snop  }
0x5: {  	_ = 	snop  }
0x6: {  	_ = 	snop  }
0x7: {  	_ = 	snop  }
__scs_overlays_trampoline_lowered:
0x8: {  	[smem:$0x3FAA] =	sst s0  }
0x9: {  	[smem:$0x3FAB] =	sst s1  }
0xa: {  	[smem:$0x3FAC] =	sst s2  }
0xb: {  	[smem:$0x3FAD] =	sst s3  }
0xc: {  	[smem:$0x3FAE] =	sst s4  }
0xd: {  	[smem:$0x3FAF] =	sst s5  }
0xe: {  	[smem:$0x3FB0] =	sst s6  }
0xf: {  	[smem:$0x3FB1] =	sst s7  }
0x10: {  	[smem:$0x3FB2] =	sst s8  }
0x11: {  	[smem:$0x3FB3] =	sst s9;
	s0 =	simm.s32 @!p0 $0x0  }
0x12: {  	s1 =	sld [smem:$0x3F99];
	s0 =	simm.s32 @p0 $0x1  }
0x13: {  	[smem:$0x3FB4] =	sst s0;
	s0 =	simm.s32 @!p1 $0x0  }
0x14: {  	s2 =	sld [smem:$0x3F98];
	s0 =	simm.s32 @p1 $0x1  }
0x15: {  	[smem:$0x3FB5] =	sst s0;
	s0 =	simm.s32 @!p2 $0x0  }
0x16: {  	s3 =	sld [smem:$0x3FDB];
	s0 =	simm.s32 @p2 $0x1  }
0x17: {  	s4 =	simm.s32 $0x1BF5;
	[smem:$0x3FB7] =	sst s0  }
0x18: {  	s0 =	sld [smem:$0x3F9A];
	_ =	swait.ge [sflag:s4], $0x0  }
0x19: {  	s7 =	sld [smem:$0x3F9B]  }
0x1a: {  	s8 =	sadd.s32 $0xFFFFE003, lr  }
0x1b: {  	s9 =	sadd.s32 $0xFFFFFEF7, lr;
	s5 =	simm.s32 $0xFFFFFFFF;
	p2 =	slt.u32 s8, $0xFFFFF086  }
0x1c: {  	p1 =	slt.u32 s9, $0xF7A;
	s5 =	simm.s32 @!p2 $0x0  }
0x1d: {  	s5 =	simm.s32 @p1 $0x1;
	p0 =	seq.s32 s7, s2  }
0x1e: {  	s7 =	smul.u32 @!p0 $0xF7A, s2;
	p2 =	seq.s32 @!p0 s5, $0x0  }
0x1f: {  	s9 =	smul.u32 $0xF7A, s1;
	s8 =	simm.s32 @!p0 $0x1BF5;
	p2 =	por !p2, p0  }
0x20: {  	[sflag:s8] =	ssyncset.s32 @!p0 $0xFFFFF086;
	s6 =	sadd.s32 @!p0 s3, s7;
	s7 =	simm.s32 @!p0 $0x108  }
0x21: {  	s3 =	sadd.s32 s3, s9;
	s6 =	sadd.s32 @!p0 $0x88, s6;
	s7 =	simm.s32 @p2 $0x1082  }
0x22: {  	[simem:s7], [sflag:s8] =	dma.local @!p0 [hbm:s6], $0xF7A  }
0x23: {  	s9 =	sor.u32 $0xD0000000, s2;
	s6 =	simm.s32 $0x108;
	_ =	swait.ge @!p0 [sflag:s8], $0x0  }
0x24: {  	s3 =	sadd.s32 $0x88, s3;
	s6 =	simm.s32 @!p1 $0x1082;
	[sflag:s4] =	ssyncset.s32 $0xFFFFF086  }
0x25: {  	[simem:s6], [sflag:s4] =	dma.local [hbm:s3], $0xF7A  }
0x26: {  	[smem:$0x3F9B] =	sst s1;
	(tag) =	ssettag s2;
	_ =	strace s9  }
0x27: {  	s1 =	sld [smem:$0x3FAB]  }
0x28: {  	s2 =	sld [smem:$0x3FAC]  }
0x29: {  	s4 =	sld [smem:$0x3FAE]  }
0x2a: {  	p0 =	seq.s32 s5, $0x0;
	s5 =	sld [smem:$0x3FAF]  }
0x2b: {  	s6 =	sld [smem:$0x3FB0]  }
0x2c: {  	s7 =	sld [smem:$0x3FB1]  }
0x2d: {  	s3 =	simm.s32 $0x108;
	s8 =	sld [smem:$0x3FB2]  }
0x2e: {  	s3 =	simm.s32 @!p0 $0x1082;
	s9 =	sld [smem:$0x3FB3]  }
0x2f: {  	lr =	sadd.s32 s0, s3;
	s0 =	sld [smem:$0x3FAA]  }
0x30: {  	s3 =	sld [smem:$0x3FAD]  }
0x31: {  	[smem:$0x3FB6] =	sst s10  }
0x32: {  	s10 =	sld [smem:$0x3FB4];
	_ =	sdelay $0x3  }
0x33: {  	p0 =	seq.s32 s10, $0x1;
	s10 =	sld [smem:$0x3FB6];
	_ =	sdelay $0x3  }
0x34: {  	[smem:$0x3FB6] =	sst s10  }
0x35: {  	s10 =	sld [smem:$0x3FB5];
	_ =	sdelay $0x3  }
0x36: {  	p1 =	seq.s32 s10, $0x1;
	s10 =	sld [smem:$0x3FB6];
	_ =	sdelay $0x3  }
0x37: {  	[smem:$0x3FB6] =	sst s10  }
0x38: {  	s10 =	sld [smem:$0x3FB7]  }
0x39: {  	_ = 	snop;
	(pc) =	sbr.ind lr, $3  }
0x3a: {  	_ = 	snop  }
0x3b: {  	_ = 	snop  }
0x3c: {  	p2 =	seq.s32 s10, $0x1;
	s10 =	sld [smem:$0x3FB6]  }
0x3d: {  	_ =	shalt  }
0x3e: {  	_ =	shalt  }
0x3f: {  	_ =	shalt  }
0x40: {  	_ =	shalt  }
0x41: {  	_ =	shalt  }
0x42: {  	_ =	shalt  }
0x43: {  	_ =	shalt  }
0x44: {  	_ =	shalt  }
0x45: {  	_ =	shalt  }
0x46: {  	_ =	shalt  }
0x47: {  	_ =	shalt  }
0x48: {  	_ =	shalt  }
0x49: {  	_ =	shalt  }
0x4a: {  	_ =	shalt  }
0x4b: {  	_ =	shalt  }
0x4c: {  	_ =	shalt  }
0x4d: {  	_ =	shalt  }
0x4e: {  	_ =	shalt  }
0x4f: {  	_ =	shalt  }
0x50: {  	_ =	shalt  }
0x51: {  	_ =	shalt  }
0x52: {  	_ =	shalt  }
0x53: {  	_ =	shalt  }
0x54: {  	_ =	shalt  }
0x55: {  	_ =	shalt  }
0x56: {  	_ =	shalt  }
0x57: {  	_ =	shalt  }
0x58: {  	_ =	shalt  }
0x59: {  	_ =	shalt  }
0x5a: {  	_ =	shalt  }
0x5b: {  	_ =	shalt  }
0x5c: {  	_ =	shalt  }
0x5d: {  	_ =	shalt  }
0x5e: {  	_ =	shalt  }
0x5f: {  	_ =	shalt  }
0x60: {  	_ =	shalt  }
0x61: {  	_ =	shalt  }
0x62: {  	_ =	shalt  }
0x63: {  	_ =	shalt  }
0x64: {  	_ =	shalt  }
0x65: {  	_ =	shalt  }
0x66: {  	_ =	shalt  }
0x67: {  	_ =	shalt  }
0x68: {  	_ =	shalt  }
0x69: {  	_ =	shalt  }
0x6a: {  	_ =	shalt  }
0x6b: {  	_ =	shalt  }
0x6c: {  	_ =	shalt  }
0x6d: {  	_ =	shalt  }
0x6e: {  	_ =	shalt  }
0x6f: {  	_ =	shalt  }
0x70: {  	_ =	shalt  }
0x71: {  	_ =	shalt  }
0x72: {  	_ =	shalt  }
0x73: {  	_ =	shalt  }
0x74: {  	_ =	shalt  }
0x75: {  	_ =	shalt  }
0x76: {  	_ =	shalt  }
0x77: {  	_ =	shalt  }
0x78: {  	_ =	shalt  }
0x79: {  	_ =	shalt  }
0x7a: {  	_ =	shalt  }
0x7b: {  	_ =	shalt  }
0x7c: {  	_ =	shalt  }
0x7d: {  	_ =	shalt  }
0x7e: {  	_ =	shalt  }
0x7f: {  	_ =	shalt  }
0x80: {  	_ =	shalt  }
0x81: {  	_ =	shalt  }
0x82: {  	_ =	shalt  }
0x83: {  	_ =	shalt  }
0x84: {  	_ =	shalt  }
0x85: {  	_ =	shalt  }
0x86: {  	_ =	shalt  }
0x87: {  	_ =	shalt  }
.Lfunc_end0:
.L_simem_size_0:
called_computation_lowered:
.L_overlay_start_0:
0x88: {  	s2 =	sld [smem:$0x3FD9]  }
0x89: {  	s3 =	sld [smem:$0x3FFE];
	_ =	sdelay $0x1  }
0x8a: {  	s1 =	srdreg.scid  }
0x8b: {  	s0 =	sand.u32 $0x1, s1  }
0x8c: {  	s17 =	sshll.u32 s0, $0xA;
	s2 =	sadd.s32 s3, s2  }
0x8d: {  	s2 =	sadd.s32 s2, s17  }
0x8e: {  	[smem:$0x3FC2] =	sst s2  }
0x8f: {  	_ = 	snop  }
0x90: {  	s2 =	sld [smem:$0x3FD0];
	(tm) =	ssettm $0x1  }
0x91: {  	s18 =	sld [smem:$0x3FFB];
	_ =	sdelay $0x3  }
0x92: {  	_ =	strace s18  }
0x93: {  	s3 =	sld [smem:$0x3FFC];
	_ =	sdelay $0x3  }
0x94: {  	_ =	strace s3  }
0x95: {  	s3 =	sld [smem:$0x3FFD];
	_ =	sdelay $0x3  }
0x96: {  	_ =	strace s3  }
0x97: {  	_ =	strace $0x8FFFFFFF  }
0x98: {  	s19 =	sld [smem:$0x3FDB];
	_ =	sdelay $0x1  }
0x99: {  	s4 =	simm.s32 $_scs_section_size  }
0x9a: {  	s5 =	simm.s32 $_size__tile_overlayer_lowered;
	s6 =	simm.s32 $_tile_overlayer_lowered  }
0x9b: {  	s22 =	simm.s32 $0x1BFF;
	s21 =	sshll.u32 s6, $0x1;
	s3 =	sadd.s32 s4, s19  }
0x9c: {  	s7 =	simm.s32 $0x0;
	s20 =	sshll.u32 s5, $0x1;
	s5 =	sadd.s32 s21, s3  }
0x9d: {  	[timem:s7], [sflag:s22] =	dma.local [hbm:s5], s20  }
0x9e: {  	_ =	swait.ge [sflag:s22], s20  }
0x9f: {  	s4 =	ssub.s32 $0x0, s20;
	[sflag:s22] =	ssyncset.done $0x0  }
0xa0: {  	[sflag:s22] =	ssyncadd.s32 s4;
	_ =	sdelay $0x1  }
0xa1: {  	s23 =	simm.s32 $0x1B8B  }
0xa2: {  	_ =	swait.ge [sflag:s23], $0x1  }
0xa3: {  	[sflag:s23] =	ssyncset.done $0x0  }
0xa4: {  	s25 =	simm.s32 $0x1B8E;
	s24 =	sld [smem:$0x3FFE];
	[sflag:s23] =	ssyncadd.s32 $0xFFFFFFFF  }
0xa5: {  	s26 =	simm.s32 $execute0_lowered;
	[smem:$0x3FD2] =	sst s25  }
0xa6: {  	s5 =	sshll.u32 s26, $0x1;
	_ =	strace $0x80000046;
	[dreg:$0x1] =	wrdreg $0xFFFFFFFF  }
0xa7: {  	s28 =	simm.s32 $_size_execute0_lowered;
	s3 =	sadd.s32 s3, s5;
	[dreg:$0x0] =	wrdreg $0x0  }
0xa8: {  	s5 =	sshll.u32 s28, $0x1;
	[dreg:$0x2] =	wrdreg s3  }
0xa9: {  	[dreg:$0x3] =	wrdreg s5  }
0xaa: {  	[dreg:$0x4] =	wrdreg $0xC0  }
0xab: {  	_ =	task [dreg:s7], $0x5FFFF  }
0xac: {  	[dreg:$0x1] =	wrdreg $0xFFFFFFFF  }
0xad: {  	[dreg:$0x0] =	wrdreg $0x60  }
0xae: {  	[dreg:$0x2] =	wrdreg s24  }
0xaf: {  	[dreg:$0x3] =	wrdreg s2  }
0xb0: {  	[dreg:$0x4] =	wrdreg $0x27600  }
0xb1: {  	[dreg:$0x5] =	wrdreg $0x9  }
0xb2: {  	_ =	task.clear_ibuf [dreg:s7], $0x6FFFF;
	_ =	strace $0x90000046  }
0xb3: {  	s29 =	simm.s32 $0x9;
	_ =	strace $0x80000048  }
0xb4: {  	_ =	swait.ge [sflag:s29], $0x1  }
0xb5: {  	[sflag:s29] =	ssyncadd.s32 $0xFFFFFFFF  }
0xb6: {  	_ =	strace $0x90000048  }
0xb7: {  	_ =	sfence  }
0xb8: {  	s30 =	sld [smem:$0x0];
	_ =	sdelay $0x2  }
0xb9: {  	s31 =	sshll.u32 s1, $0xD;
	s1 =	sshrl.u32 s1, $0x2  }
0xba: {  	s3 =	sand.u32 $0x4000, s31;
	s1 =	sadd.s32 s1, s30  }
0xbb: {  	s0 =	sor.u32 s3, s0;
	s1 =	sshll.u32 s1, $0x11  }
0xbc: {  	s0 =	sor.u32 s1, s0  }
0xbd: {  	s0 =	sadd.s32 $0x8F2B, s0  }
0xbe: {  	[sflag:s0] =	ssyncadd.remote.s32 $0x1  }
0xbf: {  	_ =	sfence.sel $0xFFFF  }
0xc0: {  	[dreg:$0x0] =	wrdreg $0xFFFFFFFF;
	(pc) =	sbr.abs _section_cstart, $3  }
0xc1: {  	[dreg:$0x1] =	wrdreg $0xFFFFFFFF  }
0xc2: {  	_ =	task.clear_ibuf [dreg:s7], $0x2FFFF;
	_ =	strace $0x9FFFFFFF  }
0xc3: {  	(tm) =	ssettm $0x7FFFFFFF  }
tec
execute0_lowered:
.L_overlay_start_1:
0x0: {  	(tag) =	ssettag $0x1  }
0x1: {  	s4 =	rddreg [dreg:$0x0]  }
0x2: {  	s0 =	srdreg.scid;
	s6 =	rddreg [dreg:$0x1]  }
0x3: {  	s2 =	rddreg [dreg:$0x2];
	s1 =	stileid.u32  }
0x4: {  	s3 =	simm.s32 $0x0;
	s13 =	simm.s32 $0x1;
	s18 =	simm.s32 $0x0  }
0x5: {  	s5 =	sand.u32 $0x1, s0;
	s0 =	rddreg [dreg:$0x3];
	s10 =	smul.u32 $0x9E0, s1  }
0x6: {  	[smem:$0x7FF] =	sst s3;
	s30 =	smul.u32 $0x270, s1;
	s12 =	sadd.s32 $0x2780, s2  }
0x7: {  	s17 =	sadd.s32 $0x2700, s2;
	p0 =	sne.s32 s1, $0xF;
	s31 =	sshll.u32 s1, $0x6  }
0x8: {  	s7 =	sshll.u32 s5, $0x4;
	_ =	strace $0x80000047;
	s8 =	ssub.s32 $0x2, s5  }
0x9: {  	s28 =	smul.u32 $0x4E2, s5;
	s17 =	sshrl.u32 @!p0 s17, $0x3;
	s7 =	sor.u32 s1, s7  }
0xa: {  	s9 =	sshrl.u32 s8, $0x1;
	s29 =	sshrl.u32 s10, $0x2;
	s14 =	sshrl.u32 s30, $0x3  }
0xb: {  	s15 =	sadd.s32 s30, s2;
	s10 =	sshrl.u32 @!p0 s12, $0x3;
	s12 =	simm.s32 $0x2710  }
0xc: {  	s7 =	smul.u32 $0x4E2, s7;
	s8 =	ssub.s32 s8, s9;
	s11 =	sadd.s32 s29, s2  }
0xd: {  	s16 =	sadd.s32 s6, s28;
	s15 =	sshrl.u32 s15, $0x3;
	s6 =	smax.u32 s8, $0x1  }
0xe: {  	s8 =	sor.u32 $0x1C02, s31;
	s9 =	sshrl.u32 s11, $0x3;
	s11 =	simm.s32 $0x50  }
0xf: {  	s14 =	sadd.s32 s14, s16;
	s16 =	sadd.s32 @!p0 $0x4E0, s16;
	s7 =	sadd.s32 s7, s4  }
0x10: {  	v0 =	vimm.f32 $1.000000000e+00;
	s4 =	sadd.s32 $0x16000, s4;
	s5 =	sadd.s32 $0xC240, s7;
	s7 =	simm.s32 $0x2  }
.LBB2_1:
0x11: {  	[tilespmem:s3], [sflag:$0x2] =	stream.linear.gather [hbm4b:s5+s3], $0x2710, $0x38;
	[tilespmem:$0x29E0] =	vst v63  }
0x12: {  	_ =	swait.ge [sflag:s7], $0x2710  }
0x13: {  	[sflag:s7] =	ssyncset.done $0x0  }
0x14: {  	[sflag:s7] =	ssyncadd.s32 $0xFFFFD8F0  }
0x15: {  	[tilespmem:$0x2710] =	vst v0  }
0x16: {  	[tilespmem:$0x2720] =	vst v0  }
0x17: {  	[tilespmem:$0x2730] =	vst v0  }
0x18: {  	[tilespmem:$0x2740] =	vst v0  }
0x19: {  	[tilespmem:$0x2750] =	vst v0  }
0x1a: {  	[spmem:s9], [sflag:s8] =	dma.local [hbm:s4], $0x4F  }
0x1b: {  	_ =	swait.ge [sflag:s7], $0x4F  }
0x1c: {  	[sflag:s7] =	ssyncset.done $0x0  }
0x1d: {  	s19 =	simm.s32 @!p0 $0x2;
	[sflag:s7] =	ssyncadd.s32 $0xFFFFFFB1  }
0x1e: {  	[spmem:s10], [sflag:s8] =	dma.local @!p0 [hbm:s4], $0x2  }
0x1f: {  	_ =	swait.ge @!p0 [sflag:s19], $0x2  }
0x20: {  	[sflag:s19] =	ssyncset.done @!p0 $0x0  }
0x21: {  	[sflag:s19] =	ssyncadd.s32 @!p0 $0xFFFFFFFE  }
0x22: {  	s19 =	simm.s32 $0x0;
	[bflag:$0x0] =	sbarrier.arrive $0xFFFF  }
.LBB2_2:
0x23: {  	p1 =	sne.s32 s19, $0x9B00  }
.Ltmp0:
0x24: {  	_ = 	snop;
	(pc) =	sbr.rel @p1 .LBB2_2-.Ltmp0, $3  }
0x25: {  	_ =	sdelay $0x1  }
0x26: {  	s20 =	sshra.s32 s19, $0x2;
	s19 =	sadd.s32 $0x140, s19  }
0x27: {  	[spmem:s2] =	stream.indirect.scatter.add.f32 [tilespmem:s12], [sflag:$0x1], $0x1, s20, s11, $0xb8;
	[tilespmem:$0x29E0] =	vst v63  }
0x28: {  	_ =	swait.ge [sflag:s13], $0x50  }
0x29: {  	s19 =	simm.s32 $0x7C;
	[sflag:s13] =	ssyncset.done $0x0  }
.LBB2_4:
0x2a: {  	p1 =	sne.s32 s19, $0x1;
	s19 =	sadd.s32 $0xFFFFFFFF, s19;
	[sflag:s13] =	ssyncadd.s32 $0xFFFFFFB0  }
.Ltmp1:
0x2b: {  	(pc) =	sbr.rel @p1 .LBB2_4-.Ltmp1, $3  }
0x2c: {  	_ =	sdelay $0x1  }
0x2d: {  	_ =	swait.ge [sflag:s13], $0x50  }
0x2e: {  	[sflag:s13] =	ssyncset.done $0x0  }
0x2f: {  	[sflag:s13] =	ssyncadd.s32 $0xFFFFFFB0  }
0x30: {  	[bflag:$0x0] =	sbarrier.arrive $0xFFFF  }
0x31: {  	[hbm:s14], [sflag:s8] =	dma.local [spmem:s15], $0x4E  }
0x32: {  	s18 =	sadd.s32 $0x1, s18;
	_ =	swait.ge [sflag:s7], $0x4E  }
0x33: {  	p1 =	sne.s32 s18, s6;
	[sflag:s7] =	ssyncset.done $0x0  }
.Ltmp2:
0x34: {  	s19 =	simm.s32 @!p0 $0x2;
	[sflag:s7] =	ssyncadd.s32 $0xFFFFFFB2;
	(pc) =	sbr.rel @p1 .LBB2_1-.Ltmp2, $4  }
0x35: {  	[hbm:s16], [sflag:s8] =	dma.local @!p0 [spmem:s17], $0x2  }
0x36: {  	_ =	swait.ge @!p0 [sflag:s19], $0x2  }
0x37: {  	[sflag:s19] =	ssyncset.done @!p0 $0x0  }
0x38: {  	[sflag:s19] =	ssyncadd.s32 @!p0 $0xFFFFFFFE  }
0x39: {  	_ =	sfence.sel $0x180000  }
0x3a: {  	[bflag:$0x0] =	sbarrier.arrive $0xFFFF  }
0x3b: {  	p0 =	sne.s32 s1, $0x0;
	_ =	strace $0x90000047  }
0x3c: {  	s0 =	sadd.s32 @!p0 $0x100000, s0;
	[bflag:$0x2] =	sbarrier.arrive $0xFFFF  }
0x3d: {  	[sflag:s0] =	ssyncadd.tile.s32 @!p0 $0x1;
	_ =	shalt  }
.Lfunc_end2:
_tile_overlayer_lowered:
.L_overlay_start_2:
0x3e: {  	(tag) =	ssettag $0x2  }
0x3f: {  	s0 =	rddreg [dreg:$0x0];
	s2 =	stileid.u32  }
0x40: {  	s1 =	rddreg [dreg:$0x1];
	p0 =	sne.s32 s2, $0x0  }
0x41: {  	s3 =	rddreg [dreg:$0x2];
	[bflag:$0x3] =	sbarrier.arrive $0xFFFF;
	s2 =	simm.s32 @!p0 $0x1C02  }
0x42: {  	[timem:s3], [sflag:s2] =	dma.local @!p0 [hbm:s0], s1  }
0x43: {  	s0 =	simm.s32 @!p0 $0x2  }
0x44: {  	_ =	swait.ge @!p0 [sflag:s0], s1  }
0x45: {  	s1 =	ssub.s32 @!p0 $0x0, s1;
	[sflag:s0] =	ssyncset.done @!p0 $0x0  }
0x46: {  	[sflag:s0] =	ssyncadd.s32 @!p0 s1  }
0x47: {  	[bflag:$0x3] =	sbarrier.arrive $0xFFFF  }
0x48: {  	_ =	shalt  }

// kernel: sc_scatter_sum.4.cloned.1.call-start
scs
__scs_entry_jumppad:
0x0: {  	(pc) =	sbr.rel $0x88, $3  }
0x1: {  	(tag) =	ssettag $0x0;
	lr =	simm.s32 $0x1  }
0x2: {  	[smem:$0x3F9B] =	sst lr;
	_ =	strace $0xD0000000  }
0x3: {  	_ = 	snop  }
0x4: {  	_ = 	snop  }
0x5: {  	_ = 	snop  }
0x6: {  	_ = 	snop  }
0x7: {  	_ = 	snop  }
__scs_overlays_trampoline_lowered:
0x8: {  	[smem:$0x3FAA] =	sst s0  }
0x9: {  	[smem:$0x3FAB] =	sst s1  }
0xa: {  	[smem:$0x3FAC] =	sst s2  }
0xb: {  	[smem:$0x3FAD] =	sst s3  }
0xc: {  	[smem:$0x3FAE] =	sst s4  }
0xd: {  	[smem:$0x3FAF] =	sst s5  }
0xe: {  	[smem:$0x3FB0] =	sst s6  }
0xf: {  	[smem:$0x3FB1] =	sst s7  }
0x10: {  	[smem:$0x3FB2] =	sst s8  }
0x11: {  	[smem:$0x3FB3] =	sst s9;
	s0 =	simm.s32 @!p0 $0x0  }
0x12: {  	s1 =	sld [smem:$0x3F99];
	s0 =	simm.s32 @p0 $0x1  }
0x13: {  	[smem:$0x3FB4] =	sst s0;
	s0 =	simm.s32 @!p1 $0x0  }
0x14: {  	s2 =	sld [smem:$0x3F98];
	s0 =	simm.s32 @p1 $0x1  }
0x15: {  	[smem:$0x3FB5] =	sst s0;
	s0 =	simm.s32 @!p2 $0x0  }
0x16: {  	s3 =	sld [smem:$0x3FDB];
	s0 =	simm.s32 @p2 $0x1  }
0x17: {  	s4 =	simm.s32 $0x1BF5;
	[smem:$0x3FB7] =	sst s0  }
0x18: {  	s0 =	sld [smem:$0x3F9A];
	_ =	swait.ge [sflag:s4], $0x0  }
0x19: {  	s7 =	sld [smem:$0x3F9B]  }
0x1a: {  	s8 =	sadd.s32 $0xFFFFE003, lr  }
0x1b: {  	s9 =	sadd.s32 $0xFFFFFEF7, lr;
	s5 =	simm.s32 $0xFFFFFFFF;
	p2 =	slt.u32 s8, $0xFFFFF086  }
0x1c: {  	p1 =	slt.u32 s9, $0xF7A;
	s5 =	simm.s32 @!p2 $0x0  }
0x1d: {  	s5 =	simm.s32 @p1 $0x1;
	p0 =	seq.s32 s7, s2  }
0x1e: {  	s7 =	smul.u32 @!p0 $0xF7A, s2;
	p2 =	seq.s32 @!p0 s5, $0x0  }
0x1f: {  	s9 =	smul.u32 $0xF7A, s1;
	s8 =	simm.s32 @!p0 $0x1BF5;
	p2 =	por !p2, p0  }
0x20: {  	[sflag:s8] =	ssyncset.s32 @!p0 $0xFFFFF086;
	s6 =	sadd.s32 @!p0 s3, s7;
	s7 =	simm.s32 @!p0 $0x108  }
0x21: {  	s3 =	sadd.s32 s3, s9;
	s6 =	sadd.s32 @!p0 $0x88, s6;
	s7 =	simm.s32 @p2 $0x1082  }
0x22: {  	[simem:s7], [sflag:s8] =	dma.local @!p0 [hbm:s6], $0xF7A  }
0x23: {  	s9 =	sor.u32 $0xD0000000, s2;
	s6 =	simm.s32 $0x108;
	_ =	swait.ge @!p0 [sflag:s8], $0x0  }
0x24: {  	s3 =	sadd.s32 $0x88, s3;
	s6 =	simm.s32 @!p1 $0x1082;
	[sflag:s4] =	ssyncset.s32 $0xFFFFF086  }
0x25: {  	[simem:s6], [sflag:s4] =	dma.local [hbm:s3], $0xF7A  }
0x26: {  	[smem:$0x3F9B] =	sst s1;
	(tag) =	ssettag s2;
	_ =	strace s9  }
0x27: {  	s1 =	sld [smem:$0x3FAB]  }
0x28: {  	s2 =	sld [smem:$0x3FAC]  }
0x29: {  	s4 =	sld [smem:$0x3FAE]  }
0x2a: {  	p0 =	seq.s32 s5, $0x0;
	s5 =	sld [smem:$0x3FAF]  }
0x2b: {  	s6 =	sld [smem:$0x3FB0]  }
0x2c: {  	s7 =	sld [smem:$0x3FB1]  }
0x2d: {  	s3 =	simm.s32 $0x108;
	s8 =	sld [smem:$0x3FB2]  }
0x2e: {  	s3 =	simm.s32 @!p0 $0x1082;
	s9 =	sld [smem:$0x3FB3]  }
0x2f: {  	lr =	sadd.s32 s0, s3;
	s0 =	sld [smem:$0x3FAA]  }
0x30: {  	s3 =	sld [smem:$0x3FAD]  }
0x31: {  	[smem:$0x3FB6] =	sst s10  }
0x32: {  	s10 =	sld [smem:$0x3FB4];
	_ =	sdelay $0x3  }
0x33: {  	p0 =	seq.s32 s10, $0x1;
	s10 =	sld [smem:$0x3FB6];
	_ =	sdelay $0x3  }
0x34: {  	[smem:$0x3FB6] =	sst s10  }
0x35: {  	s10 =	sld [smem:$0x3FB5];
	_ =	sdelay $0x3  }
0x36: {  	p1 =	seq.s32 s10, $0x1;
	s10 =	sld [smem:$0x3FB6];
	_ =	sdelay $0x3  }
0x37: {  	[smem:$0x3FB6] =	sst s10  }
0x38: {  	s10 =	sld [smem:$0x3FB7]  }
0x39: {  	_ = 	snop;
	(pc) =	sbr.ind lr, $3  }
0x3a: {  	_ = 	snop  }
0x3b: {  	_ = 	snop  }
0x3c: {  	p2 =	seq.s32 s10, $0x1;
	s10 =	sld [smem:$0x3FB6]  }
0x3d: {  	_ =	shalt  }
0x3e: {  	_ =	shalt  }
0x3f: {  	_ =	shalt  }
0x40: {  	_ =	shalt  }
0x41: {  	_ =	shalt  }
0x42: {  	_ =	shalt  }
0x43: {  	_ =	shalt  }
0x44: {  	_ =	shalt  }
0x45: {  	_ =	shalt  }
0x46: {  	_ =	shalt  }
0x47: {  	_ =	shalt  }
0x48: {  	_ =	shalt  }
0x49: {  	_ =	shalt  }
0x4a: {  	_ =	shalt  }
0x4b: {  	_ =	shalt  }
0x4c: {  	_ =	shalt  }
0x4d: {  	_ =	shalt  }
0x4e: {  	_ =	shalt  }
0x4f: {  	_ =	shalt  }
0x50: {  	_ =	shalt  }
0x51: {  	_ =	shalt  }
0x52: {  	_ =	shalt  }
0x53: {  	_ =	shalt  }
0x54: {  	_ =	shalt  }
0x55: {  	_ =	shalt  }
0x56: {  	_ =	shalt  }
0x57: {  	_ =	shalt  }
0x58: {  	_ =	shalt  }
0x59: {  	_ =	shalt  }
0x5a: {  	_ =	shalt  }
0x5b: {  	_ =	shalt  }
0x5c: {  	_ =	shalt  }
0x5d: {  	_ =	shalt  }
0x5e: {  	_ =	shalt  }
0x5f: {  	_ =	shalt  }
0x60: {  	_ =	shalt  }
0x61: {  	_ =	shalt  }
0x62: {  	_ =	shalt  }
0x63: {  	_ =	shalt  }
0x64: {  	_ =	shalt  }
0x65: {  	_ =	shalt  }
0x66: {  	_ =	shalt  }
0x67: {  	_ =	shalt  }
0x68: {  	_ =	shalt  }
0x69: {  	_ =	shalt  }
0x6a: {  	_ =	shalt  }
0x6b: {  	_ =	shalt  }
0x6c: {  	_ =	shalt  }
0x6d: {  	_ =	shalt  }
0x6e: {  	_ =	shalt  }
0x6f: {  	_ =	shalt  }
0x70: {  	_ =	shalt  }
0x71: {  	_ =	shalt  }
0x72: {  	_ =	shalt  }
0x73: {  	_ =	shalt  }
0x74: {  	_ =	shalt  }
0x75: {  	_ =	shalt  }
0x76: {  	_ =	shalt  }
0x77: {  	_ =	shalt  }
0x78: {  	_ =	shalt  }
0x79: {  	_ =	shalt  }
0x7a: {  	_ =	shalt  }
0x7b: {  	_ =	shalt  }
0x7c: {  	_ =	shalt  }
0x7d: {  	_ =	shalt  }
0x7e: {  	_ =	shalt  }
0x7f: {  	_ =	shalt  }
0x80: {  	_ =	shalt  }
0x81: {  	_ =	shalt  }
0x82: {  	_ =	shalt  }
0x83: {  	_ =	shalt  }
0x84: {  	_ =	shalt  }
0x85: {  	_ =	shalt  }
0x86: {  	_ =	shalt  }
0x87: {  	_ =	shalt  }
.Lfunc_end0:
.L_simem_size_0:
called_computation.1_lowered:
.L_overlay_start_0:
0x88: {  	s2 =	sld [smem:$0x3FD9]  }
0x89: {  	s3 =	sld [smem:$0x3FFE];
	_ =	sdelay $0x1  }
0x8a: {  	s1 =	srdreg.scid  }
0x8b: {  	s0 =	sand.u32 $0x1, s1  }
0x8c: {  	s16 =	sshll.u32 s0, $0xA;
	s2 =	sadd.s32 s3, s2  }
0x8d: {  	s2 =	sadd.s32 s2, s16  }
0x8e: {  	[smem:$0x3FC2] =	sst s2  }
0x8f: {  	_ = 	snop  }
0x90: {  	(tm) =	ssettm $0x1  }
0x91: {  	s17 =	sld [smem:$0x3FFB];
	_ =	sdelay $0x3  }
0x92: {  	_ =	strace s17  }
0x93: {  	s2 =	sld [smem:$0x3FFC];
	_ =	sdelay $0x3  }
0x94: {  	_ =	strace s2  }
0x95: {  	s2 =	sld [smem:$0x3FFD];
	_ =	sdelay $0x3  }
0x96: {  	_ =	strace s2  }
0x97: {  	_ =	strace $0x8FFFFFFF  }
0x98: {  	s18 =	sld [smem:$0x3FDB];
	_ =	sdelay $0x1  }
0x99: {  	s19 =	simm.s32 $_scs_section_size  }
0x9a: {  	s4 =	simm.s32 $_size__tile_overlayer_lowered;
	s5 =	simm.s32 $_tile_overlayer_lowered  }
0x9b: {  	s22 =	simm.s32 $0x1BFF;
	s21 =	sshll.u32 s5, $0x1;
	s2 =	sadd.s32 s19, s18  }
0x9c: {  	s6 =	simm.s32 $0x0;
	s20 =	sshll.u32 s4, $0x1;
	s4 =	sadd.s32 s21, s2  }
0x9d: {  	[timem:s6], [sflag:s22] =	dma.local [hbm:s4], s20  }
0x9e: {  	_ =	swait.ge [sflag:s22], s20  }
0x9f: {  	s3 =	ssub.s32 $0x0, s20;
	[sflag:s22] =	ssyncset.done $0x0  }
0xa0: {  	[sflag:s22] =	ssyncadd.s32 s3;
	_ =	sdelay $0x1  }
0xa1: {  	s23 =	simm.s32 $0x1B8B  }
0xa2: {  	_ =	swait.ge [sflag:s23], $0x1  }
0xa3: {  	[sflag:s23] =	ssyncset.done $0x0  }
0xa4: {  	s25 =	simm.s32 $0x1B8E;
	s24 =	sld [smem:$0x3FFE];
	[sflag:s23] =	ssyncadd.s32 $0xFFFFFFFF  }
0xa5: {  	s26 =	simm.s32 $execute0_lowered;
	[smem:$0x3FD2] =	sst s25  }
0xa6: {  	s4 =	sshll.u32 s26, $0x1;
	_ =	strace $0x80000049;
	[dreg:$0x1] =	wrdreg $0xFFFFFFFF  }
0xa7: {  	s28 =	simm.s32 $_size_execute0_lowered;
	s2 =	sadd.s32 s2, s4;
	[dreg:$0x0] =	wrdreg $0x0  }
0xa8: {  	s4 =	sshll.u32 s28, $0x1;
	[dreg:$0x2] =	wrdreg s2  }
0xa9: {  	[dreg:$0x3] =	wrdreg s4  }
0xaa: {  	[dreg:$0x4] =	wrdreg $0xC0  }
0xab: {  	_ =	task [dreg:s6], $0x5FFFF  }
0xac: {  	[dreg:$0x1] =	wrdreg $0xFFFFFFFF  }
0xad: {  	[dreg:$0x0] =	wrdreg $0x60  }
0xae: {  	[dreg:$0x2] =	wrdreg s24  }
0xaf: {  	[dreg:$0x3] =	wrdreg $0xEE200  }
0xb0: {  	[dreg:$0x4] =	wrdreg $0x9  }
0xb1: {  	_ =	task.clear_ibuf [dreg:s6], $0x5FFFF;
	_ =	strace $0x90000049  }
0xb2: {  	s29 =	simm.s32 $0x9;
	_ =	strace $0x8000004B  }
0xb3: {  	_ =	swait.ge [sflag:s29], $0x1  }
0xb4: {  	[sflag:s29] =	ssyncadd.s32 $0xFFFFFFFF  }
0xb5: {  	_ =	strace $0x9000004B  }
0xb6: {  	_ =	sfence  }
0xb7: {  	s30 =	sld [smem:$0x0];
	_ =	sdelay $0x2  }
0xb8: {  	s31 =	sshll.u32 s1, $0xD;
	s1 =	sshrl.u32 s1, $0x2  }
0xb9: {  	s3 =	sand.u32 $0x4000, s31;
	s1 =	sadd.s32 s1, s30  }
0xba: {  	s0 =	sor.u32 s3, s0;
	s1 =	sshll.u32 s1, $0x11  }
0xbb: {  	s0 =	sor.u32 s1, s0  }
0xbc: {  	s0 =	sadd.s32 $0x8F2B, s0  }
0xbd: {  	[sflag:s0] =	ssyncadd.remote.s32 $0x1  }
0xbe: {  	_ =	sfence.sel $0xFFFF  }
0xbf: {  	[dreg:$0x0] =	wrdreg $0xFFFFFFFF;
	(pc) =	sbr.abs _section_cstart, $3  }
0xc0: {  	[dreg:$0x1] =	wrdreg $0xFFFFFFFF  }
0xc1: {  	_ =	task.clear_ibuf [dreg:s6], $0x2FFFF;
	_ =	strace $0x9FFFFFFF  }
0xc2: {  	(tm) =	ssettm $0x7FFFFFFF  }
0xc3: {  	_ =	shalt  }
tec
execute0_lowered:
.L_overlay_start_1:
0x0: {  	(tag) =	ssettag $0x1  }
0x1: {  	s0 =	rddreg [dreg:$0x0]  }
0x2: {  	s1 =	rddreg [dreg:$0x1];
	s2 =	srdreg.scid;
	s4 =	simm.s32 $0x0  }
0x3: {  	s9 =	stileid.u32;
	s12 =	simm.s32 $0x11;
	s15 =	simm.s32 $0x50  }
0x4: {  	s16 =	simm.s32 $0x4E20;
	s17 =	simm.s32 $0x6220;
	s19 =	simm.s32 $0x7620  }
0x5: {  	s21 =	simm.s32 $0x8A20;
	s29 =	simm.s32 $0xB220;
	s31 =	simm.s32 $0xC620  }
0x6: {  	s18 =	simm.s32 $0x2;
	s20 =	simm.s32 $0x3;
	s22 =	simm.s32 $0x4  }
0x7: {  	s28 =	simm.s32 $0x5;
	s30 =	simm.s32 $0x6;
	s13 =	simm.s32 $0xB  }
0x8: {  	s14 =	simm.s32 $0xC;
	s23 =	simm.s32 $0xE;
	s2 =	sand.u32 $0x1, s2  }
0x9: {  	[smem:$0x7FF] =	sst s4;
	s4 =	sadd.s32 $0x16000, s0;
	s8 =	smul.u32 $0x27800, s9  }
0xa: {  	s10 =	sadd.s32 $0x29A00, s0;
	s25 =	smul.u32 $0x9C00, s9;
	p0 =	sne.s32 s9, $0xF  }
0xb: {  	s3 =	sshll.u32 s2, $0x4;
	_ =	strace $0x8000004A;
	s5 =	smul.u32 $0x13880, s2  }
0xc: {  	s2 =	ssub.s32 $0x2, s2;
	[dreg:$0x3] =	wrdreg s10;
	s10 =	sadd.s32 $0x9C000, s1  }
0xd: {  	s3 =	sor.u32 s9, s3;
	s7 =	sshrl.u32 s2, $0x1;
	s24 =	sshrl.u32 s8, $0x2  }
0xe: {  	s8 =	sadd.s32 $0x9E000, s1;
	s3 =	smul.u32 $0x4E2, s3;
	s2 =	ssub.s32 s2, s7  }
0xf: {  	s26 =	sshrl.u32 s25, $0x3;
	s5 =	sadd.s32 s5, s0;
	s2 =	smax.u32 s2, $0x1  }
0x10: {  	s11 =	sadd.s32 $0x2AE00, s5;
	s6 =	sadd.s32 s3, s0;
	[dreg:$0x6] =	wrdreg s2  }
0x11: {  	s2 =	sshll.u32 s9, $0x6;
	[dreg:$0x5] =	wrdreg s11;
	s9 =	simm.s32 $0x0  }
0x12: {  	s0 =	sadd.s32 $0xC240, s0;
	s6 =	sadd.s32 $0x2600, s6;
	[dreg:$0xd] =	wrdreg s9  }
0x13: {  	s7 =	sadd.s32 s25, s1;
	s0 =	sadd.s32 s3, s0;
	[dreg:$0x4] =	wrdreg s6  }
0x14: {  	s6 =	sadd.s32 s24, s1;
	[dreg:$0x7] =	wrdreg s0;
	s0 =	sor.u32 $0x1C11, s2  }
0x15: {  	s25 =	simm.s32 $0x10;
	[dreg:$0xe] =	wrdreg s0;
	s3 =	sshrl.u32 s6, $0x3  }
0x16: {  	s2 =	simm.s32 $0xDA20;
	s0 =	sshrl.u32 @!p0 s8, $0x3;
	[dreg:$0x8] =	wrdreg s3  }
0x17: {  	s24 =	simm.s32 $0xF;
	s6 =	sadd.s32 s26, s11;
	[dreg:$0x9] =	wrdreg s0  }
0x18: {  	s8 =	sshrl.u32 s7, $0x3;
	s26 =	simm.s32 $0x9E20;
	[dreg:$0xa] =	wrdreg s6  }
0x19: {  	s11 =	simm.s32 $0x1;
	s7 =	simm.s32 $0xD;
	[dreg:$0xb] =	wrdreg s8  }
0x1a: {  	s0 =	sshrl.u32 @!p0 s10, $0x3;
	s6 =	simm.s32 $0x8;
	s8 =	simm.s32 $0x9  }
0x1b: {  	s10 =	simm.s32 $0xA;
	[dreg:$0xc] =	wrdreg s0;
	s0 =	simm.s32 $0x7  }
.LBB2_1:
0x1c: {  	s9 =	simm.s32 $0x0;
	s5 =	rddreg [dreg:$0x4]  }
0x1d: {  	[tilespmem:s9], [sflag:$0x11] =	stream.linear.gather [hbm4b:s5+s9], $0x2710, $0x38;
	[tilespmem:$0x18C60] =	vst v63  }
0x1e: {  	_ =	swait.ge [sflag:s12], $0x2710  }
0x1f: {  	[sflag:s12] =	ssyncset.done $0x0  }
0x20: {  	s3 =	simm.s32 $0x2710;
	s5 =	rddreg [dreg:$0x7];
	[sflag:s12] =	ssyncadd.s32 $0xFFFFD8F0  }
0x21: {  	[tilespmem:s3], [sflag:$0x11] =	stream.linear.gather [hbm4b:s5+s9], $0x2710, $0x38;
	[tilespmem:$0x18C60] =	vst v63  }
0x22: {  	s3 =	rddreg [dreg:$0xe];
	_ =	swait.ge [sflag:s12], $0x2710  }
0x23: {  	[sflag:s12] =	ssyncset.done $0x0;
	s5 =	rddreg [dreg:$0x3]  }
0x24: {  	s9 =	rddreg [dreg:$0x8];
	[sflag:s12] =	ssyncadd.s32 $0xFFFFD8F0  }
0x25: {  	[spmem:s9], [sflag:s3] =	dma.local [hbm:s5], $0x13C0  }
0x26: {  	_ =	swait.ge [sflag:s12], $0x13C0  }
0x27: {  	[sflag:s12] =	ssyncset.done $0x0  }
0x28: {  	s9 =	rddreg [dreg:$0x9];
	[sflag:s12] =	ssyncadd.s32 $0xFFFFEC40  }
0x29: {  	[spmem:s9], [sflag:s3] =	dma.local @!p0 [hbm:s5], $0x80  }
0x2a: {  	s5 =	simm.s32 @!p0 $0x11  }
0x2b: {  	_ =	swait.ge @!p0 [sflag:s5], $0x80  }
0x2c: {  	[sflag:s5] =	ssyncset.done @!p0 $0x0  }
0x2d: {  	[sflag:s5] =	ssyncadd.s32 @!p0 $0xFFFFFF80  }
0x2e: {  	s12 =	simm.s32 $0x0;
	[bflag:$0x0] =	sbarrier.arrive $0xFFFF  }
0x2f: {  	[tilespmem:s16], [sflag:$0x1] =	stream.indirect.gather [hbm4b:s4+s15], $0x40, s12, s15, $0xb8;
	[tilespmem:$0x18C60] =	vst v63  }
0x30: {  	_ = 	snop  }
0x31: {  	[tilespmem:s17], [sflag:$0x2] =	stream.indirect.gather [hbm4b:s4+s15], $0x40, s15, s15, $0xb8;
	[tilespmem:$0x18C60] =	vst v63  }
0x32: {  	s3 =	simm.s32 $0xA0  }
0x33: {  	[tilespmem:s19], [sflag:$0x3] =	stream.indirect.gather [hbm4b:s4+s15], $0x40, s3, s15, $0xb8;
	[tilespmem:$0x18C60] =	vst v63  }
0x34: {  	s9 =	simm.s32 $0xF0  }
0x35: {  	[tilespmem:s21], [sflag:$0x4] =	stream.indirect.gather [hbm4b:s4+s15], $0x40, s9, s15, $0xb8;
	[tilespmem:$0x18C60] =	vst v63  }
0x36: {  	s12 =	simm.s32 $0x140  }
0x37: {  	[tilespmem:s26], [sflag:$0x5] =	stream.indirect.gather [hbm4b:s4+s15], $0x40, s12, s15, $0xb8;
	[tilespmem:$0x18C60] =	vst v63  }
0x38: {  	s3 =	simm.s32 $0x190  }
0x39: {  	[tilespmem:s29], [sflag:$0x6] =	stream.indirect.gather [hbm4b:s4+s15], $0x40, s3, s15, $0xb8;
	[tilespmem:$0x18C60] =	vst v63  }
0x3a: {  	s9 =	simm.s32 $0x1E0  }
0x3b: {  	[tilespmem:s31], [sflag:$0x7] =	stream.indirect.gather [hbm4b:s4+s15], $0x40, s9, s15, $0xb8;
	[tilespmem:$0x18C60] =	vst v63  }
0x3c: {  	s12 =	simm.s32 $0x230  }
0x3d: {  	[tilespmem:s2], [sflag:$0x8] =	stream.indirect.gather [hbm4b:s4+s15], $0x40, s12, s15, $0xb8;
	[tilespmem:$0x18C60] =	vst v63  }
0x3e: {  	_ =	swait.ge [sflag:s11], $0x1400  }
0x3f: {  	[sflag:s11] =	ssyncset.done $0x0  }
0x40: {  	s3 =	simm.s32 $0x2710;
	[sflag:s11] =	ssyncadd.s32 $0xFFFFEC00  }
0x41: {  	[spmem:s1] =	stream.indirect.scatter.add.f32 [tilespmem:s16], [sflag:$0x9], $0x40, s3, s15, $0xb8;
	[tilespmem:$0x18C60] =	vst v63  }
0x42: {  	_ =	swait.ge [sflag:s18], $0x1400  }
0x43: {  	[sflag:s18] =	ssyncset.done $0x0  }
0x44: {  	s9 =	simm.s32 $0x2760;
	[sflag:s18] =	ssyncadd.s32 $0xFFFFEC00  }
0x45: {  	[spmem:s1] =	stream.indirect.scatter.add.f32 [tilespmem:s17], [sflag:$0xA], $0x40, s9, s15, $0xb8;
	[tilespmem:$0x18C60] =	vst v63  }
0x46: {  	_ =	swait.ge [sflag:s20], $0x1400  }
0x47: {  	[sflag:s20] =	ssyncset.done $0x0  }
0x48: {  	s12 =	simm.s32 $0x27B0;
	[sflag:s20] =	ssyncadd.s32 $0xFFFFEC00  }
0x49: {  	[spmem:s1] =	stream.indirect.scatter.add.f32 [tilespmem:s19], [sflag:$0xB], $0x40, s12, s15, $0xb8;
	[tilespmem:$0x18C60] =	vst v63  }
0x4a: {  	_ =	swait.ge [sflag:s22], $0x1400  }
0x4b: {  	[sflag:s22] =	ssyncset.done $0x0  }
0x4c: {  	s3 =	simm.s32 $0x2800;
	[sflag:s22] =	ssyncadd.s32 $0xFFFFEC00  }
0x4d: {  	[spmem:s1] =	stream.indirect.scatter.add.f32 [tilespmem:s21], [sflag:$0xC], $0x40, s3, s15, $0xb8;
	[tilespmem:$0x18C60] =	vst v63  }
0x4e: {  	_ =	swait.ge [sflag:s28], $0x1400  }
0x4f: {  	[sflag:s28] =	ssyncset.done $0x0  }
0x50: {  	s9 =	simm.s32 $0x2850;
	[sflag:s28] =	ssyncadd.s32 $0xFFFFEC00  }
0x51: {  	[spmem:s1] =	stream.indirect.scatter.add.f32 [tilespmem:s26], [sflag:$0xD], $0x40, s9, s15, $0xb8;
	[tilespmem:$0x18C60] =	vst v63  }
0x52: {  	_ =	swait.ge [sflag:s30], $0x1400  }
0x53: {  	[sflag:s30] =	ssyncset.done $0x0  }
0x54: {  	s12 =	simm.s32 $0x28A0;
	[sflag:s30] =	ssyncadd.s32 $0xFFFFEC00  }
0x55: {  	[spmem:s1] =	stream.indirect.scatter.add.f32 [tilespmem:s29], [sflag:$0xE], $0x40, s12, s15, $0xb8;
	[tilespmem:$0x18C60] =	vst v63  }
0x56: {  	_ =	swait.ge [sflag:s0], $0x1400  }
0x57: {  	[sflag:s0] =	ssyncset.done $0x0  }
0x58: {  	s3 =	simm.s32 $0x28F0;
	[sflag:s0] =	ssyncadd.s32 $0xFFFFEC00  }
0x59: {  	[spmem:s1] =	stream.indirect.scatter.add.f32 [tilespmem:s31], [sflag:$0xF], $0x40, s3, s15, $0xb8;
	[tilespmem:$0x18C60] =	vst v63  }
0x5a: {  	_ =	swait.ge [sflag:s6], $0x1400  }
0x5b: {  	[sflag:s6] =	ssyncset.done $0x0  }
0x5c: {  	s9 =	simm.s32 $0x2940;
	[sflag:s6] =	ssyncadd.s32 $0xFFFFEC00  }
0x5d: {  	[spmem:s1] =	stream.indirect.scatter.add.f32 [tilespmem:s2], [sflag:$0x10], $0x40, s9, s15, $0xb8;
	[tilespmem:$0x18C60] =	vst v63  }
0x5e: {  	_ =	swait.ge [sflag:s8], $0x1400  }
0x5f: {  	[sflag:s8] =	ssyncset.done $0x0  }
0x60: {  	s12 =	simm.s32 $0x280;
	[sflag:s8] =	ssyncadd.s32 $0xFFFFEC00  }
0x61: {  	[tilespmem:s16], [sflag:$0x1] =	stream.indirect.gather [hbm4b:s4+s15], $0x40, s12, s15, $0xb8;
	[tilespmem:$0x18C60] =	vst v63  }
0x62: {  	_ =	swait.ge [sflag:s10], $0x1400  }
0x63: {  	[sflag:s10] =	ssyncset.done $0x0  }
0x64: {  	s3 =	simm.s32 $0x2D0;
	[sflag:s10] =	ssyncadd.s32 $0xFFFFEC00  }
0x65: {  	[tilespmem:s17], [sflag:$0x2] =	stream.indirect.gather [hbm4b:s4+s15], $0x40, s3, s15, $0xb8;
	[tilespmem:$0x18C60] =	vst v63  }
0x66: {  	_ =	swait.ge [sflag:s13], $0x1400  }
0x67: {  	[sflag:s13] =	ssyncset.done $0x0  }
0x68: {  	s9 =	simm.s32 $0x320;
	[sflag:s13] =	ssyncadd.s32 $0xFFFFEC00  }
0x69: {  	[tilespmem:s19], [sflag:$0x3] =	stream.indirect.gather [hbm4b:s4+s15], $0x40, s9, s15, $0xb8;
	[tilespmem:$0x18C60] =	vst v63  }
0x6a: {  	_ =	swait.ge [sflag:s14], $0x1400  }
0x6b: {  	[sflag:s14] =	ssyncset.done $0x0  }
0x6c: {  	s12 =	simm.s32 $0x370;
	[sflag:s14] =	ssyncadd.s32 $0xFFFFEC00  }
0x6d: {  	[tilespmem:s21], [sflag:$0x4] =	stream.indirect.gather [hbm4b:s4+s15], $0x40, s12, s15, $0xb8;
	[tilespmem:$0x18C60] =	vst v63  }
0x6e: {  	_ =	swait.ge [sflag:s7], $0x1400  }
0x6f: {  	[sflag:s7] =	ssyncset.done $0x0  }
0x70: {  	s3 =	simm.s32 $0x3C0;
	[sflag:s7] =	ssyncadd.s32 $0xFFFFEC00  }
0x71: {  	[tilespmem:s26], [sflag:$0x5] =	stream.indirect.gather [hbm4b:s4+s15], $0x40, s3, s15, $0xb8;
	[tilespmem:$0x18C60] =	vst v63  }
0x72: {  	_ =	swait.ge [sflag:s23], $0x1400  }
0x73: {  	[sflag:s23] =	ssyncset.done $0x0  }
0x74: {  	s9 =	simm.s32 $0x410;
	[sflag:s23] =	ssyncadd.s32 $0xFFFFEC00  }
0x75: {  	[tilespmem:s29], [sflag:$0x6] =	stream.indirect.gather [hbm4b:s4+s15], $0x40, s9, s15, $0xb8;
	[tilespmem:$0x18C60] =	vst v63  }
0x76: {  	_ =	swait.ge [sflag:s24], $0x1400  }
0x77: {  	[sflag:s24] =	ssyncset.done $0x0  }
0x78: {  	s12 =	simm.s32 $0x460;
	[sflag:s24] =	ssyncadd.s32 $0xFFFFEC00  }
0x79: {  	[tilespmem:s31], [sflag:$0x7] =	stream.indirect.gather [hbm4b:s4+s15], $0x40, s12, s15, $0xb8;
	[tilespmem:$0x18C60] =	vst v63  }
0x7a: {  	_ =	swait.ge [sflag:s25], $0x1400  }
0x7b: {  	[sflag:s25] =	ssyncset.done $0x0  }
0x7c: {  	s5 =	simm.s32 $0xA00;
	s12 =	simm.s32 $0x4B0;
	[sflag:s25] =	ssyncadd.s32 $0xFFFFEC00  }
.LBB2_2:
0x7d: {  	[tilespmem:s2], [sflag:$0x8] =	stream.indirect.gather [hbm4b:s4+s15], $0x40, s12, s15, $0xb8;
	[tilespmem:$0x18C60] =	vst v63  }
0x7e: {  	s12 =	smov.u32 s5  }
0x7f: {  	p1 =	sne.s32 s5, $0x8200;
	s5 =	sadd.s32 $0xA00, s5;
	_ =	swait.ge [sflag:s11], $0x1400  }
0x80: {  	s12 =	sshra.s32 s12, $0x2;
	[sflag:s11] =	ssyncset.done $0x0  }
0x81: {  	s9 =	sadd.s32 $0x2710, s12;
	[sflag:s11] =	ssyncadd.s32 $0xFFFFEC00  }
0x82: {  	[spmem:s1] =	stream.indirect.scatter.add.f32 [tilespmem:s16], [sflag:$0x9], $0x40, s9, s15, $0xb8;
	[tilespmem:$0x18C60] =	vst v63  }
0x83: {  	_ =	swait.ge [sflag:s18], $0x1400  }
0x84: {  	[sflag:s18] =	ssyncset.done $0x0  }
0x85: {  	s9 =	sadd.s32 $0x2760, s12;
	[sflag:s18] =	ssyncadd.s32 $0xFFFFEC00  }
0x86: {  	[spmem:s1] =	stream.indirect.scatter.add.f32 [tilespmem:s17], [sflag:$0xA], $0x40, s9, s15, $0xb8;
	[tilespmem:$0x18C60] =	vst v63  }
0x87: {  	_ =	swait.ge [sflag:s20], $0x1400  }
0x88: {  	[sflag:s20] =	ssyncset.done $0x0  }
0x89: {  	s9 =	sadd.s32 $0x27B0, s12;
	[sflag:s20] =	ssyncadd.s32 $0xFFFFEC00  }
0x8a: {  	[spmem:s1] =	stream.indirect.scatter.add.f32 [tilespmem:s19], [sflag:$0xB], $0x40, s9, s15, $0xb8;
	[tilespmem:$0x18C60] =	vst v63  }
0x8b: {  	_ =	swait.ge [sflag:s22], $0x1400  }
0x8c: {  	[sflag:s22] =	ssyncset.done $0x0  }
0x8d: {  	s9 =	sadd.s32 $0x2800, s12;
	[sflag:s22] =	ssyncadd.s32 $0xFFFFEC00  }
0x8e: {  	[spmem:s1] =	stream.indirect.scatter.add.f32 [tilespmem:s21], [sflag:$0xC], $0x40, s9, s15, $0xb8;
	[tilespmem:$0x18C60] =	vst v63  }
0x8f: {  	_ =	swait.ge [sflag:s28], $0x1400  }
0x90: {  	[sflag:s28] =	ssyncset.done $0x0  }
0x91: {  	s9 =	sadd.s32 $0x2850, s12;
	[sflag:s28] =	ssyncadd.s32 $0xFFFFEC00  }
0x92: {  	[spmem:s1] =	stream.indirect.scatter.add.f32 [tilespmem:s26], [sflag:$0xD], $0x40, s9, s15, $0xb8;
	[tilespmem:$0x18C60] =	vst v63  }
0x93: {  	_ =	swait.ge [sflag:s30], $0x1400  }
0x94: {  	[sflag:s30] =	ssyncset.done $0x0  }
0x95: {  	s9 =	sadd.s32 $0x28A0, s12;
	[sflag:s30] =	ssyncadd.s32 $0xFFFFEC00  }
0x96: {  	[spmem:s1] =	stream.indirect.scatter.add.f32 [tilespmem:s29], [sflag:$0xE], $0x40, s9, s15, $0xb8;
	[tilespmem:$0x18C60] =	vst v63  }
0x97: {  	_ =	swait.ge [sflag:s0], $0x1400  }
0x98: {  	[sflag:s0] =	ssyncset.done $0x0  }
0x99: {  	s9 =	sadd.s32 $0x28F0, s12;
	[sflag:s0] =	ssyncadd.s32 $0xFFFFEC00  }
0x9a: {  	[spmem:s1] =	stream.indirect.scatter.add.f32 [tilespmem:s31], [sflag:$0xF], $0x40, s9, s15, $0xb8;
	[tilespmem:$0x18C60] =	vst v63  }
0x9b: {  	_ =	swait.ge [sflag:s6], $0x1400  }
0x9c: {  	[sflag:s6] =	ssyncset.done $0x0  }
0x9d: {  	s9 =	sadd.s32 $0x2940, s12;
	[sflag:s6] =	ssyncadd.s32 $0xFFFFEC00  }
0x9e: {  	[spmem:s1] =	stream.indirect.scatter.add.f32 [tilespmem:s2], [sflag:$0x10], $0x40, s9, s15, $0xb8;
	[tilespmem:$0x18C60] =	vst v63  }
0x9f: {  	_ =	swait.ge [sflag:s8], $0x1400  }
0xa0: {  	[sflag:s8] =	ssyncset.done $0x0  }
0xa1: {  	s9 =	sadd.s32 $0x280, s12;
	[sflag:s8] =	ssyncadd.s32 $0xFFFFEC00  }
0xa2: {  	[tilespmem:s16], [sflag:$0x1] =	stream.indirect.gather [hbm4b:s4+s15], $0x40, s9, s15, $0xb8;
	[tilespmem:$0x18C60] =	vst v63  }
0xa3: {  	_ =	swait.ge [sflag:s10], $0x1400  }
0xa4: {  	[sflag:s10] =	ssyncset.done $0x0  }
0xa5: {  	s9 =	sadd.s32 $0x2D0, s12;
	[sflag:s10] =	ssyncadd.s32 $0xFFFFEC00  }
0xa6: {  	[tilespmem:s17], [sflag:$0x2] =	stream.indirect.gather [hbm4b:s4+s15], $0x40, s9, s15, $0xb8;
	[tilespmem:$0x18C60] =	vst v63  }
0xa7: {  	_ =	swait.ge [sflag:s13], $0x1400  }
0xa8: {  	[sflag:s13] =	ssyncset.done $0x0  }
0xa9: {  	s9 =	sadd.s32 $0x320, s12;
	[sflag:s13] =	ssyncadd.s32 $0xFFFFEC00  }
0xaa: {  	[tilespmem:s19], [sflag:$0x3] =	stream.indirect.gather [hbm4b:s4+s15], $0x40, s9, s15, $0xb8;
	[tilespmem:$0x18C60] =	vst v63  }
0xab: {  	_ =	swait.ge [sflag:s14], $0x1400  }
0xac: {  	[sflag:s14] =	ssyncset.done $0x0  }
0xad: {  	s9 =	sadd.s32 $0x370, s12;
	[sflag:s14] =	ssyncadd.s32 $0xFFFFEC00  }
0xae: {  	[tilespmem:s21], [sflag:$0x4] =	stream.indirect.gather [hbm4b:s4+s15], $0x40, s9, s15, $0xb8;
	[tilespmem:$0x18C60] =	vst v63  }
0xaf: {  	_ =	swait.ge [sflag:s7], $0x1400  }
0xb0: {  	[sflag:s7] =	ssyncset.done $0x0  }
0xb1: {  	s9 =	sadd.s32 $0x3C0, s12;
	[sflag:s7] =	ssyncadd.s32 $0xFFFFEC00  }
0xb2: {  	[tilespmem:s26], [sflag:$0x5] =	stream.indirect.gather [hbm4b:s4+s15], $0x40, s9, s15, $0xb8;
	[tilespmem:$0x18C60] =	vst v63  }
0xb3: {  	_ =	swait.ge [sflag:s23], $0x1400  }
0xb4: {  	[sflag:s23] =	ssyncset.done $0x0  }
0xb5: {  	s9 =	sadd.s32 $0x410, s12;
	[sflag:s23] =	ssyncadd.s32 $0xFFFFEC00  }
0xb6: {  	[tilespmem:s29], [sflag:$0x6] =	stream.indirect.gather [hbm4b:s4+s15], $0x40, s9, s15, $0xb8;
	[tilespmem:$0x18C60] =	vst v63  }
0xb7: {  	_ =	swait.ge [sflag:s24], $0x1400  }
0xb8: {  	[sflag:s24] =	ssyncset.done $0x0  }
.Ltmp0:
0xb9: {  	s9 =	sadd.s32 $0x460, s12;
	[sflag:s24] =	ssyncadd.s32 $0xFFFFEC00;
	(pc) =	sbr.rel @p1 .LBB2_2-.Ltmp0, $4  }
0xba: {  	[tilespmem:s31], [sflag:$0x7] =	stream.indirect.gather [hbm4b:s4+s15], $0x40, s9, s15, $0xb8;
	[tilespmem:$0x18C60] =	vst v63  }
0xbb: {  	_ =	swait.ge [sflag:s25], $0x1400  }
0xbc: {  	[sflag:s25] =	ssyncset.done $0x0  }
0xbd: {  	s12 =	sadd.s32 $0x4B0, s12;
	[sflag:s25] =	ssyncadd.s32 $0xFFFFEC00  }
0xbe: {  	[tilespmem:s2], [sflag:$0x8] =	stream.indirect.gather [hbm4b:s4+s15], $0x40, s12, s15, $0xb8;
	[tilespmem:$0x18C60] =	vst v63  }
0xbf: {  	_ =	swait.ge [sflag:s11], $0x1400  }
0xc0: {  	[sflag:s11] =	ssyncset.done $0x0  }
0xc1: {  	s5 =	simm.s32 $0x4A10;
	[sflag:s11] =	ssyncadd.s32 $0xFFFFEC00  }
0xc2: {  	[spmem:s1] =	stream.indirect.scatter.add.f32 [tilespmem:s16], [sflag:$0x9], $0x40, s5, s15, $0xb8;
	[tilespmem:$0x18C60] =	vst v63  }
0xc3: {  	_ =	swait.ge [sflag:s18], $0x1400  }
0xc4: {  	[sflag:s18] =	ssyncset.done $0x0  }
0xc5: {  	s3 =	simm.s32 $0x4A60;
	[sflag:s18] =	ssyncadd.s32 $0xFFFFEC00  }
0xc6: {  	[spmem:s1] =	stream.indirect.scatter.add.f32 [tilespmem:s17], [sflag:$0xA], $0x40, s3, s15, $0xb8;
	[tilespmem:$0x18C60] =	vst v63  }
0xc7: {  	_ =	swait.ge [sflag:s20], $0x1400  }
0xc8: {  	[sflag:s20] =	ssyncset.done $0x0  }
0xc9: {  	s9 =	simm.s32 $0x4AB0;
	[sflag:s20] =	ssyncadd.s32 $0xFFFFEC00  }
0xca: {  	[spmem:s1] =	stream.indirect.scatter.add.f32 [tilespmem:s19], [sflag:$0xB], $0x40, s9, s15, $0xb8;
	[tilespmem:$0x18C60] =	vst v63  }
0xcb: {  	_ =	swait.ge [sflag:s22], $0x1400  }
0xcc: {  	[sflag:s22] =	ssyncset.done $0x0  }
0xcd: {  	s12 =	simm.s32 $0x4B00;
	[sflag:s22] =	ssyncadd.s32 $0xFFFFEC00  }
0xce: {  	[spmem:s1] =	stream.indirect.scatter.add.f32 [tilespmem:s21], [sflag:$0xC], $0x40, s12, s15, $0xb8;
	[tilespmem:$0x18C60] =	vst v63  }
0xcf: {  	_ =	swait.ge [sflag:s28], $0x1400  }
0xd0: {  	[sflag:s28] =	ssyncset.done $0x0  }
0xd1: {  	s3 =	simm.s32 $0x4B50;
	[sflag:s28] =	ssyncadd.s32 $0xFFFFEC00  }
0xd2: {  	[spmem:s1] =	stream.indirect.scatter.add.f32 [tilespmem:s26], [sflag:$0xD], $0x40, s3, s15, $0xb8;
	[tilespmem:$0x18C60] =	vst v63  }
0xd3: {  	_ =	swait.ge [sflag:s30], $0x1400  }
0xd4: {  	[sflag:s30] =	ssyncset.done $0x0  }
0xd5: {  	s9 =	simm.s32 $0x4BA0;
	[sflag:s30] =	ssyncadd.s32 $0xFFFFEC00  }
0xd6: {  	[spmem:s1] =	stream.indirect.scatter.add.f32 [tilespmem:s29], [sflag:$0xE], $0x40, s9, s15, $0xb8;
	[tilespmem:$0x18C60] =	vst v63  }
0xd7: {  	_ =	swait.ge [sflag:s0], $0x1400  }
0xd8: {  	[sflag:s0] =	ssyncset.done $0x0  }
0xd9: {  	s12 =	simm.s32 $0x4BF0;
	[sflag:s0] =	ssyncadd.s32 $0xFFFFEC00  }
0xda: {  	[spmem:s1] =	stream.indirect.scatter.add.f32 [tilespmem:s31], [sflag:$0xF], $0x40, s12, s15, $0xb8;
	[tilespmem:$0x18C60] =	vst v63  }
0xdb: {  	_ =	swait.ge [sflag:s6], $0x1400  }
0xdc: {  	[sflag:s6] =	ssyncset.done $0x0  }
0xdd: {  	s3 =	simm.s32 $0x4C40;
	[sflag:s6] =	ssyncadd.s32 $0xFFFFEC00  }
0xde: {  	[spmem:s1] =	stream.indirect.scatter.add.f32 [tilespmem:s2], [sflag:$0x10], $0x40, s3, s15, $0xb8;
	[tilespmem:$0x18C60] =	vst v63  }
0xdf: {  	_ =	swait.ge [sflag:s8], $0x1400  }
0xe0: {  	[sflag:s8] =	ssyncset.done $0x0  }
0xe1: {  	s9 =	simm.s32 $0x2580;
	[sflag:s8] =	ssyncadd.s32 $0xFFFFEC00  }
0xe2: {  	[tilespmem:s16], [sflag:$0x1] =	stream.indirect.gather [hbm4b:s4+s15], $0x40, s9, s15, $0xb8;
	[tilespmem:$0x18C60] =	vst v63  }
0xe3: {  	_ =	swait.ge [sflag:s10], $0x1400  }
0xe4: {  	[sflag:s10] =	ssyncset.done $0x0  }
0xe5: {  	s12 =	simm.s32 $0x25D0;
	[sflag:s10] =	ssyncadd.s32 $0xFFFFEC00  }
0xe6: {  	[tilespmem:s17], [sflag:$0x2] =	stream.indirect.gather [hbm4b:s4+s15], $0x40, s12, s15, $0xb8;
	[tilespmem:$0x18C60] =	vst v63  }
0xe7: {  	_ =	swait.ge [sflag:s13], $0x1400  }
0xe8: {  	[sflag:s13] =	ssyncset.done $0x0  }
0xe9: {  	s3 =	simm.s32 $0x2620;
	[sflag:s13] =	ssyncadd.s32 $0xFFFFEC00  }
0xea: {  	[tilespmem:s19], [sflag:$0x3] =	stream.indirect.gather [hbm4b:s4+s15], $0x40, s3, s15, $0xb8;
	[tilespmem:$0x18C60] =	vst v63  }
0xeb: {  	_ =	swait.ge [sflag:s14], $0x1400  }
0xec: {  	[sflag:s14] =	ssyncset.done $0x0  }
0xed: {  	s9 =	simm.s32 $0x2670;
	[sflag:s14] =	ssyncadd.s32 $0xFFFFEC00  }
0xee: {  	[tilespmem:s21], [sflag:$0x4] =	stream.indirect.gather [hbm4b:s4+s15], $0x40, s9, s15, $0xb8;
	[tilespmem:$0x18C60] =	vst v63  }
0xef: {  	_ =	swait.ge [sflag:s7], $0x1400  }
0xf0: {  	[sflag:s7] =	ssyncset.done $0x0  }
0xf1: {  	s12 =	simm.s32 $0x26C0;
	[sflag:s7] =	ssyncadd.s32 $0xFFFFEC00  }
0xf2: {  	[tilespmem:s26], [sflag:$0x5] =	stream.indirect.gather [hbm4b:s4+s15], $0x40, s12, s15, $0xb8;
	[tilespmem:$0x18C60] =	vst v63  }
0xf3: {  	_ =	swait.ge [sflag:s11], $0x1400  }
0xf4: {  	[sflag:s11] =	ssyncset.done $0x0  }
0xf5: {  	s3 =	simm.s32 $0x4C90;
	[sflag:s11] =	ssyncadd.s32 $0xFFFFEC00  }
0xf6: {  	[spmem:s1] =	stream.indirect.scatter.add.f32 [tilespmem:s16], [sflag:$0x9], $0x40, s3, s15, $0xb8;
	[tilespmem:$0x18C60] =	vst v63  }
0xf7: {  	_ =	swait.ge [sflag:s18], $0x1400  }
0xf8: {  	[sflag:s18] =	ssyncset.done $0x0  }
0xf9: {  	s9 =	simm.s32 $0x4CE0;
	[sflag:s18] =	ssyncadd.s32 $0xFFFFEC00  }
0xfa: {  	[spmem:s1] =	stream.indirect.scatter.add.f32 [tilespmem:s17], [sflag:$0xA], $0x40, s9, s15, $0xb8;
	[tilespmem:$0x18C60] =	vst v63  }
0xfb: {  	_ =	swait.ge [sflag:s20], $0x1400  }
0xfc: {  	[sflag:s20] =	ssyncset.done $0x0  }
0xfd: {  	s12 =	simm.s32 $0x4D30;
	[sflag:s20] =	ssyncadd.s32 $0xFFFFEC00  }
0xfe: {  	[spmem:s1] =	stream.indirect.scatter.add.f32 [tilespmem:s19], [sflag:$0xB], $0x40, s12, s15, $0xb8;
	[tilespmem:$0x18C60] =	vst v63  }
0xff: {  	_ =	swait.ge [sflag:s22], $0x1400  }
0x100: {  	[sflag:s22] =	ssyncset.done $0x0  }
0x101: {  	s3 =	simm.s32 $0x4D80;
	[sflag:s22] =	ssyncadd.s32 $0xFFFFEC00  }
0x102: {  	[spmem:s1] =	stream.indirect.scatter.add.f32 [tilespmem:s21], [sflag:$0xC], $0x40, s3, s15, $0xb8;
	[tilespmem:$0x18C60] =	vst v63  }
0x103: {  	_ =	swait.ge [sflag:s28], $0x1400  }
0x104: {  	[sflag:s28] =	ssyncset.done $0x0  }
0x105: {  	s9 =	simm.s32 $0x4DD0;
	[sflag:s28] =	ssyncadd.s32 $0xFFFFEC00  }
0x106: {  	[spmem:s1] =	stream.indirect.scatter.add.f32 [tilespmem:s26], [sflag:$0xD], $0x40, s9, s15, $0xb8;
	[tilespmem:$0x18C60] =	vst v63  }
0x107: {  	_ =	swait.ge [sflag:s8], $0x1400  }
0x108: {  	[sflag:s8] =	ssyncset.done $0x0  }
0x109: {  	[sflag:s8] =	ssyncadd.s32 $0xFFFFEC00  }
0x10a: {  	_ =	swait.ge [sflag:s10], $0x1400  }
0x10b: {  	[sflag:s10] =	ssyncset.done $0x0  }
0x10c: {  	[sflag:s10] =	ssyncadd.s32 $0xFFFFEC00  }
0x10d: {  	_ =	swait.ge [sflag:s13], $0x1400  }
0x10e: {  	[sflag:s13] =	ssyncset.done $0x0  }
0x10f: {  	[sflag:s13] =	ssyncadd.s32 $0xFFFFEC00  }
0x110: {  	_ =	swait.ge [sflag:s14], $0x1400  }
0x111: {  	[sflag:s14] =	ssyncset.done $0x0  }
0x112: {  	[sflag:s14] =	ssyncadd.s32 $0xFFFFEC00  }
0x113: {  	_ =	swait.ge [sflag:s7], $0x1400  }
0x114: {  	[sflag:s7] =	ssyncset.done $0x0  }
0x115: {  	[sflag:s7] =	ssyncadd.s32 $0xFFFFEC00  }
0x116: {  	_ =	swait.ge [sflag:s23], $0x1400  }
0x117: {  	[sflag:s23] =	ssyncset.done $0x0  }
0x118: {  	[sflag:s23] =	ssyncadd.s32 $0xFFFFEC00  }
0x119: {  	_ =	swait.ge [sflag:s24], $0x1400  }
0x11a: {  	[sflag:s24] =	ssyncset.done $0x0  }
0x11b: {  	[sflag:s24] =	ssyncadd.s32 $0xFFFFEC00  }
0x11c: {  	_ =	swait.ge [sflag:s25], $0x1400  }
0x11d: {  	[sflag:s25] =	ssyncset.done $0x0  }
0x11e: {  	[sflag:s25] =	ssyncadd.s32 $0xFFFFEC00  }
0x11f: {  	[bflag:$0x0] =	sbarrier.arrive $0xFFFF  }
0x120: {  	s12 =	rddreg [dreg:$0xa]  }
0x121: {  	s9 =	rddreg [dreg:$0xb]  }
0x122: {  	s3 =	rddreg [dreg:$0xe]  }
0x123: {  	[hbm:s12], [sflag:s3] =	dma.local [spmem:s9], $0x1380  }
0x124: {  	s12 =	simm.s32 $0x11  }
0x125: {  	_ =	swait.ge [sflag:s12], $0x1380  }
0x126: {  	[sflag:s12] =	ssyncset.done $0x0;
	s5 =	rddreg [dreg:$0x5]  }
0x127: {  	s9 =	rddreg [dreg:$0xc];
	[sflag:s12] =	ssyncadd.s32 $0xFFFFEC80;
	s5 =	sadd.s32 @!p0 $0x13800, s5  }
0x128: {  	[hbm:s5], [sflag:s3] =	dma.local @!p0 [spmem:s9], $0x80  }
0x129: {  	s5 =	simm.s32 @!p0 $0x11  }
0x12a: {  	_ =	swait.ge @!p0 [sflag:s5], $0x80  }
0x12b: {  	s9 =	rddreg [dreg:$0xd]  }
0x12c: {  	s3 =	sadd.s32 $0x1, s9;
	s9 =	rddreg [dreg:$0x6]  }
0x12d: {  	p1 =	sne.s32 s3, s9  }
.Ltmp1:
0x12e: {  	_ = 	snop;
	(pc) =	sbr.rel @p1 .LBB2_1-.Ltmp1, $3  }
0x12f: {  	_ =	sdelay $0x1  }
0x130: {  	[sflag:s5] =	ssyncset.done @!p0 $0x0  }
0x131: {  	[sflag:s5] =	ssyncadd.s32 @!p0 $0xFFFFFF80;
	[dreg:$0xd] =	wrdreg s3  }
0x132: {  	_ =	sfence.sel $0x180000  }
0x133: {  	[bflag:$0x0] =	sbarrier.arrive $0xFFFF  }
0x134: {  	_ =	strace $0x9000004A  }
0x135: {  	s0 =	stileid.u32;
	[bflag:$0x2] =	sbarrier.arrive $0xFFFF  }
0x136: {  	p0 =	sne.s32 s0, $0x0;
	s0 =	rddreg [dreg:$0x2]  }
0x137: {  	s0 =	sadd.s32 @!p0 $0x100000, s0  }
0x138: {  	[sflag:s0] =	ssyncadd.tile.s32 @!p0 $0x1;
	_ =	shalt  }
.Lfunc_end2:
_tile_overlayer_lowered:
.L_overlay_start_2:
0x139: {  	(tag) =	ssettag $0x2  }
0x13a: {  	s0 =	rddreg [dreg:$0x0];
	s2 =	stileid.u32  }
0x13b: {  	s1 =	rddreg [dreg:$0x1];
	p0 =	sne.s32 s2, $0x0  }
0x13c: {  	s3 =	rddreg [dreg:$0x2];
	[bflag:$0x3] =	sbarrier.arrive $0xFFFF;
	s2 =	simm.s32 @!p0 $0x1C11  }
0x13d: {  	[timem:s3], [sflag:s2] =	dma.local @!p0 [hbm:s0], s1  }
0x13e: {  	s0 =	simm.s32 @!p0 $0x11  }
0x13f: {  	_ =	swait.ge @!p0 [sflag:s0], s1  }
0x140: {  	s1 =	ssub.s32 @!p0 $0x0, s1;
	[sflag:s0] =	ssyncset.done @!p0 $0x0  }
0x141: {  	[sflag:s0] =	ssyncadd.s32 @!p0 s1  }
0x142: {  	[bflag:$0x3] =	sbarrier.arrive $0xFFFF  }
0x143: {  	_ =	shalt  }

// kernel: sc_scatter_sum.7.cloned.1.call-start
scs
__scs_entry_jumppad:
0x0: {  	(pc) =	sbr.rel $0x88, $3  }
0x1: {  	(tag) =	ssettag $0x0;
	lr =	simm.s32 $0x1  }
0x2: {  	[smem:$0x3F9B] =	sst lr;
	_ =	strace $0xD0000000  }
0x3: {  	_ = 	snop  }
0x4: {  	_ = 	snop  }
0x5: {  	_ = 	snop  }
0x6: {  	_ = 	snop  }
0x7: {  	_ = 	snop  }
__scs_overlays_trampoline_lowered:
0x8: {  	[smem:$0x3FAA] =	sst s0  }
0x9: {  	[smem:$0x3FAB] =	sst s1  }
0xa: {  	[smem:$0x3FAC] =	sst s2  }
0xb: {  	[smem:$0x3FAD] =	sst s3  }
0xc: {  	[smem:$0x3FAE] =	sst s4  }
0xd: {  	[smem:$0x3FAF] =	sst s5  }
0xe: {  	[smem:$0x3FB0] =	sst s6  }
0xf: {  	[smem:$0x3FB1] =	sst s7  }
0x10: {  	[smem:$0x3FB2] =	sst s8  }
0x11: {  	[smem:$0x3FB3] =	sst s9;
	s0 =	simm.s32 @!p0 $0x0  }
0x12: {  	s1 =	sld [smem:$0x3F99];
	s0 =	simm.s32 @p0 $0x1  }
0x13: {  	[smem:$0x3FB4] =	sst s0;
	s0 =	simm.s32 @!p1 $0x0  }
0x14: {  	s2 =	sld [smem:$0x3F98];
	s0 =	simm.s32 @p1 $0x1  }
0x15: {  	[smem:$0x3FB5] =	sst s0;
	s0 =	simm.s32 @!p2 $0x0  }
0x16: {  	s3 =	sld [smem:$0x3FDB];
	s0 =	simm.s32 @p2 $0x1  }
0x17: {  	s4 =	simm.s32 $0x1BF5;
	[smem:$0x3FB7] =	sst s0  }
0x18: {  	s0 =	sld [smem:$0x3F9A];
	_ =	swait.ge [sflag:s4], $0x0  }
0x19: {  	s7 =	sld [smem:$0x3F9B]  }
0x1a: {  	s8 =	sadd.s32 $0xFFFFE003, lr  }
0x1b: {  	s9 =	sadd.s32 $0xFFFFFEF7, lr;
	s5 =	simm.s32 $0xFFFFFFFF;
	p2 =	slt.u32 s8, $0xFFFFF086  }
0x1c: {  	p1 =	slt.u32 s9, $0xF7A;
	s5 =	simm.s32 @!p2 $0x0  }
0x1d: {  	s5 =	simm.s32 @p1 $0x1;
	p0 =	seq.s32 s7, s2  }
0x1e: {  	s7 =	smul.u32 @!p0 $0xF7A, s2;
	p2 =	seq.s32 @!p0 s5, $0x0  }
0x1f: {  	s9 =	smul.u32 $0xF7A, s1;
	s8 =	simm.s32 @!p0 $0x1BF5;
	p2 =	por !p2, p0  }
0x20: {  	[sflag:s8] =	ssyncset.s32 @!p0 $0xFFFFF086;
	s6 =	sadd.s32 @!p0 s3, s7;
	s7 =	simm.s32 @!p0 $0x108  }
0x21: {  	s3 =	sadd.s32 s3, s9;
	s6 =	sadd.s32 @!p0 $0x88, s6;
	s7 =	simm.s32 @p2 $0x1082  }
0x22: {  	[simem:s7], [sflag:s8] =	dma.local @!p0 [hbm:s6], $0xF7A  }
0x23: {  	s9 =	sor.u32 $0xD0000000, s2;
	s6 =	simm.s32 $0x108;
	_ =	swait.ge @!p0 [sflag:s8], $0x0  }
0x24: {  	s3 =	sadd.s32 $0x88, s3;
	s6 =	simm.s32 @!p1 $0x1082;
	[sflag:s4] =	ssyncset.s32 $0xFFFFF086  }
0x25: {  	[simem:s6], [sflag:s4] =	dma.local [hbm:s3], $0xF7A  }
0x26: {  	[smem:$0x3F9B] =	sst s1;
	(tag) =	ssettag s2;
	_ =	strace s9  }
0x27: {  	s1 =	sld [smem:$0x3FAB]  }
0x28: {  	s2 =	sld [smem:$0x3FAC]  }
0x29: {  	s4 =	sld [smem:$0x3FAE]  }
0x2a: {  	p0 =	seq.s32 s5, $0x0;
	s5 =	sld [smem:$0x3FAF]  }
0x2b: {  	s6 =	sld [smem:$0x3FB0]  }
0x2c: {  	s7 =	sld [smem:$0x3FB1]  }
0x2d: {  	s3 =	simm.s32 $0x108;
	s8 =	sld [smem:$0x3FB2]  }
0x2e: {  	s3 =	simm.s32 @!p0 $0x1082;
	s9 =	sld [smem:$0x3FB3]  }
0x2f: {  	lr =	sadd.s32 s0, s3;
	s0 =	sld [smem:$0x3FAA]  }
0x30: {  	s3 =	sld [smem:$0x3FAD]  }
0x31: {  	[smem:$0x3FB6] =	sst s10  }
0x32: {  	s10 =	sld [smem:$0x3FB4];
	_ =	sdelay $0x3  }
0x33: {  	p0 =	seq.s32 s10, $0x1;
	s10 =	sld [smem:$0x3FB6];
	_ =	sdelay $0x3  }
0x34: {  	[smem:$0x3FB6] =	sst s10  }
0x35: {  	s10 =	sld [smem:$0x3FB5];
	_ =	sdelay $0x3  }
0x36: {  	p1 =	seq.s32 s10, $0x1;
	s10 =	sld [smem:$0x3FB6];
	_ =	sdelay $0x3  }
0x37: {  	[smem:$0x3FB6] =	sst s10  }
0x38: {  	s10 =	sld [smem:$0x3FB7]  }
0x39: {  	_ = 	snop;
	(pc) =	sbr.ind lr, $3  }
0x3a: {  	_ = 	snop  }
0x3b: {  	_ = 	snop  }
0x3c: {  	p2 =	seq.s32 s10, $0x1;
	s10 =	sld [smem:$0x3FB6]  }
0x3d: {  	_ =	shalt  }
0x3e: {  	_ =	shalt  }
0x3f: {  	_ =	shalt  }
0x40: {  	_ =	shalt  }
0x41: {  	_ =	shalt  }
0x42: {  	_ =	shalt  }
0x43: {  	_ =	shalt  }
0x44: {  	_ =	shalt  }
0x45: {  	_ =	shalt  }
0x46: {  	_ =	shalt  }
0x47: {  	_ =	shalt  }
0x48: {  	_ =	shalt  }
0x49: {  	_ =	shalt  }
0x4a: {  	_ =	shalt  }
0x4b: {  	_ =	shalt  }
0x4c: {  	_ =	shalt  }
0x4d: {  	_ =	shalt  }
0x4e: {  	_ =	shalt  }
0x4f: {  	_ =	shalt  }
0x50: {  	_ =	shalt  }
0x51: {  	_ =	shalt  }
0x52: {  	_ =	shalt  }
0x53: {  	_ =	shalt  }
0x54: {  	_ =	shalt  }
0x55: {  	_ =	shalt  }
0x56: {  	_ =	shalt  }
0x57: {  	_ =	shalt  }
0x58: {  	_ =	shalt  }
0x59: {  	_ =	shalt  }
0x5a: {  	_ =	shalt  }
0x5b: {  	_ =	shalt  }
0x5c: {  	_ =	shalt  }
0x5d: {  	_ =	shalt  }
0x5e: {  	_ =	shalt  }
0x5f: {  	_ =	shalt  }
0x60: {  	_ =	shalt  }
0x61: {  	_ =	shalt  }
0x62: {  	_ =	shalt  }
0x63: {  	_ =	shalt  }
0x64: {  	_ =	shalt  }
0x65: {  	_ =	shalt  }
0x66: {  	_ =	shalt  }
0x67: {  	_ =	shalt  }
0x68: {  	_ =	shalt  }
0x69: {  	_ =	shalt  }
0x6a: {  	_ =	shalt  }
0x6b: {  	_ =	shalt  }
0x6c: {  	_ =	shalt  }
0x6d: {  	_ =	shalt  }
0x6e: {  	_ =	shalt  }
0x6f: {  	_ =	shalt  }
0x70: {  	_ =	shalt  }
0x71: {  	_ =	shalt  }
0x72: {  	_ =	shalt  }
0x73: {  	_ =	shalt  }
0x74: {  	_ =	shalt  }
0x75: {  	_ =	shalt  }
0x76: {  	_ =	shalt  }
0x77: {  	_ =	shalt  }
0x78: {  	_ =	shalt  }
0x79: {  	_ =	shalt  }
0x7a: {  	_ =	shalt  }
0x7b: {  	_ =	shalt  }
0x7c: {  	_ =	shalt  }
0x7d: {  	_ =	shalt  }
0x7e: {  	_ =	shalt  }
0x7f: {  	_ =	shalt  }
0x80: {  	_ =	shalt  }
0x81: {  	_ =	shalt  }
0x82: {  	_ =	shalt  }
0x83: {  	_ =	shalt  }
0x84: {  	_ =	shalt  }
0x85: {  	_ =	shalt  }
0x86: {  	_ =	shalt  }
0x87: {  	_ =	shalt  }
.Lfunc_end0:
.L_simem_size_0:
called_computation.2_lowered:
.L_overlay_start_0:
0x88: {  	s2 =	sld [smem:$0x3FD9]  }
0x89: {  	s3 =	sld [smem:$0x3FFE];
	_ =	sdelay $0x1  }
0x8a: {  	s1 =	srdreg.scid  }
0x8b: {  	s0 =	sand.u32 $0x1, s1  }
0x8c: {  	s16 =	sshll.u32 s0, $0xA;
	s2 =	sadd.s32 s3, s2  }
0x8d: {  	s2 =	sadd.s32 s2, s16  }
0x8e: {  	[smem:$0x3FC2] =	sst s2  }
0x8f: {  	_ = 	snop  }
0x90: {  	(tm) =	ssettm $0x1  }
0x91: {  	s17 =	sld [smem:$0x3FFB];
	_ =	sdelay $0x3  }
0x92: {  	_ =	strace s17  }
0x93: {  	s2 =	sld [smem:$0x3FFC];
	_ =	sdelay $0x3  }
0x94: {  	_ =	strace s2  }
0x95: {  	s2 =	sld [smem:$0x3FFD];
	_ =	sdelay $0x3  }
0x96: {  	_ =	strace s2  }
0x97: {  	_ =	strace $0x8FFFFFFF  }
0x98: {  	s18 =	sld [smem:$0x3FDB];
	_ =	sdelay $0x1  }
0x99: {  	s19 =	simm.s32 $_scs_section_size  }
0x9a: {  	s4 =	simm.s32 $_size__tile_overlayer_lowered;
	s5 =	simm.s32 $_tile_overlayer_lowered  }
0x9b: {  	s22 =	simm.s32 $0x1BFF;
	s21 =	sshll.u32 s5, $0x1;
	s2 =	sadd.s32 s19, s18  }
0x9c: {  	s6 =	simm.s32 $0x0;
	s20 =	sshll.u32 s4, $0x1;
	s4 =	sadd.s32 s21, s2  }
0x9d: {  	[timem:s6], [sflag:s22] =	dma.local [hbm:s4], s20  }
0x9e: {  	_ =	swait.ge [sflag:s22], s20  }
0x9f: {  	s3 =	ssub.s32 $0x0, s20;
	[sflag:s22] =	ssyncset.done $0x0  }
0xa0: {  	[sflag:s22] =	ssyncadd.s32 s3;
	_ =	sdelay $0x1  }
0xa1: {  	s23 =	simm.s32 $0x1B8B  }
0xa2: {  	_ =	swait.ge [sflag:s23], $0x1  }
0xa3: {  	[sflag:s23] =	ssyncset.done $0x0  }
0xa4: {  	s25 =	simm.s32 $0x1B8E;
	s24 =	sld [smem:$0x3FFE];
	[sflag:s23] =	ssyncadd.s32 $0xFFFFFFFF  }
0xa5: {  	s26 =	simm.s32 $execute0_lowered;
	[smem:$0x3FD2] =	sst s25  }
0xa6: {  	s4 =	sshll.u32 s26, $0x1;
	_ =	strace $0x8000004C;
	[dreg:$0x1] =	wrdreg $0xFFFFFFFF  }
0xa7: {  	s28 =	simm.s32 $_size_execute0_lowered;
	s2 =	sadd.s32 s2, s4;
	[dreg:$0x0] =	wrdreg $0x0  }
0xa8: {  	s4 =	sshll.u32 s28, $0x1;
	[dreg:$0x2] =	wrdreg s2  }
0xa9: {  	[dreg:$0x3] =	wrdreg s4  }
0xaa: {  	[dreg:$0x4] =	wrdreg $0xC0  }
0xab: {  	_ =	task [dreg:s6], $0x5FFFF  }
0xac: {  	[dreg:$0x1] =	wrdreg $0xFFFFFFFF  }
0xad: {  	[dreg:$0x0] =	wrdreg $0x60  }
0xae: {  	[dreg:$0x2] =	wrdreg s24  }
0xaf: {  	[dreg:$0x3] =	wrdreg $0xEE200  }
0xb0: {  	[dreg:$0x4] =	wrdreg $0x9  }
0xb1: {  	_ =	task.clear_ibuf [dreg:s6], $0x5FFFF;
	_ =	strace $0x9000004C  }
0xb2: {  	s29 =	simm.s32 $0x9;
	_ =	strace $0x8000004E  }
0xb3: {  	_ =	swait.ge [sflag:s29], $0x1  }
0xb4: {  	[sflag:s29] =	ssyncadd.s32 $0xFFFFFFFF  }
0xb5: {  	_ =	strace $0x9000004E  }
0xb6: {  	_ =	sfence  }
0xb7: {  	s30 =	sld [smem:$0x0];
	_ =	sdelay $0x2  }
0xb8: {  	s31 =	sshll.u32 s1, $0xD;
	s1 =	sshrl.u32 s1, $0x2  }
0xb9: {  	s3 =	sand.u32 $0x4000, s31;
	s1 =	sadd.s32 s1, s30  }
0xba: {  	s0 =	sor.u32 s3, s0;
	s1 =	sshll.u32 s1, $0x11  }
0xbb: {  	s0 =	sor.u32 s1, s0  }
0xbc: {  	s0 =	sadd.s32 $0x8F2B, s0  }
0xbd: {  	[sflag:s0] =	ssyncadd.remote.s32 $0x1  }
0xbe: {  	_ =	sfence.sel $0xFFFF  }
0xbf: {  	[dreg:$0x0] =	wrdreg $0xFFFFFFFF;
	(pc) =	sbr.abs _section_cstart, $3  }
0xc0: {  	[dreg:$0x1] =	wrdreg $0xFFFFFFFF  }
0xc1: {  	_ =	task.clear_ibuf [dreg:s6], $0x2FFFF;
	_ =	strace $0x9FFFFFFF  }
0xc2: {  	(tm) =	ssettm $0x7FFFFFFF  }
0xc3: {  	_ =	shalt  }
tec
execute0_lowered:
.L_overlay_start_1:
0x0: {  	(tag) =	ssettag $0x1  }
0x1: {  	s0 =	rddreg [dreg:$0x0]  }
0x2: {  	s1 =	rddreg [dreg:$0x1];
	s2 =	srdreg.scid;
	s4 =	simm.s32 $0x0  }
0x3: {  	s9 =	stileid.u32;
	s12 =	simm.s32 $0x11;
	s15 =	simm.s32 $0x50  }
0x4: {  	s16 =	simm.s32 $0x4E20;
	s17 =	simm.s32 $0x6220;
	s19 =	simm.s32 $0x7620  }
0x5: {  	s21 =	simm.s32 $0x8A20;
	s29 =	simm.s32 $0xB220;
	s31 =	simm.s32 $0xC620  }
0x6: {  	s18 =	simm.s32 $0x2;
	s20 =	simm.s32 $0x3;
	s22 =	simm.s32 $0x4  }
0x7: {  	s28 =	simm.s32 $0x5;
	s30 =	simm.s32 $0x6;
	s13 =	simm.s32 $0xB  }
0x8: {  	s14 =	simm.s32 $0xC;
	s23 =	simm.s32 $0xE;
	s2 =	sand.u32 $0x1, s2  }
0x9: {  	[smem:$0x7FF] =	sst s4;
	s4 =	sadd.s32 $0x16000, s0;
	s8 =	smul.u32 $0x27800, s9  }
0xa: {  	s10 =	sadd.s32 $0x29A00, s0;
	s25 =	smul.u32 $0x9C00, s9;
	p0 =	sne.s32 s9, $0xF  }
0xb: {  	s3 =	sshll.u32 s2, $0x4;
	_ =	strace $0x8000004D;
	s5 =	smul.u32 $0x13880, s2  }
0xc: {  	s2 =	ssub.s32 $0x2, s2;
	[dreg:$0x3] =	wrdreg s10;
	s10 =	sadd.s32 $0x9C000, s1  }
0xd: {  	s3 =	sor.u32 s9, s3;
	s7 =	sshrl.u32 s2, $0x1;
	s24 =	sshrl.u32 s8, $0x2  }
0xe: {  	s8 =	sadd.s32 $0x9E000, s1;
	s3 =	smul.u32 $0x4E2, s3;
	s2 =	ssub.s32 s2, s7  }
0xf: {  	s26 =	sshrl.u32 s25, $0x3;
	s5 =	sadd.s32 s5, s0;
	s2 =	smax.u32 s2, $0x1  }
0x10: {  	s11 =	sadd.s32 $0x2AE00, s5;
	s6 =	sadd.s32 s3, s0;
	[dreg:$0x6] =	wrdreg s2  }
0x11: {  	s2 =	sshll.u32 s9, $0x6;
	[dreg:$0x5] =	wrdreg s11;
	s9 =	simm.s32 $0x0  }
0x12: {  	s0 =	sadd.s32 $0xC240, s0;
	s6 =	sadd.s32 $0x2600, s6;
	[dreg:$0xd] =	wrdreg s9  }
0x13: {  	s7 =	sadd.s32 s25, s1;
	s0 =	sadd.s32 s3, s0;
	[dreg:$0x4] =	wrdreg s6  }
0x14: {  	s6 =	sadd.s32 s24, s1;
	[dreg:$0x7] =	wrdreg s0;
	s0 =	sor.u32 $0x1C11, s2  }
0x15: {  	s25 =	simm.s32 $0x10;
	[dreg:$0xe] =	wrdreg s0;
	s3 =	sshrl.u32 s6, $0x3  }
0x16: {  	s2 =	simm.s32 $0xDA20;
	s0 =	sshrl.u32 @!p0 s8, $0x3;
	[dreg:$0x8] =	wrdreg s3  }
0x17: {  	s24 =	simm.s32 $0xF;
	s6 =	sadd.s32 s26, s11;
	[dreg:$0x9] =	wrdreg s0  }
0x18: {  	s8 =	sshrl.u32 s7, $0x3;
	s26 =	simm.s32 $0x9E20;
	[dreg:$0xa] =	wrdreg s6  }
0x19: {  	s11 =	simm.s32 $0x1;
	s7 =	simm.s32 $0xD;
	[dreg:$0xb] =	wrdreg s8  }
0x1a: {  	s0 =	sshrl.u32 @!p0 s10, $0x3;
	s6 =	simm.s32 $0x8;
	s8 =	simm.s32 $0x9  }
0x1b: {  	s10 =	simm.s32 $0xA;
	[dreg:$0xc] =	wrdreg s0;
	s0 =	simm.s32 $0x7  }
.LBB2_1:
0x1c: {  	s9 =	simm.s32 $0x0;
	s5 =	rddreg [dreg:$0x4]  }
0x1d: {  	[tilespmem:s9], [sflag:$0x11] =	stream.linear.gather [hbm4b:s5+s9], $0x2710, $0x38;
	[tilespmem:$0x18C60] =	vst v63  }
0x1e: {  	_ =	swait.ge [sflag:s12], $0x2710  }
0x1f: {  	[sflag:s12] =	ssyncset.done $0x0  }
0x20: {  	s3 =	simm.s32 $0x2710;
	s5 =	rddreg [dreg:$0x7];
	[sflag:s12] =	ssyncadd.s32 $0xFFFFD8F0  }
0x21: {  	[tilespmem:s3], [sflag:$0x11] =	stream.linear.gather [hbm4b:s5+s9], $0x2710, $0x38;
	[tilespmem:$0x18C60] =	vst v63  }
0x22: {  	s3 =	rddreg [dreg:$0xe];
	_ =	swait.ge [sflag:s12], $0x2710  }
0x23: {  	[sflag:s12] =	ssyncset.done $0x0;
	s5 =	rddreg [dreg:$0x3]  }
0x24: {  	s9 =	rddreg [dreg:$0x8];
	[sflag:s12] =	ssyncadd.s32 $0xFFFFD8F0  }
0x25: {  	[spmem:s9], [sflag:s3] =	dma.local [hbm:s5], $0x13C0  }
0x26: {  	_ =	swait.ge [sflag:s12], $0x13C0  }
0x27: {  	[sflag:s12] =	ssyncset.done $0x0  }
0x28: {  	s9 =	rddreg [dreg:$0x9];
	[sflag:s12] =	ssyncadd.s32 $0xFFFFEC40  }
0x29: {  	[spmem:s9], [sflag:s3] =	dma.local @!p0 [hbm:s5], $0x80  }
0x2a: {  	s5 =	simm.s32 @!p0 $0x11  }
0x2b: {  	_ =	swait.ge @!p0 [sflag:s5], $0x80  }
0x2c: {  	[sflag:s5] =	ssyncset.done @!p0 $0x0  }
0x2d: {  	[sflag:s5] =	ssyncadd.s32 @!p0 $0xFFFFFF80  }
0x2e: {  	s12 =	simm.s32 $0x0;
	[bflag:$0x0] =	sbarrier.arrive $0xFFFF  }
0x2f: {  	[tilespmem:s16], [sflag:$0x1] =	stream.indirect.gather [hbm4b:s4+s15], $0x40, s12, s15, $0xb8;
	[tilespmem:$0x18C60] =	vst v63  }
0x30: {  	_ = 	snop  }
0x31: {  	[tilespmem:s17], [sflag:$0x2] =	stream.indirect.gather [hbm4b:s4+s15], $0x40, s15, s15, $0xb8;
	[tilespmem:$0x18C60] =	vst v63  }
0x32: {  	s3 =	simm.s32 $0xA0  }
0x33: {  	[tilespmem:s19], [sflag:$0x3] =	stream.indirect.gather [hbm4b:s4+s15], $0x40, s3, s15, $0xb8;
	[tilespmem:$0x18C60] =	vst v63  }
0x34: {  	s9 =	simm.s32 $0xF0  }
0x35: {  	[tilespmem:s21], [sflag:$0x4] =	stream.indirect.gather [hbm4b:s4+s15], $0x40, s9, s15, $0xb8;
	[tilespmem:$0x18C60] =	vst v63  }
0x36: {  	s12 =	simm.s32 $0x140  }
0x37: {  	[tilespmem:s26], [sflag:$0x5] =	stream.indirect.gather [hbm4b:s4+s15], $0x40, s12, s15, $0xb8;
	[tilespmem:$0x18C60] =	vst v63  }
0x38: {  	s3 =	simm.s32 $0x190  }
0x39: {  	[tilespmem:s29], [sflag:$0x6] =	stream.indirect.gather [hbm4b:s4+s15], $0x40, s3, s15, $0xb8;
	[tilespmem:$0x18C60] =	vst v63  }
0x3a: {  	s9 =	simm.s32 $0x1E0  }
0x3b: {  	[tilespmem:s31], [sflag:$0x7] =	stream.indirect.gather [hbm4b:s4+s15], $0x40, s9, s15, $0xb8;
	[tilespmem:$0x18C60] =	vst v63  }
0x3c: {  	s12 =	simm.s32 $0x230  }
0x3d: {  	[tilespmem:s2], [sflag:$0x8] =	stream.indirect.gather [hbm4b:s4+s15], $0x40, s12, s15, $0xb8;
	[tilespmem:$0x18C60] =	vst v63  }
0x3e: {  	_ =	swait.ge [sflag:s11], $0x1400  }
0x3f: {  	[sflag:s11] =	ssyncset.done $0x0  }
0x40: {  	s3 =	simm.s32 $0x2710;
	[sflag:s11] =	ssyncadd.s32 $0xFFFFEC00  }
0x41: {  	[spmem:s1] =	stream.indirect.scatter.add.f32 [tilespmem:s16], [sflag:$0x9], $0x40, s3, s15, $0xb8;
	[tilespmem:$0x18C60] =	vst v63  }
0x42: {  	_ =	swait.ge [sflag:s18], $0x1400  }
0x43: {  	[sflag:s18] =	ssyncset.done $0x0  }
0x44: {  	s9 =	simm.s32 $0x2760;
	[sflag:s18] =	ssyncadd.s32 $0xFFFFEC00  }
0x45: {  	[spmem:s1] =	stream.indirect.scatter.add.f32 [tilespmem:s17], [sflag:$0xA], $0x40, s9, s15, $0xb8;
	[tilespmem:$0x18C60] =	vst v63  }
0x46: {  	_ =	swait.ge [sflag:s20], $0x1400  }
0x47: {  	[sflag:s20] =	ssyncset.done $0x0  }
0x48: {  	s12 =	simm.s32 $0x27B0;
	[sflag:s20] =	ssyncadd.s32 $0xFFFFEC00  }
0x49: {  	[spmem:s1] =	stream.indirect.scatter.add.f32 [tilespmem:s19], [sflag:$0xB], $0x40, s12, s15, $0xb8;
	[tilespmem:$0x18C60] =	vst v63  }
0x4a: {  	_ =	swait.ge [sflag:s22], $0x1400  }
0x4b: {  	[sflag:s22] =	ssyncset.done $0x0  }
0x4c: {  	s3 =	simm.s32 $0x2800;
	[sflag:s22] =	ssyncadd.s32 $0xFFFFEC00  }
0x4d: {  	[spmem:s1] =	stream.indirect.scatter.add.f32 [tilespmem:s21], [sflag:$0xC], $0x40, s3, s15, $0xb8;
	[tilespmem:$0x18C60] =	vst v63  }
0x4e: {  	_ =	swait.ge [sflag:s28], $0x1400  }
0x4f: {  	[sflag:s28] =	ssyncset.done $0x0  }
0x50: {  	s9 =	simm.s32 $0x2850;
	[sflag:s28] =	ssyncadd.s32 $0xFFFFEC00  }
0x51: {  	[spmem:s1] =	stream.indirect.scatter.add.f32 [tilespmem:s26], [sflag:$0xD], $0x40, s9, s15, $0xb8;
	[tilespmem:$0x18C60] =	vst v63  }
0x52: {  	_ =	swait.ge [sflag:s30], $0x1400  }
0x53: {  	[sflag:s30] =	ssyncset.done $0x0  }
0x54: {  	s12 =	simm.s32 $0x28A0;
	[sflag:s30] =	ssyncadd.s32 $0xFFFFEC00  }
0x55: {  	[spmem:s1] =	stream.indirect.scatter.add.f32 [tilespmem:s29], [sflag:$0xE], $0x40, s12, s15, $0xb8;
	[tilespmem:$0x18C60] =	vst v63  }
0x56: {  	_ =	swait.ge [sflag:s0], $0x1400  }
0x57: {  	[sflag:s0] =	ssyncset.done $0x0  }
0x58: {  	s3 =	simm.s32 $0x28F0;
	[sflag:s0] =	ssyncadd.s32 $0xFFFFEC00  }
0x59: {  	[spmem:s1] =	stream.indirect.scatter.add.f32 [tilespmem:s31], [sflag:$0xF], $0x40, s3, s15, $0xb8;
	[tilespmem:$0x18C60] =	vst v63  }
0x5a: {  	_ =	swait.ge [sflag:s6], $0x1400  }
0x5b: {  	[sflag:s6] =	ssyncset.done $0x0  }
0x5c: {  	s9 =	simm.s32 $0x2940;
	[sflag:s6] =	ssyncadd.s32 $0xFFFFEC00  }
0x5d: {  	[spmem:s1] =	stream.indirect.scatter.add.f32 [tilespmem:s2], [sflag:$0x10], $0x40, s9, s15, $0xb8;
	[tilespmem:$0x18C60] =	vst v63  }
0x5e: {  	_ =	swait.ge [sflag:s8], $0x1400  }
0x5f: {  	[sflag:s8] =	ssyncset.done $0x0  }
0x60: {  	s12 =	simm.s32 $0x280;
	[sflag:s8] =	ssyncadd.s32 $0xFFFFEC00  }
0x61: {  	[tilespmem:s16], [sflag:$0x1] =	stream.indirect.gather [hbm4b:s4+s15], $0x40, s12, s15, $0xb8;
	[tilespmem:$0x18C60] =	vst v63  }
0x62: {  	_ =	swait.ge [sflag:s10], $0x1400  }
0x63: {  	[sflag:s10] =	ssyncset.done $0x0  }
0x64: {  	s3 =	simm.s32 $0x2D0;
	[sflag:s10] =	ssyncadd.s32 $0xFFFFEC00  }
0x65: {  	[tilespmem:s17], [sflag:$0x2] =	stream.indirect.gather [hbm4b:s4+s15], $0x40, s3, s15, $0xb8;
	[tilespmem:$0x18C60] =	vst v63  }
0x66: {  	_ =	swait.ge [sflag:s13], $0x1400  }
0x67: {  	[sflag:s13] =	ssyncset.done $0x0  }
0x68: {  	s9 =	simm.s32 $0x320;
	[sflag:s13] =	ssyncadd.s32 $0xFFFFEC00  }
0x69: {  	[tilespmem:s19], [sflag:$0x3] =	stream.indirect.gather [hbm4b:s4+s15], $0x40, s9, s15, $0xb8;
	[tilespmem:$0x18C60] =	vst v63  }
0x6a: {  	_ =	swait.ge [sflag:s14], $0x1400  }
0x6b: {  	[sflag:s14] =	ssyncset.done $0x0  }
0x6c: {  	s12 =	simm.s32 $0x370;
	[sflag:s14] =	ssyncadd.s32 $0xFFFFEC00  }
0x6d: {  	[tilespmem:s21], [sflag:$0x4] =	stream.indirect.gather [hbm4b:s4+s15], $0x40, s12, s15, $0xb8;
	[tilespmem:$0x18C60] =	vst v63  }
0x6e: {  	_ =	swait.ge [sflag:s7], $0x1400  }
0x6f: {  	[sflag:s7] =	ssyncset.done $0x0  }
0x70: {  	s3 =	simm.s32 $0x3C0;
	[sflag:s7] =	ssyncadd.s32 $0xFFFFEC00  }
0x71: {  	[tilespmem:s26], [sflag:$0x5] =	stream.indirect.gather [hbm4b:s4+s15], $0x40, s3, s15, $0xb8;
	[tilespmem:$0x18C60] =	vst v63  }
0x72: {  	_ =	swait.ge [sflag:s23], $0x1400  }
0x73: {  	[sflag:s23] =	ssyncset.done $0x0  }
0x74: {  	s9 =	simm.s32 $0x410;
	[sflag:s23] =	ssyncadd.s32 $0xFFFFEC00  }
0x75: {  	[tilespmem:s29], [sflag:$0x6] =	stream.indirect.gather [hbm4b:s4+s15], $0x40, s9, s15, $0xb8;
	[tilespmem:$0x18C60] =	vst v63  }
0x76: {  	_ =	swait.ge [sflag:s24], $0x1400  }
0x77: {  	[sflag:s24] =	ssyncset.done $0x0  }
0x78: {  	s12 =	simm.s32 $0x460;
	[sflag:s24] =	ssyncadd.s32 $0xFFFFEC00  }
0x79: {  	[tilespmem:s31], [sflag:$0x7] =	stream.indirect.gather [hbm4b:s4+s15], $0x40, s12, s15, $0xb8;
	[tilespmem:$0x18C60] =	vst v63  }
0x7a: {  	_ =	swait.ge [sflag:s25], $0x1400  }
0x7b: {  	[sflag:s25] =	ssyncset.done $0x0  }
0x7c: {  	s5 =	simm.s32 $0xA00;
	s12 =	simm.s32 $0x4B0;
	[sflag:s25] =	ssyncadd.s32 $0xFFFFEC00  }
.LBB2_2:
0x7d: {  	[tilespmem:s2], [sflag:$0x8] =	stream.indirect.gather [hbm4b:s4+s15], $0x40, s12, s15, $0xb8;
	[tilespmem:$0x18C60] =	vst v63  }
0x7e: {  	s12 =	smov.u32 s5  }
0x7f: {  	p1 =	sne.s32 s5, $0x8200;
	s5 =	sadd.s32 $0xA00, s5;
	_ =	swait.ge [sflag:s11], $0x1400  }
0x80: {  	s12 =	sshra.s32 s12, $0x2;
	[sflag:s11] =	ssyncset.done $0x0  }
0x81: {  	s9 =	sadd.s32 $0x2710, s12;
	[sflag:s11] =	ssyncadd.s32 $0xFFFFEC00  }
0x82: {  	[spmem:s1] =	stream.indirect.scatter.add.f32 [tilespmem:s16], [sflag:$0x9], $0x40, s9, s15, $0xb8;
	[tilespmem:$0x18C60] =	vst v63  }
0x83: {  	_ =	swait.ge [sflag:s18], $0x1400  }
0x84: {  	[sflag:s18] =	ssyncset.done $0x0  }
0x85: {  	s9 =	sadd.s32 $0x2760, s12;
	[sflag:s18] =	ssyncadd.s32 $0xFFFFEC00  }
0x86: {  	[spmem:s1] =	stream.indirect.scatter.add.f32 [tilespmem:s17], [sflag:$0xA], $0x40, s9, s15, $0xb8;
	[tilespmem:$0x18C60] =	vst v63  }
0x87: {  	_ =	swait.ge [sflag:s20], $0x1400  }
0x88: {  	[sflag:s20] =	ssyncset.done $0x0  }
0x89: {  	s9 =	sadd.s32 $0x27B0, s12;
	[sflag:s20] =	ssyncadd.s32 $0xFFFFEC00  }
0x8a: {  	[spmem:s1] =	stream.indirect.scatter.add.f32 [tilespmem:s19], [sflag:$0xB], $0x40, s9, s15, $0xb8;
	[tilespmem:$0x18C60] =	vst v63  }
0x8b: {  	_ =	swait.ge [sflag:s22], $0x1400  }
0x8c: {  	[sflag:s22] =	ssyncset.done $0x0  }
0x8d: {  	s9 =	sadd.s32 $0x2800, s12;
	[sflag:s22] =	ssyncadd.s32 $0xFFFFEC00  }
0x8e: {  	[spmem:s1] =	stream.indirect.scatter.add.f32 [tilespmem:s21], [sflag:$0xC], $0x40, s9, s15, $0xb8;
	[tilespmem:$0x18C60] =	vst v63  }
0x8f: {  	_ =	swait.ge [sflag:s28], $0x1400  }
0x90: {  	[sflag:s28] =	ssyncset.done $0x0  }
0x91: {  	s9 =	sadd.s32 $0x2850, s12;
	[sflag:s28] =	ssyncadd.s32 $0xFFFFEC00  }
0x92: {  	[spmem:s1] =	stream.indirect.scatter.add.f32 [tilespmem:s26], [sflag:$0xD], $0x40, s9, s15, $0xb8;
	[tilespmem:$0x18C60] =	vst v63  }
0x93: {  	_ =	swait.ge [sflag:s30], $0x1400  }
0x94: {  	[sflag:s30] =	ssyncset.done $0x0  }
0x95: {  	s9 =	sadd.s32 $0x28A0, s12;
	[sflag:s30] =	ssyncadd.s32 $0xFFFFEC00  }
0x96: {  	[spmem:s1] =	stream.indirect.scatter.add.f32 [tilespmem:s29], [sflag:$0xE], $0x40, s9, s15, $0xb8;
	[tilespmem:$0x18C60] =	vst v63  }
0x97: {  	_ =	swait.ge [sflag:s0], $0x1400  }
0x98: {  	[sflag:s0] =	ssyncset.done $0x0  }
0x99: {  	s9 =	sadd.s32 $0x28F0, s12;
	[sflag:s0] =	ssyncadd.s32 $0xFFFFEC00  }
0x9a: {  	[spmem:s1] =	stream.indirect.scatter.add.f32 [tilespmem:s31], [sflag:$0xF], $0x40, s9, s15, $0xb8;
	[tilespmem:$0x18C60] =	vst v63  }
0x9b: {  	_ =	swait.ge [sflag:s6], $0x1400  }
0x9c: {  	[sflag:s6] =	ssyncset.done $0x0  }
0x9d: {  	s9 =	sadd.s32 $0x2940, s12;
	[sflag:s6] =	ssyncadd.s32 $0xFFFFEC00  }
0x9e: {  	[spmem:s1] =	stream.indirect.scatter.add.f32 [tilespmem:s2], [sflag:$0x10], $0x40, s9, s15, $0xb8;
	[tilespmem:$0x18C60] =	vst v63  }
0x9f: {  	_ =	swait.ge [sflag:s8], $0x1400  }
0xa0: {  	[sflag:s8] =	ssyncset.done $0x0  }
0xa1: {  	s9 =	sadd.s32 $0x280, s12;
	[sflag:s8] =	ssyncadd.s32 $0xFFFFEC00  }
0xa2: {  	[tilespmem:s16], [sflag:$0x1] =	stream.indirect.gather [hbm4b:s4+s15], $0x40, s9, s15, $0xb8;
	[tilespmem:$0x18C60] =	vst v63  }
0xa3: {  	_ =	swait.ge [sflag:s10], $0x1400  }
0xa4: {  	[sflag:s10] =	ssyncset.done $0x0  }
0xa5: {  	s9 =	sadd.s32 $0x2D0, s12;
	[sflag:s10] =	ssyncadd.s32 $0xFFFFEC00  }
0xa6: {  	[tilespmem:s17], [sflag:$0x2] =	stream.indirect.gather [hbm4b:s4+s15], $0x40, s9, s15, $0xb8;
	[tilespmem:$0x18C60] =	vst v63  }
0xa7: {  	_ =	swait.ge [sflag:s13], $0x1400  }
0xa8: {  	[sflag:s13] =	ssyncset.done $0x0  }
0xa9: {  	s9 =	sadd.s32 $0x320, s12;
	[sflag:s13] =	ssyncadd.s32 $0xFFFFEC00  }
0xaa: {  	[tilespmem:s19], [sflag:$0x3] =	stream.indirect.gather [hbm4b:s4+s15], $0x40, s9, s15, $0xb8;
	[tilespmem:$0x18C60] =	vst v63  }
0xab: {  	_ =	swait.ge [sflag:s14], $0x1400  }
0xac: {  	[sflag:s14] =	ssyncset.done $0x0  }
0xad: {  	s9 =	sadd.s32 $0x370, s12;
	[sflag:s14] =	ssyncadd.s32 $0xFFFFEC00  }
0xae: {  	[tilespmem:s21], [sflag:$0x4] =	stream.indirect.gather [hbm4b:s4+s15], $0x40, s9, s15, $0xb8;
	[tilespmem:$0x18C60] =	vst v63  }
0xaf: {  	_ =	swait.ge [sflag:s7], $0x1400  }
0xb0: {  	[sflag:s7] =	ssyncset.done $0x0  }
0xb1: {  	s9 =	sadd.s32 $0x3C0, s12;
	[sflag:s7] =	ssyncadd.s32 $0xFFFFEC00  }
0xb2: {  	[tilespmem:s26], [sflag:$0x5] =	stream.indirect.gather [hbm4b:s4+s15], $0x40, s9, s15, $0xb8;
	[tilespmem:$0x18C60] =	vst v63  }
0xb3: {  	_ =	swait.ge [sflag:s23], $0x1400  }
0xb4: {  	[sflag:s23] =	ssyncset.done $0x0  }
0xb5: {  	s9 =	sadd.s32 $0x410, s12;
	[sflag:s23] =	ssyncadd.s32 $0xFFFFEC00  }
0xb6: {  	[tilespmem:s29], [sflag:$0x6] =	stream.indirect.gather [hbm4b:s4+s15], $0x40, s9, s15, $0xb8;
	[tilespmem:$0x18C60] =	vst v63  }
0xb7: {  	_ =	swait.ge [sflag:s24], $0x1400  }
0xb8: {  	[sflag:s24] =	ssyncset.done $0x0  }
.Ltmp0:
0xb9: {  	s9 =	sadd.s32 $0x460, s12;
	[sflag:s24] =	ssyncadd.s32 $0xFFFFEC00;
	(pc) =	sbr.rel @p1 .LBB2_2-.Ltmp0, $4  }
0xba: {  	[tilespmem:s31], [sflag:$0x7] =	stream.indirect.gather [hbm4b:s4+s15], $0x40, s9, s15, $0xb8;
	[tilespmem:$0x18C60] =	vst v63  }
0xbb: {  	_ =	swait.ge [sflag:s25], $0x1400  }
0xbc: {  	[sflag:s25] =	ssyncset.done $0x0  }
0xbd: {  	s12 =	sadd.s32 $0x4B0, s12;
	[sflag:s25] =	ssyncadd.s32 $0xFFFFEC00  }
0xbe: {  	[tilespmem:s2], [sflag:$0x8] =	stream.indirect.gather [hbm4b:s4+s15], $0x40, s12, s15, $0xb8;
	[tilespmem:$0x18C60] =	vst v63  }
0xbf: {  	_ =	swait.ge [sflag:s11], $0x1400  }
0xc0: {  	[sflag:s11] =	ssyncset.done $0x0  }
0xc1: {  	s5 =	simm.s32 $0x4A10;
	[sflag:s11] =	ssyncadd.s32 $0xFFFFEC00  }
0xc2: {  	[spmem:s1] =	stream.indirect.scatter.add.f32 [tilespmem:s16], [sflag:$0x9], $0x40, s5, s15, $0xb8;
	[tilespmem:$0x18C60] =	vst v63  }
0xc3: {  	_ =	swait.ge [sflag:s18], $0x1400  }
0xc4: {  	[sflag:s18] =	ssyncset.done $0x0  }
0xc5: {  	s3 =	simm.s32 $0x4A60;
	[sflag:s18] =	ssyncadd.s32 $0xFFFFEC00  }
0xc6: {  	[spmem:s1] =	stream.indirect.scatter.add.f32 [tilespmem:s17], [sflag:$0xA], $0x40, s3, s15, $0xb8;
	[tilespmem:$0x18C60] =	vst v63  }
0xc7: {  	_ =	swait.ge [sflag:s20], $0x1400  }
0xc8: {  	[sflag:s20] =	ssyncset.done $0x0  }
0xc9: {  	s9 =	simm.s32 $0x4AB0;
	[sflag:s20] =	ssyncadd.s32 $0xFFFFEC00  }
0xca: {  	[spmem:s1] =	stream.indirect.scatter.add.f32 [tilespmem:s19], [sflag:$0xB], $0x40, s9, s15, $0xb8;
	[tilespmem:$0x18C60] =	vst v63  }
0xcb: {  	_ =	swait.ge [sflag:s22], $0x1400  }
0xcc: {  	[sflag:s22] =	ssyncset.done $0x0  }
0xcd: {  	s12 =	simm.s32 $0x4B00;
	[sflag:s22] =	ssyncadd.s32 $0xFFFFEC00  }
0xce: {  	[spmem:s1] =	stream.indirect.scatter.add.f32 [tilespmem:s21], [sflag:$0xC], $0x40, s12, s15, $0xb8;
	[tilespmem:$0x18C60] =	vst v63  }
0xcf: {  	_ =	swait.ge [sflag:s28], $0x1400  }
0xd0: {  	[sflag:s28] =	ssyncset.done $0x0  }
0xd1: {  	s3 =	simm.s32 $0x4B50;
	[sflag:s28] =	ssyncadd.s32 $0xFFFFEC00  }
0xd2: {  	[spmem:s1] =	stream.indirect.scatter.add.f32 [tilespmem:s26], [sflag:$0xD], $0x40, s3, s15, $0xb8;
	[tilespmem:$0x18C60] =	vst v63  }
0xd3: {  	_ =	swait.ge [sflag:s30], $0x1400  }
0xd4: {  	[sflag:s30] =	ssyncset.done $0x0  }
0xd5: {  	s9 =	simm.s32 $0x4BA0;
	[sflag:s30] =	ssyncadd.s32 $0xFFFFEC00  }
0xd6: {  	[spmem:s1] =	stream.indirect.scatter.add.f32 [tilespmem:s29], [sflag:$0xE], $0x40, s9, s15, $0xb8;
	[tilespmem:$0x18C60] =	vst v63  }
0xd7: {  	_ =	swait.ge [sflag:s0], $0x1400  }
0xd8: {  	[sflag:s0] =	ssyncset.done $0x0  }
0xd9: {  	s12 =	simm.s32 $0x4BF0;
	[sflag:s0] =	ssyncadd.s32 $0xFFFFEC00  }
0xda: {  	[spmem:s1] =	stream.indirect.scatter.add.f32 [tilespmem:s31], [sflag:$0xF], $0x40, s12, s15, $0xb8;
	[tilespmem:$0x18C60] =	vst v63  }
0xdb: {  	_ =	swait.ge [sflag:s6], $0x1400  }
0xdc: {  	[sflag:s6] =	ssyncset.done $0x0  }
0xdd: {  	s3 =	simm.s32 $0x4C40;
	[sflag:s6] =	ssyncadd.s32 $0xFFFFEC00  }
0xde: {  	[spmem:s1] =	stream.indirect.scatter.add.f32 [tilespmem:s2], [sflag:$0x10], $0x40, s3, s15, $0xb8;
	[tilespmem:$0x18C60] =	vst v63  }
0xdf: {  	_ =	swait.ge [sflag:s8], $0x1400  }
0xe0: {  	[sflag:s8] =	ssyncset.done $0x0  }
0xe1: {  	s9 =	simm.s32 $0x2580;
	[sflag:s8] =	ssyncadd.s32 $0xFFFFEC00  }
0xe2: {  	[tilespmem:s16], [sflag:$0x1] =	stream.indirect.gather [hbm4b:s4+s15], $0x40, s9, s15, $0xb8;
	[tilespmem:$0x18C60] =	vst v63  }
0xe3: {  	_ =	swait.ge [sflag:s10], $0x1400  }
0xe4: {  	[sflag:s10] =	ssyncset.done $0x0  }
0xe5: {  	s12 =	simm.s32 $0x25D0;
	[sflag:s10] =	ssyncadd.s32 $0xFFFFEC00  }
0xe6: {  	[tilespmem:s17], [sflag:$0x2] =	stream.indirect.gather [hbm4b:s4+s15], $0x40, s12, s15, $0xb8;
	[tilespmem:$0x18C60] =	vst v63  }
0xe7: {  	_ =	swait.ge [sflag:s13], $0x1400  }
0xe8: {  	[sflag:s13] =	ssyncset.done $0x0  }
0xe9: {  	s3 =	simm.s32 $0x2620;
	[sflag:s13] =	ssyncadd.s32 $0xFFFFEC00  }
0xea: {  	[tilespmem:s19], [sflag:$0x3] =	stream.indirect.gather [hbm4b:s4+s15], $0x40, s3, s15, $0xb8;
	[tilespmem:$0x18C60] =	vst v63  }
0xeb: {  	_ =	swait.ge [sflag:s14], $0x1400  }
0xec: {  	[sflag:s14] =	ssyncset.done $0x0  }
0xed: {  	s9 =	simm.s32 $0x2670;
	[sflag:s14] =	ssyncadd.s32 $0xFFFFEC00  }
0xee: {  	[tilespmem:s21], [sflag:$0x4] =	stream.indirect.gather [hbm4b:s4+s15], $0x40, s9, s15, $0xb8;
	[tilespmem:$0x18C60] =	vst v63  }
0xef: {  	_ =	swait.ge [sflag:s7], $0x1400  }
0xf0: {  	[sflag:s7] =	ssyncset.done $0x0  }
0xf1: {  	s12 =	simm.s32 $0x26C0;
	[sflag:s7] =	ssyncadd.s32 $0xFFFFEC00  }
0xf2: {  	[tilespmem:s26], [sflag:$0x5] =	stream.indirect.gather [hbm4b:s4+s15], $0x40, s12, s15, $0xb8;
	[tilespmem:$0x18C60] =	vst v63  }
0xf3: {  	_ =	swait.ge [sflag:s11], $0x1400  }
0xf4: {  	[sflag:s11] =	ssyncset.done $0x0  }
0xf5: {  	s3 =	simm.s32 $0x4C90;
	[sflag:s11] =	ssyncadd.s32 $0xFFFFEC00  }
0xf6: {  	[spmem:s1] =	stream.indirect.scatter.add.f32 [tilespmem:s16], [sflag:$0x9], $0x40, s3, s15, $0xb8;
	[tilespmem:$0x18C60] =	vst v63  }
0xf7: {  	_ =	swait.ge [sflag:s18], $0x1400  }
0xf8: {  	[sflag:s18] =	ssyncset.done $0x0  }
0xf9: {  	s9 =	simm.s32 $0x4CE0;
	[sflag:s18] =	ssyncadd.s32 $0xFFFFEC00  }
0xfa: {  	[spmem:s1] =	stream.indirect.scatter.add.f32 [tilespmem:s17], [sflag:$0xA], $0x40, s9, s15, $0xb8;
	[tilespmem:$0x18C60] =	vst v63  }
0xfb: {  	_ =	swait.ge [sflag:s20], $0x1400  }
0xfc: {  	[sflag:s20] =	ssyncset.done $0x0  }
0xfd: {  	s12 =	simm.s32 $0x4D30;
	[sflag:s20] =	ssyncadd.s32 $0xFFFFEC00  }
0xfe: {  	[spmem:s1] =	stream.indirect.scatter.add.f32 [tilespmem:s19], [sflag:$0xB], $0x40, s12, s15, $0xb8;
	[tilespmem:$0x18C60] =	vst v63  }
0xff: {  	_ =	swait.ge [sflag:s22], $0x1400  }
0x100: {  	[sflag:s22] =	ssyncset.done $0x0  }
0x101: {  	s3 =	simm.s32 $0x4D80;
	[sflag:s22] =	ssyncadd.s32 $0xFFFFEC00  }
0x102: {  	[spmem:s1] =	stream.indirect.scatter.add.f32 [tilespmem:s21], [sflag:$0xC], $0x40, s3, s15, $0xb8;
	[tilespmem:$0x18C60] =	vst v63  }
0x103: {  	_ =	swait.ge [sflag:s28], $0x1400  }
0x104: {  	[sflag:s28] =	ssyncset.done $0x0  }
0x105: {  	s9 =	simm.s32 $0x4DD0;
	[sflag:s28] =	ssyncadd.s32 $0xFFFFEC00  }
0x106: {  	[spmem:s1] =	stream.indirect.scatter.add.f32 [tilespmem:s26], [sflag:$0xD], $0x40, s9, s15, $0xb8;
	[tilespmem:$0x18C60] =	vst v63  }
0x107: {  	_ =	swait.ge [sflag:s8], $0x1400  }
0x108: {  	[sflag:s8] =	ssyncset.done $0x0  }
0x109: {  	[sflag:s8] =	ssyncadd.s32 $0xFFFFEC00  }
0x10a: {  	_ =	swait.ge [sflag:s10], $0x1400  }
0x10b: {  	[sflag:s10] =	ssyncset.done $0x0  }
0x10c: {  	[sflag:s10] =	ssyncadd.s32 $0xFFFFEC00  }
0x10d: {  	_ =	swait.ge [sflag:s13], $0x1400  }
0x10e: {  	[sflag:s13] =	ssyncset.done $0x0  }
0x10f: {  	[sflag:s13] =	ssyncadd.s32 $0xFFFFEC00  }
0x110: {  	_ =	swait.ge [sflag:s14], $0x1400  }
0x111: {  	[sflag:s14] =	ssyncset.done $0x0  }
0x112: {  	[sflag:s14] =	ssyncadd.s32 $0xFFFFEC00  }
0x113: {  	_ =	swait.ge [sflag:s7], $0x1400  }
0x114: {  	[sflag:s7] =	ssyncset.done $0x0  }
0x115: {  	[sflag:s7] =	ssyncadd.s32 $0xFFFFEC00  }
0x116: {  	_ =	swait.ge [sflag:s23], $0x1400  }
0x117: {  	[sflag:s23] =	ssyncset.done $0x0  }
0x118: {  	[sflag:s23] =	ssyncadd.s32 $0xFFFFEC00  }
0x119: {  	_ =	swait.ge [sflag:s24], $0x1400  }
0x11a: {  	[sflag:s24] =	ssyncset.done $0x0  }
0x11b: {  	[sflag:s24] =	ssyncadd.s32 $0xFFFFEC00  }
0x11c: {  	_ =	swait.ge [sflag:s25], $0x1400  }
0x11d: {  	[sflag:s25] =	ssyncset.done $0x0  }
0x11e: {  	[sflag:s25] =	ssyncadd.s32 $0xFFFFEC00  }
0x11f: {  	[bflag:$0x0] =	sbarrier.arrive $0xFFFF  }
0x120: {  	s12 =	rddreg [dreg:$0xa]  }
0x121: {  	s9 =	rddreg [dreg:$0xb]  }
0x122: {  	s3 =	rddreg [dreg:$0xe]  }
0x123: {  	[hbm:s12], [sflag:s3] =	dma.local [spmem:s9], $0x1380  }
0x124: {  	s12 =	simm.s32 $0x11  }
0x125: {  	_ =	swait.ge [sflag:s12], $0x1380  }
0x126: {  	[sflag:s12] =	ssyncset.done $0x0;
	s5 =	rddreg [dreg:$0x5]  }
0x127: {  	s9 =	rddreg [dreg:$0xc];
	[sflag:s12] =	ssyncadd.s32 $0xFFFFEC80;
	s5 =	sadd.s32 @!p0 $0x13800, s5  }
0x128: {  	[hbm:s5], [sflag:s3] =	dma.local @!p0 [spmem:s9], $0x80  }
0x129: {  	s5 =	simm.s32 @!p0 $0x11  }
0x12a: {  	_ =	swait.ge @!p0 [sflag:s5], $0x80  }
0x12b: {  	s9 =	rddreg [dreg:$0xd]  }
0x12c: {  	s3 =	sadd.s32 $0x1, s9;
	s9 =	rddreg [dreg:$0x6]  }
0x12d: {  	p1 =	sne.s32 s3, s9  }
.Ltmp1:
0x12e: {  	_ = 	snop;
	(pc) =	sbr.rel @p1 .LBB2_1-.Ltmp1, $3  }
0x12f: {  	_ =	sdelay $0x1  }
0x130: {  	[sflag:s5] =	ssyncset.done @!p0 $0x0  }
0x131: {  	[sflag:s5] =	ssyncadd.s32 @!p0 $0xFFFFFF80;
	[dreg:$0xd] =	wrdreg s3  }
0x132: {  	_ =	sfence.sel $0x180000  }
0x133: {  	[bflag:$0x0] =	sbarrier.arrive $0xFFFF  }
0x134: {  	_ =	strace $0x9000004D  }
0x135: {  	s0 =	stileid.u32;
	[bflag:$0x2] =	sbarrier.arrive $0xFFFF  }
0x136: {  	p0 =	sne.s32 s0, $0x0;
	s0 =	rddreg [dreg:$0x2]  }
0x137: {  	s0 =	sadd.s32 @!p0 $0x100000, s0  }
0x138: {  	[sflag:s0] =	ssyncadd.tile.s32 @!p0 $0x1;
	_ =	shalt  }
.Lfunc_end2:
_tile_overlayer_lowered:
.L_overlay_start_2:
0x139: {  	(tag) =	ssettag $0x2  }
0x13a: {  	s0 =	rddreg [dreg:$0x0];
	s2 =	stileid.u32  }
0x13b: {  	s1 =	rddreg [dreg:$0x1];
	p0 =	sne.s32 s2, $0x0  }
0x13c: {  	s3 =	rddreg [dreg:$0x2];
	[bflag:$0x3] =	sbarrier.arrive $0xFFFF;
	s2 =	simm.s32 @!p0 $0x1C11  }
0x13d: {  	[timem:s3], [sflag:s2] =	dma.local @!p0 [hbm:s0], s1  }
0x13e: {  	s0 =	simm.s32 @!p0 $0x11  }
0x13f: {  	_ =	swait.ge @!p0 [sflag:s0], s1  }
0x140: {  	s1 =	ssub.s32 @!p0 $0x0, s1;
	[sflag:s0] =	ssyncset.done @!p0 $0x0  }
0x141: {  	[sflag:s0] =	ssyncadd.s32 @!p0 s1  }
0x142: {  	[bflag:$0x3] =	sbarrier.arrive $0xFFFF  }
0x143: {  	_ =	shalt  }

</sc_bundles>
